<compile_context>
chip_gen: v7x
topology: tpu7x:2x2x1
jax: 0.10.2.dev20260603
libtpu: 0.0.44.dev20260713+nightly
codegen_flags: <defaults>
</compile_context>

<pallas_src>
import jax
import jax.numpy as jnp
from jax import lax
from jax.experimental import pallas as pl
from jax.experimental.pallas import tpu as pltpu
from jax.experimental.pallas import tpu_sc as plsc

B = 16384
D = 64
V = 1000000
NNEG = 20
L = 16
NC = 2
NS = 16
NW = NC * NS
WB = B // NW
GB = 32
NG = WB // GB
NROW_NEG = GB * NNEG
NCHUNK = NROW_NEG // 128
COLS = 1 + NNEG

NFULL = V // 128
VP = (NFULL + 1) * 128


def _tc_tr_body(x_ref, o_ref):
    x = x_ref[...]
    eye = jnp.eye(D, dtype=jnp.float32)
    xt = lax.dot_general(x, eye, (((0,), (0,)), ((), ())),
                         preferred_element_type=jnp.float32)
    o_ref[...] = jnp.concatenate([xt, jnp.zeros_like(xt)], axis=1)


def _tc_transpose(x):
    swt = 4096
    return pl.pallas_call(
        _tc_tr_body,
        grid=(VP // swt + 1,),
        in_specs=[pl.BlockSpec((D, swt), lambda j: (0, j))],
        out_specs=pl.BlockSpec((swt, 2 * D), lambda j: (j, 0)),
        out_shape=jax.ShapeDtypeStruct((VP, 2 * D), jnp.float32),
    )(x)


def _tr_body(ca, cout, ib0, ib1, ob0, ob1,
             si0, si1, so0, so1):
    wid = lax.axis_index("s") * NC + lax.axis_index("c")
    lane = lax.iota(jnp.int32, L)
    perm = [(lane + j) & (L - 1) for j in range(L)]
    SW = 256
    nvt = -(-VP // SW)
    ntask = nvt

    def stripe(tid):
        return pl.multiple_of(jnp.minimum(tid * SW, VP - SW), 128)

    def in_copies(src, tid, ib, sem):
        vm = stripe(tid)
        return [pltpu.make_async_copy(
            src.at[pl.ds(dt * 8, 8), pl.ds(vm, SW)],
            ib.at[pl.ds(dt * 8, 8), :], sem) for dt in range(D // 8)]

    def fire_in(tid, ib, sem):
        @pl.when(tid < ntask)
        def _():
            for cp in in_copies(ca, tid, ib, sem):
                cp.start()

    def wait_in(tid, ib, sem):
        @pl.when(tid < ntask)
        def _():
            for cp in in_copies(ca, tid, ib, sem):
                cp.wait()

    def out_copy(dst, tid, ob, sem):
        vm = stripe(tid)
        return pltpu.make_async_copy(ob, dst.at[pl.ds(vm * D, SW * D)], sem)

    def fire_out(tid, ob, sem):
        @pl.when(tid < ntask)
        def _():
            out_copy(cout, tid, ob, sem).start()

    def wait_out(tid, ob, sem):
        @pl.when((tid >= 0) & (tid < ntask))
        def _():
            out_copy(cout, tid, ob, sem).wait()

    def transpose_block(ib, ob):
        def tb(i, c):
            vb = i >> 2
            dg = i & 3
            sv = vb * L + lane
            svd = sv * D
            for j in range(L):
                dv = dg * L + perm[j]
                val = plsc.load_gather(ib, [dv, sv])
                plsc.store_scatter(ob, [svd + dv], val)
            return c

        lax.fori_loop(0, (SW // L) * (D // L), tb, 0)

    def slot(tid, ib, ob, sin, sin_next, ib_next, sout):
        fire_in(tid + NW, ib_next, sin_next)
        wait_in(tid, ib, sin)
        wait_out(tid - 2 * NW, ob, sout)
        transpose_block(ib, ob)
        fire_out(tid, ob, sout)

    fire_in(wid, ib0, si0)

    def pipe(m, c):
        t0 = wid + (2 * m) * NW
        slot(t0, ib0, ob0, si0, si1, ib1, so0)
        slot(t0 + NW, ib1, ob1, si1, si0, ib0, so1)
        return c

    nslots = -(-ntask // NW)
    lax.fori_loop(0, (nslots + 1) // 2, pipe, 0)
    last = wid + (2 * ((nslots + 1) // 2) - 2) * NW
    wait_out(last, ob0, so0)
    wait_out(last + NW, ob1, so1)


def _transpose_ctx(ctab_t):
    mesh = plsc.VectorSubcoreMesh(core_axis_name="c", subcore_axis_name="s")
    kern = pl.kernel(
        _tr_body,
        out_type=jax.ShapeDtypeStruct((VP * D,), jnp.float32),
        mesh=mesh,
        compiler_params=pltpu.CompilerParams(
            needs_layout_passes=False, use_tc_tiling_on_sc=True),
        scratch_types=[
            pltpu.VMEM((D, 256), jnp.float32),
            pltpu.VMEM((D, 256), jnp.float32),
            pltpu.VMEM((256 * D,), jnp.float32),
            pltpu.VMEM((256 * D,), jnp.float32),
            pltpu.SemaphoreType.DMA,
            pltpu.SemaphoreType.DMA,
            pltpu.SemaphoreType.DMA,
            pltpu.SemaphoreType.DMA,
        ],
    )
    return kern(ctab_t)


def _sc_body(tgt_idx, pos_idx, neg_idx, ttab, ctab, out,
             tix, pix, nix, tbuf, pbuf, nbuf, sbuf, sem):
    wid = lax.axis_index("s") * NC + lax.axis_index("c")
    pltpu.sync_copy(tgt_idx.at[wid], tix)
    pltpu.sync_copy(pos_idx.at[wid], pix)
    pltpu.sync_copy(neg_idx.at[wid], nix)
    lane = lax.iota(jnp.int32, L)
    zero = jnp.zeros((L,), jnp.float32)

    def group(g, carry):
        cps = [
            pltpu.async_copy(ttab.at[tix.at[g]], tbuf, sem),
            pltpu.async_copy(ctab.at[pix.at[g]], pbuf, sem),
        ]
        for j in range(NCHUNK):
            cps.append(pltpu.async_copy(
                ctab.at[nix.at[g, j]], nbuf.at[pl.ds(j * 128, 128)], sem))
        for cp in cps:
            cp.wait()

        def zbody(i, c):
            sbuf[pl.ds(i * L, L)] = zero
            return c

        lax.fori_loop(GB // L, COLS * GB // L, zbody, 0)

        def lsbody(ls, c):
            lb = lane + ls * L
            lb_neg = lb * NNEG

            def dbody(dblk, pos_acc):
                cols = [dblk * L + ((lane + dd) & (L - 1))
                        for dd in range(L)]
                tv = [plsc.load_gather(tbuf, [lb, cols[dd]])
                      for dd in range(L)]
                for dd in range(L):
                    pos_acc = pos_acc + tv[dd] * plsc.load_gather(
                        pbuf, [lb, cols[dd]])

                def nbody(n, c2, _tv=tv, _cols=cols):
                    rows = lb_neg + n
                    acc = _tv[0] * plsc.load_gather(nbuf, [rows, _cols[0]])
                    for dd in range(1, L):
                        acc = acc + _tv[dd] * plsc.load_gather(
                            nbuf, [rows, _cols[dd]])
                    plsc.addupdate(
                        sbuf.at[pl.ds((1 + n) * GB + ls * L, L)], acc)
                    return c2

                lax.fori_loop(0, NNEG, nbody, 0)
                return pos_acc

            pos_acc = lax.fori_loop(0, D // L, dbody, zero)
            sbuf[pl.ds(ls * L, L)] = -pos_acc
            return c

        lax.fori_loop(0, GB // L, lsbody, 0)

        pltpu.sync_copy(sbuf, out.at[wid, g])
        return carry

    lax.fori_loop(0, NG, group, 0)


def _sc_scores(tgt_idx, pos_idx, neg_idx, ttab, ctab):
    mesh = plsc.VectorSubcoreMesh(core_axis_name="c", subcore_axis_name="s")
    kern = pl.kernel(
        _sc_body,
        out_type=jax.ShapeDtypeStruct((NW, NG, COLS * GB), jnp.float32),
        mesh=mesh,
        compiler_params=pltpu.CompilerParams(
            needs_layout_passes=False, use_tc_tiling_on_sc=False),
        scratch_types=[
            pltpu.VMEM((NG, GB), jnp.int32),
            pltpu.VMEM((NG, GB), jnp.int32),
            pltpu.VMEM((NG, NCHUNK, 128), jnp.int32),
            pltpu.VMEM((GB, 2 * D), jnp.float32),
            pltpu.VMEM((GB, D), jnp.float32),
            pltpu.VMEM((NROW_NEG, D), jnp.float32),
            pltpu.VMEM((COLS * GB,), jnp.float32),
            pltpu.SemaphoreType.DMA,
        ],
    )
    return kern(tgt_idx, pos_idx, neg_idx, ttab, ctab)


def _tc_loss_body(s_ref, o_ref):
    x = s_ref[...]
    sp = jnp.maximum(x, 0.0) + jnp.log1p(jnp.exp(-jnp.abs(x)))
    o_ref[0, 0] = jnp.sum(sp) * (1.0 / B)


def _tc_loss(scores2d):
    return pl.pallas_call(
        _tc_loss_body,
        out_shape=jax.ShapeDtypeStruct((1, 1), jnp.float32),
        out_specs=pl.BlockSpec(memory_space=pltpu.SMEM),
    )(scores2d)


def kernel(target, positive, negatives, target_table, context_table):
    tgt = target.astype(jnp.int32).reshape(NW, NG, GB)
    pos = positive.astype(jnp.int32).reshape(NW, NG, GB)
    neg = negatives.astype(jnp.int32).reshape(NW, NG, NCHUNK, 128)
    tlin = _tc_transpose(target_table.T)
    clin = _transpose_ctx(context_table.T)
    scores = _sc_scores(tgt, pos, neg,
                        tlin.reshape(-1).reshape(VP, 2 * D),
                        clin.reshape(VP, D))
    loss = _tc_loss(scores.reshape(B * COLS // 128, 128))
    return loss[0, 0]

# --- scband reference (transcript-rebuilt; emitter-appended) ---
"""Pipeline reference for scband-cow2-vec-model-12876311953408 (READ-ONLY COPY).

The authoritative reference and input builder live on the scoring server;
editing this copy changes nothing except your own understanding.
"""

import jax, jax.numpy as jnp
import numpy as np

VOCAB = 1000000
DIM = 64
BATCH = 16384
NNEG = 20


def setup_inputs(seed: int = 0) -> dict:
    key = jax.random.key(seed)
    k1, k2, k3, k4, k5 = jax.random.split(key, 5)
    target = jax.random.randint(k1, (BATCH,), 0, VOCAB, dtype=jnp.int64 if jax.config.jax_enable_x64 else jnp.int32)
    positive = jax.random.randint(k2, (BATCH,), 0, VOCAB, dtype=jnp.int64 if jax.config.jax_enable_x64 else jnp.int32)
    negatives = jax.random.randint(k3, (BATCH, NNEG), 0, VOCAB, dtype=jnp.int64 if jax.config.jax_enable_x64 else jnp.int32)
    init_range = 0.5 / DIM
    target_table = jax.random.uniform(k4, (VOCAB, DIM), dtype=jnp.float32, minval=-init_range, maxval=init_range)
    context_table = jax.random.uniform(k5, (VOCAB, DIM), dtype=jnp.float32, minval=-init_range, maxval=init_range)
    return {"target": target, "positive": positive, "negatives": negatives,
            "target_table": target_table, "context_table": context_table}


def reference(target, positive, negatives, target_table, context_table):
    # Embedding lookups (gather)
    target_embed = jnp.take(target_table, target, axis=0)            # [B, D]
    positive_embed = jnp.take(context_table, positive, axis=0)       # [B, D]
    negative_embed = jnp.take(context_table, negatives, axis=0)      # [B, N, D]

    # Positive score / loss
    positive_score = jnp.sum(target_embed * positive_embed, axis=1)  # [B]
    positive_loss = -jnp.log(jax.nn.sigmoid(positive_score))         # [B]

    # Negative scores via batched matmul: [B, N, D] x [B, D, 1] -> [B, N]
    negative_scores = jnp.einsum('bnd,bd->bn', negative_embed, target_embed)
    negative_loss = -jnp.sum(jnp.log(jax.nn.sigmoid(-negative_scores)), axis=1)  # [B]

    loss = jnp.mean(positive_loss + negative_loss)
    return loss

if __name__ == "__main__":
    import jax
    _d = setup_inputs()
    print(jax.jit(kernel)(*tuple(_d.values())))

</pallas_src>

<mosaic_0001>
#map = affine_map<(d0, d1) -> (0, 0)>
#map1 = affine_map<(d0, d1) -> (0)>
module attributes {stable_mosaic.version = 14 : i64} {
  func.func @_tr_body(%arg0: i32, %arg1: i32, %arg2: memref<64x1000000xf32, #tpu.memory_space<hbm>>, %arg3: memref<64004096xf32, #tpu.memory_space<hbm>>, %arg4: memref<64x256xf32, #tpu.memory_space<vmem>>, %arg5: memref<64x256xf32, #tpu.memory_space<vmem>>, %arg6: memref<16384xf32, #tpu.memory_space<vmem>>, %arg7: memref<16384xf32, #tpu.memory_space<vmem>>, %arg8: memref<!tpu.dma_semaphore, #tpu.memory_space<semaphore_mem>>, %arg9: memref<!tpu.dma_semaphore, #tpu.memory_space<semaphore_mem>>, %arg10: memref<!tpu.dma_semaphore, #tpu.memory_space<semaphore_mem>>, %arg11: memref<!tpu.dma_semaphore, #tpu.memory_space<semaphore_mem>>) attributes {dimension_semantics = [#tpu.dimension_semantics<core_parallel>, #tpu.dimension_semantics<subcore_parallel>], iteration_bounds = array<i64: 2, 16>, scalar_prefetch = 0 : i64, scratch_operands = 8 : i64, tpu.core_type = #tpu.core_type<sc_vector_subcore>, window_params = [{transform_indices = #map}, {transform_indices = #map1}]} {
    %mul3A = arith.constant 2 : i32
    %mul3A_0 = arith.muli %arg1, %mul3A : i32
    %add3A = arith.addi %mul3A_0, %arg0 : i32
    %iota3A = tpu.iota {dimensions = array<i32: 0>} : vector<16xi32>
    %add3A_1 = arith.constant 0 : i32
    %add3A_2 = vector.broadcast %add3A_1 : i32 to vector<16xi32>
    %add3A_3 = arith.addi %iota3A, %add3A_2 : vector<16xi32>
    %and3A = arith.constant 15 : i32
    %and3A_4 = vector.broadcast %and3A : i32 to vector<16xi32>
    %and3A_5 = arith.andi %add3A_3, %and3A_4 : vector<16xi32>
    %add3A_6 = arith.constant 1 : i32
    %add3A_7 = vector.broadcast %add3A_6 : i32 to vector<16xi32>
    %add3A_8 = arith.addi %iota3A, %add3A_7 : vector<16xi32>
    %and3A_9 = arith.constant 15 : i32
    %and3A_10 = vector.broadcast %and3A_9 : i32 to vector<16xi32>
    %and3A_11 = arith.andi %add3A_8, %and3A_10 : vector<16xi32>
    %add3A_12 = arith.constant 2 : i32
    %add3A_13 = vector.broadcast %add3A_12 : i32 to vector<16xi32>
    %add3A_14 = arith.addi %iota3A, %add3A_13 : vector<16xi32>
    %and3A_15 = arith.constant 15 : i32
    %and3A_16 = vector.broadcast %and3A_15 : i32 to vector<16xi32>
    %and3A_17 = arith.andi %add3A_14, %and3A_16 : vector<16xi32>
    %add3A_18 = arith.constant 3 : i32
    %add3A_19 = vector.broadcast %add3A_18 : i32 to vector<16xi32>
    %add3A_20 = arith.addi %iota3A, %add3A_19 : vector<16xi32>
    %and3A_21 = arith.constant 15 : i32
    %and3A_22 = vector.broadcast %and3A_21 : i32 to vector<16xi32>
    %and3A_23 = arith.andi %add3A_20, %and3A_22 : vector<16xi32>
    %add3A_24 = arith.constant 4 : i32
    %add3A_25 = vector.broadcast %add3A_24 : i32 to vector<16xi32>
    %add3A_26 = arith.addi %iota3A, %add3A_25 : vector<16xi32>
    %and3A_27 = arith.constant 15 : i32
    %and3A_28 = vector.broadcast %and3A_27 : i32 to vector<16xi32>
    %and3A_29 = arith.andi %add3A_26, %and3A_28 : vector<16xi32>
    %add3A_30 = arith.constant 5 : i32
    %add3A_31 = vector.broadcast %add3A_30 : i32 to vector<16xi32>
    %add3A_32 = arith.addi %iota3A, %add3A_31 : vector<16xi32>
    %and3A_33 = arith.constant 15 : i32
    %and3A_34 = vector.broadcast %and3A_33 : i32 to vector<16xi32>
    %and3A_35 = arith.andi %add3A_32, %and3A_34 : vector<16xi32>
    %add3A_36 = arith.constant 6 : i32
    %add3A_37 = vector.broadcast %add3A_36 : i32 to vector<16xi32>
    %add3A_38 = arith.addi %iota3A, %add3A_37 : vector<16xi32>
    %and3A_39 = arith.constant 15 : i32
    %and3A_40 = vector.broadcast %and3A_39 : i32 to vector<16xi32>
    %and3A_41 = arith.andi %add3A_38, %and3A_40 : vector<16xi32>
    %add3A_42 = arith.constant 7 : i32
    %add3A_43 = vector.broadcast %add3A_42 : i32 to vector<16xi32>
    %add3A_44 = arith.addi %iota3A, %add3A_43 : vector<16xi32>
    %and3A_45 = arith.constant 15 : i32
    %and3A_46 = vector.broadcast %and3A_45 : i32 to vector<16xi32>
    %and3A_47 = arith.andi %add3A_44, %and3A_46 : vector<16xi32>
    %add3A_48 = arith.constant 8 : i32
    %add3A_49 = vector.broadcast %add3A_48 : i32 to vector<16xi32>
    %add3A_50 = arith.addi %iota3A, %add3A_49 : vector<16xi32>
    %and3A_51 = arith.constant 15 : i32
    %and3A_52 = vector.broadcast %and3A_51 : i32 to vector<16xi32>
    %and3A_53 = arith.andi %add3A_50, %and3A_52 : vector<16xi32>
    %add3A_54 = arith.constant 9 : i32
    %add3A_55 = vector.broadcast %add3A_54 : i32 to vector<16xi32>
    %add3A_56 = arith.addi %iota3A, %add3A_55 : vector<16xi32>
    %and3A_57 = arith.constant 15 : i32
    %and3A_58 = vector.broadcast %and3A_57 : i32 to vector<16xi32>
    %and3A_59 = arith.andi %add3A_56, %and3A_58 : vector<16xi32>
    %add3A_60 = arith.constant 10 : i32
    %add3A_61 = vector.broadcast %add3A_60 : i32 to vector<16xi32>
    %add3A_62 = arith.addi %iota3A, %add3A_61 : vector<16xi32>
    %and3A_63 = arith.constant 15 : i32
    %and3A_64 = vector.broadcast %and3A_63 : i32 to vector<16xi32>
    %and3A_65 = arith.andi %add3A_62, %and3A_64 : vector<16xi32>
    %add3A_66 = arith.constant 11 : i32
    %add3A_67 = vector.broadcast %add3A_66 : i32 to vector<16xi32>
    %add3A_68 = arith.addi %iota3A, %add3A_67 : vector<16xi32>
    %and3A_69 = arith.constant 15 : i32
    %and3A_70 = vector.broadcast %and3A_69 : i32 to vector<16xi32>
    %and3A_71 = arith.andi %add3A_68, %and3A_70 : vector<16xi32>
    %add3A_72 = arith.constant 12 : i32
    %add3A_73 = vector.broadcast %add3A_72 : i32 to vector<16xi32>
    %add3A_74 = arith.addi %iota3A, %add3A_73 : vector<16xi32>
    %and3A_75 = arith.constant 15 : i32
    %and3A_76 = vector.broadcast %and3A_75 : i32 to vector<16xi32>
    %and3A_77 = arith.andi %add3A_74, %and3A_76 : vector<16xi32>
    %add3A_78 = arith.constant 13 : i32
    %add3A_79 = vector.broadcast %add3A_78 : i32 to vector<16xi32>
    %add3A_80 = arith.addi %iota3A, %add3A_79 : vector<16xi32>
    %and3A_81 = arith.constant 15 : i32
    %and3A_82 = vector.broadcast %and3A_81 : i32 to vector<16xi32>
    %and3A_83 = arith.andi %add3A_80, %and3A_82 : vector<16xi32>
    %add3A_84 = arith.constant 14 : i32
    %add3A_85 = vector.broadcast %add3A_84 : i32 to vector<16xi32>
    %add3A_86 = arith.addi %iota3A, %add3A_85 : vector<16xi32>
    %and3A_87 = arith.constant 15 : i32
    %and3A_88 = vector.broadcast %and3A_87 : i32 to vector<16xi32>
    %and3A_89 = arith.andi %add3A_86, %and3A_88 : vector<16xi32>
    %add3A_90 = arith.constant 15 : i32
    %add3A_91 = vector.broadcast %add3A_90 : i32 to vector<16xi32>
    %add3A_92 = arith.addi %iota3A, %add3A_91 : vector<16xi32>
    %and3A_93 = arith.constant 15 : i32
    %and3A_94 = vector.broadcast %and3A_93 : i32 to vector<16xi32>
    %and3A_95 = arith.andi %add3A_92, %and3A_94 : vector<16xi32>
    %lt3A = arith.constant 3907 : i32
    %lt3A_96 = arith.cmpi slt, %add3A, %lt3A : i32
    %convert_element_type3A = arith.extui %lt3A_96 : i1 to i32
    %cond3A = arith.constant 0 : i32
    %cond3A_97 = arith.cmpi ne, %convert_element_type3A, %cond3A : i32
    scf.if %cond3A_97 {
      %mul3A_122 = arith.constant 256 : i32
      %mul3A_123 = arith.muli %add3A, %mul3A_122 : i32
      %min3A = arith.constant 999808 : i32
      %min3A_124 = arith.minsi %mul3A_123, %min3A : i32
      %multiple_of3A = tpu.assume_multiple %min3A_124, 128 : i32
      %dma_start3A = arith.constant 0 : i32
      %dma_start3A_125 = arith.constant 0 : i32
      %dma_start3A_126 = tpu.memref_slice %arg4[%dma_start3A, %dma_start3A_125] : memref<64x256xf32, #tpu.memory_space<vmem>> -> memref<8x256xf32, #tpu.memory_space<vmem>>
      %dma_start3A_127 = arith.constant 0 : i32
      %dma_start3A_128 = tpu.memref_slice %arg2[%dma_start3A_127, %multiple_of3A] : memref<64x1000000xf32, #tpu.memory_space<hbm>> -> memref<8x256xf32, #tpu.memory_space<hbm>>
      %dma_start3A_129 = arith.constant 0 : i32
      %dma_start3A_130 = arith.constant 0 : i32
      %dma_start3A_131 = tpu.memref_slice %arg4[%dma_start3A_129, %dma_start3A_130] : memref<64x256xf32, #tpu.memory_space<vmem>> -> memref<8x256xf32, #tpu.memory_space<vmem>>
      %dma_start3A_132 = arith.constant 0 : i32
      %dma_start3A_133 = tpu.memref_slice %arg2[%dma_start3A_132, %multiple_of3A] : memref<64x1000000xf32, #tpu.memory_space<hbm>> -> memref<8x256xf32, #tpu.memory_space<hbm>>
      tpu.enqueue_dma source(%dma_start3A_133 : memref<8x256xf32, #tpu.memory_space<hbm>>) target(%dma_start3A_131 : memref<8x256xf32, #tpu.memory_space<vmem>>) target_semaphore(%arg8 : memref<!tpu.dma_semaphore, #tpu.memory_space<semaphore_mem>>)
      %dma_start3A_134 = arith.constant 8 : i32
      %dma_start3A_135 = arith.constant 0 : i32
      %dma_start3A_136 = tpu.memref_slice %arg4[%dma_start3A_134, %dma_start3A_135] : memref<64x256xf32, #tpu.memory_space<vmem>> -> memref<8x256xf32, #tpu.memory_space<vmem>>
      %dma_start3A_137 = arith.constant 8 : i32
      %dma_start3A_138 = tpu.memref_slice %arg2[%dma_start3A_137, %multiple_of3A] : memref<64x1000000xf32, #tpu.memory_space<hbm>> -> memref<8x256xf32, #tpu.memory_space<hbm>>
      %dma_start3A_139 = arith.constant 8 : i32
      %dma_start3A_140 = arith.constant 0 : i32
      %dma_start3A_141 = tpu.memref_slice %arg4[%dma_start3A_139, %dma_start3A_140] : memref<64x256xf32, #tpu.memory_space<vmem>> -> memref<8x256xf32, #tpu.memory_space<vmem>>
      %dma_start3A_142 = arith.constant 8 : i32
      %dma_start3A_143 = tpu.memref_slice %arg2[%dma_start3A_142, %multiple_of3A] : memref<64x1000000xf32, #tpu.memory_space<hbm>> -> memref<8x256xf32, #tpu.memory_space<hbm>>
      tpu.enqueue_dma source(%dma_start3A_143 : memref<8x256xf32, #tpu.memory_space<hbm>>) target(%dma_start3A_141 : memref<8x256xf32, #tpu.memory_space<vmem>>) target_semaphore(%arg8 : memref<!tpu.dma_semaphore, #tpu.memory_space<semaphore_mem>>)
      %dma_start3A_144 = arith.constant 16 : i32
      %dma_start3A_145 = arith.constant 0 : i32
      %dma_start3A_146 = tpu.memref_slice %arg4[%dma_start3A_144, %dma_start3A_145] : memref<64x256xf32, #tpu.memory_space<vmem>> -> memref<8x256xf32, #tpu.memory_space<vmem>>
      %dma_start3A_147 = arith.constant 16 : i32
      %dma_start3A_148 = tpu.memref_slice %arg2[%dma_start3A_147, %multiple_of3A] : memref<64x1000000xf32, #tpu.memory_space<hbm>> -> memref<8x256xf32, #tpu.memory_space<hbm>>
      %dma_start3A_149 = arith.constant 16 : i32
      %dma_start3A_150 = arith.constant 0 : i32
      %dma_start3A_151 = tpu.memref_slice %arg4[%dma_start3A_149, %dma_start3A_150] : memref<64x256xf32, #tpu.memory_space<vmem>> -> memref<8x256xf32, #tpu.memory_space<vmem>>
      %dma_start3A_152 = arith.constant 16 : i32
      %dma_start3A_153 = tpu.memref_slice %arg2[%dma_start3A_152, %multiple_of3A] : memref<64x1000000xf32, #tpu.memory_space<hbm>> -> memref<8x256xf32, #tpu.memory_space<hbm>>
      tpu.enqueue_dma source(%dma_start3A_153 : memref<8x256xf32, #tpu.memory_space<hbm>>) target(%dma_start3A_151 : memref<8x256xf32, #tpu.memory_space<vmem>>) target_semaphore(%arg8 : memref<!tpu.dma_semaphore, #tpu.memory_space<semaphore_mem>>)
      %dma_start3A_154 = arith.constant 24 : i32
      %dma_start3A_155 = arith.constant 0 : i32
      %dma_start3A_156 = tpu.memref_slice %arg4[%dma_start3A_154, %dma_start3A_155] : memref<64x256xf32, #tpu.memory_space<vmem>> -> memref<8x256xf32, #tpu.memory_space<vmem>>
      %dma_start3A_157 = arith.constant 24 : i32
      %dma_start3A_158 = tpu.memref_slice %arg2[%dma_start3A_157, %multiple_of3A] : memref<64x1000000xf32, #tpu.memory_space<hbm>> -> memref<8x256xf32, #tpu.memory_space<hbm>>
      %dma_start3A_159 = arith.constant 24 : i32
      %dma_start3A_160 = arith.constant 0 : i32
      %dma_start3A_161 = tpu.memref_slice %arg4[%dma_start3A_159, %dma_start3A_160] : memref<64x256xf32, #tpu.memory_space<vmem>> -> memref<8x256xf32, #tpu.memory_space<vmem>>
      %dma_start3A_162 = arith.constant 24 : i32
      %dma_start3A_163 = tpu.memref_slice %arg2[%dma_start3A_162, %multiple_of3A] : memref<64x1000000xf32, #tpu.memory_space<hbm>> -> memref<8x256xf32, #tpu.memory_space<hbm>>
      tpu.enqueue_dma source(%dma_start3A_163 : memref<8x256xf32, #tpu.memory_space<hbm>>) target(%dma_start3A_161 : memref<8x256xf32, #tpu.memory_space<vmem>>) target_semaphore(%arg8 : memref<!tpu.dma_semaphore, #tpu.memory_space<semaphore_mem>>)
      %dma_start3A_164 = arith.constant 32 : i32
      %dma_start3A_165 = arith.constant 0 : i32
      %dma_start3A_166 = tpu.memref_slice %arg4[%dma_start3A_164, %dma_start3A_165] : memref<64x256xf32, #tpu.memory_space<vmem>> -> memref<8x256xf32, #tpu.memory_space<vmem>>
      %dma_start3A_167 = arith.constant 32 : i32
      %dma_start3A_168 = tpu.memref_slice %arg2[%dma_start3A_167, %multiple_of3A] : memref<64x1000000xf32, #tpu.memory_space<hbm>> -> memref<8x256xf32, #tpu.memory_space<hbm>>
      %dma_start3A_169 = arith.constant 32 : i32
      %dma_start3A_170 = arith.constant 0 : i32
      %dma_start3A_171 = tpu.memref_slice %arg4[%dma_start3A_169, %dma_start3A_170] : memref<64x256xf32, #tpu.memory_space<vmem>> -> memref<8x256xf32, #tpu.memory_space<vmem>>
      %dma_start3A_172 = arith.constant 32 : i32
      %dma_start3A_173 = tpu.memref_slice %arg2[%dma_start3A_172, %multiple_of3A] : memref<64x1000000xf32, #tpu.memory_space<hbm>> -> memref<8x256xf32, #tpu.memory_space<hbm>>
      tpu.enqueue_dma source(%dma_start3A_173 : memref<8x256xf32, #tpu.memory_space<hbm>>) target(%dma_start3A_171 : memref<8x256xf32, #tpu.memory_space<vmem>>) target_semaphore(%arg8 : memref<!tpu.dma_semaphore, #tpu.memory_space<semaphore_mem>>)
      %dma_start3A_174 = arith.constant 40 : i32
      %dma_start3A_175 = arith.constant 0 : i32
      %dma_start3A_176 = tpu.memref_slice %arg4[%dma_start3A_174, %dma_start3A_175] : memref<64x256xf32, #tpu.memory_space<vmem>> -> memref<8x256xf32, #tpu.memory_space<vmem>>
      %dma_start3A_177 = arith.constant 40 : i32
      %dma_start3A_178 = tpu.memref_slice %arg2[%dma_start3A_177, %multiple_of3A] : memref<64x1000000xf32, #tpu.memory_space<hbm>> -> memref<8x256xf32, #tpu.memory_space<hbm>>
      %dma_start3A_179 = arith.constant 40 : i32
      %dma_start3A_180 = arith.constant 0 : i32
      %dma_start3A_181 = tpu.memref_slice %arg4[%dma_start3A_179, %dma_start3A_180] : memref<64x256xf32, #tpu.memory_space<vmem>> -> memref<8x256xf32, #tpu.memory_space<vmem>>
      %dma_start3A_182 = arith.constant 40 : i32
      %dma_start3A_183 = tpu.memref_slice %arg2[%dma_start3A_182, %multiple_of3A] : memref<64x1000000xf32, #tpu.memory_space<hbm>> -> memref<8x256xf32, #tpu.memory_space<hbm>>
      tpu.enqueue_dma source(%dma_start3A_183 : memref<8x256xf32, #tpu.memory_space<hbm>>) target(%dma_start3A_181 : memref<8x256xf32, #tpu.memory_space<vmem>>) target_semaphore(%arg8 : memref<!tpu.dma_semaphore, #tpu.memory_space<semaphore_mem>>)
      %dma_start3A_184 = arith.constant 48 : i32
      %dma_start3A_185 = arith.constant 0 : i32
      %dma_start3A_186 = tpu.memref_slice %arg4[%dma_start3A_184, %dma_start3A_185] : memref<64x256xf32, #tpu.memory_space<vmem>> -> memref<8x256xf32, #tpu.memory_space<vmem>>
      %dma_start3A_187 = arith.constant 48 : i32
      %dma_start3A_188 = tpu.memref_slice %arg2[%dma_start3A_187, %multiple_of3A] : memref<64x1000000xf32, #tpu.memory_space<hbm>> -> memref<8x256xf32, #tpu.memory_space<hbm>>
      %dma_start3A_189 = arith.constant 48 : i32
      %dma_start3A_190 = arith.constant 0 : i32
      %dma_start3A_191 = tpu.memref_slice %arg4[%dma_start3A_189, %dma_start3A_190] : memref<64x256xf32, #tpu.memory_space<vmem>> -> memref<8x256xf32, #tpu.memory_space<vmem>>
      %dma_start3A_192 = arith.constant 48 : i32
      %dma_start3A_193 = tpu.memref_slice %arg2[%dma_start3A_192, %multiple_of3A] : memref<64x1000000xf32, #tpu.memory_space<hbm>> -> memref<8x256xf32, #tpu.memory_space<hbm>>
      tpu.enqueue_dma source(%dma_start3A_193 : memref<8x256xf32, #tpu.memory_space<hbm>>) target(%dma_start3A_191 : memref<8x256xf32, #tpu.memory_space<vmem>>) target_semaphore(%arg8 : memref<!tpu.dma_semaphore, #tpu.memory_space<semaphore_mem>>)
      %dma_start3A_194 = arith.constant 56 : i32
      %dma_start3A_195 = arith.constant 0 : i32
      %dma_start3A_196 = tpu.memref_slice %arg4[%dma_start3A_194, %dma_start3A_195] : memref<64x256xf32, #tpu.memory_space<vmem>> -> memref<8x256xf32, #tpu.memory_space<vmem>>
      %dma_start3A_197 = arith.constant 56 : i32
      %dma_start3A_198 = tpu.memref_slice %arg2[%dma_start3A_197, %multiple_of3A] : memref<64x1000000xf32, #tpu.memory_space<hbm>> -> memref<8x256xf32, #tpu.memory_space<hbm>>
      %dma_start3A_199 = arith.constant 56 : i32
      %dma_start3A_200 = arith.constant 0 : i32
      %dma_start3A_201 = tpu.memref_slice %arg4[%dma_start3A_199, %dma_start3A_200] : memref<64x256xf32, #tpu.memory_space<vmem>> -> memref<8x256xf32, #tpu.memory_space<vmem>>
      %dma_start3A_202 = arith.constant 56 : i32
      %dma_start3A_203 = tpu.memref_slice %arg2[%dma_start3A_202, %multiple_of3A] : memref<64x1000000xf32, #tpu.memory_space<hbm>> -> memref<8x256xf32, #tpu.memory_space<hbm>>
      tpu.enqueue_dma source(%dma_start3A_203 : memref<8x256xf32, #tpu.memory_space<hbm>>) target(%dma_start3A_201 : memref<8x256xf32, #tpu.memory_space<vmem>>) target_semaphore(%arg8 : memref<!tpu.dma_semaphore, #tpu.memory_space<semaphore_mem>>)
    } else {
    }
    %scan3A = arith.constant 0 : i32
    %scan3A_98 = arith.constant 0 : i32
    %scan3A_99 = arith.constant 62 : i32
    %scan3A_100 = arith.addi %scan3A_98, %scan3A_99 : i32
    %scan3A_101 = arith.constant 1 : i32
    scf.for %scan3A_122 = %scan3A_98 to %scan3A_100 step %scan3A_101  : i32 {
      %mul3A_123 = arith.constant 2 : i32
      %mul3A_124 = arith.muli %mul3A_123, %scan3A_122 : i32
      %mul3A_125 = arith.constant 32 : i32
      %mul3A_126 = arith.muli %mul3A_124, %mul3A_125 : i32
      %add3A_127 = arith.addi %add3A, %mul3A_126 : i32
      %add3A_128 = arith.constant 32 : i32
      %add3A_129 = arith.addi %add3A_127, %add3A_128 : i32
      %lt3A_130 = arith.constant 3907 : i32
      %lt3A_131 = arith.cmpi slt, %add3A_129, %lt3A_130 : i32
      %convert_element_type3A_132 = arith.extui %lt3A_131 : i1 to i32
      %cond3A_133 = arith.constant 0 : i32
      %cond3A_134 = arith.cmpi ne, %convert_element_type3A_132, %cond3A_133 : i32
      scf.if %cond3A_134 {
        %mul3A_195 = arith.constant 256 : i32
        %mul3A_196 = arith.muli %add3A_129, %mul3A_195 : i32
        %min3A = arith.constant 999808 : i32
        %min3A_197 = arith.minsi %mul3A_196, %min3A : i32
        %multiple_of3A = tpu.assume_multiple %min3A_197, 128 : i32
        %dma_start3A = arith.constant 0 : i32
        %dma_start3A_198 = arith.constant 0 : i32
        %dma_start3A_199 = tpu.memref_slice %arg5[%dma_start3A, %dma_start3A_198] : memref<64x256xf32, #tpu.memory_space<vmem>> -> memref<8x256xf32, #tpu.memory_space<vmem>>
        %dma_start3A_200 = arith.constant 0 : i32
        %dma_start3A_201 = tpu.memref_slice %arg2[%dma_start3A_200, %multiple_of3A] : memref<64x1000000xf32, #tpu.memory_space<hbm>> -> memref<8x256xf32, #tpu.memory_space<hbm>>
        %dma_start3A_202 = arith.constant 0 : i32
        %dma_start3A_203 = arith.constant 0 : i32
        %dma_start3A_204 = tpu.memref_slice %arg5[%dma_start3A_202, %dma_start3A_203] : memref<64x256xf32, #tpu.memory_space<vmem>> -> memref<8x256xf32, #tpu.memory_space<vmem>>
        %dma_start3A_205 = arith.constant 0 : i32
        %dma_start3A_206 = tpu.memref_slice %arg2[%dma_start3A_205, %multiple_of3A] : memref<64x1000000xf32, #tpu.memory_space<hbm>> -> memref<8x256xf32, #tpu.memory_space<hbm>>
        tpu.enqueue_dma source(%dma_start3A_206 : memref<8x256xf32, #tpu.memory_space<hbm>>) target(%dma_start3A_204 : memref<8x256xf32, #tpu.memory_space<vmem>>) target_semaphore(%arg9 : memref<!tpu.dma_semaphore, #tpu.memory_space<semaphore_mem>>)
        %dma_start3A_207 = arith.constant 8 : i32
        %dma_start3A_208 = arith.constant 0 : i32
        %dma_start3A_209 = tpu.memref_slice %arg5[%dma_start3A_207, %dma_start3A_208] : memref<64x256xf32, #tpu.memory_space<vmem>> -> memref<8x256xf32, #tpu.memory_space<vmem>>
        %dma_start3A_210 = arith.constant 8 : i32
        %dma_start3A_211 = tpu.memref_slice %arg2[%dma_start3A_210, %multiple_of3A] : memref<64x1000000xf32, #tpu.memory_space<hbm>> -> memref<8x256xf32, #tpu.memory_space<hbm>>
        %dma_start3A_212 = arith.constant 8 : i32
        %dma_start3A_213 = arith.constant 0 : i32
        %dma_start3A_214 = tpu.memref_slice %arg5[%dma_start3A_212, %dma_start3A_213] : memref<64x256xf32, #tpu.memory_space<vmem>> -> memref<8x256xf32, #tpu.memory_space<vmem>>
        %dma_start3A_215 = arith.constant 8 : i32
        %dma_start3A_216 = tpu.memref_slice %arg2[%dma_start3A_215, %multiple_of3A] : memref<64x1000000xf32, #tpu.memory_space<hbm>> -> memref<8x256xf32, #tpu.memory_space<hbm>>
        tpu.enqueue_dma source(%dma_start3A_216 : memref<8x256xf32, #tpu.memory_space<hbm>>) target(%dma_start3A_214 : memref<8x256xf32, #tpu.memory_space<vmem>>) target_semaphore(%arg9 : memref<!tpu.dma_semaphore, #tpu.memory_space<semaphore_mem>>)
        %dma_start3A_217 = arith.constant 16 : i32
        %dma_start3A_218 = arith.constant 0 : i32
        %dma_start3A_219 = tpu.memref_slice %arg5[%dma_start3A_217, %dma_start3A_218] : memref<64x256xf32, #tpu.memory_space<vmem>> -> memref<8x256xf32, #tpu.memory_space<vmem>>
        %dma_start3A_220 = arith.constant 16 : i32
        %dma_start3A_221 = tpu.memref_slice %arg2[%dma_start3A_220, %multiple_of3A] : memref<64x1000000xf32, #tpu.memory_space<hbm>> -> memref<8x256xf32, #tpu.memory_space<hbm>>
        %dma_start3A_222 = arith.constant 16 : i32
        %dma_start3A_223 = arith.constant 0 : i32
        %dma_start3A_224 = tpu.memref_slice %arg5[%dma_start3A_222, %dma_start3A_223] : memref<64x256xf32, #tpu.memory_space<vmem>> -> memref<8x256xf32, #tpu.memory_space<vmem>>
        %dma_start3A_225 = arith.constant 16 : i32
        %dma_start3A_226 = tpu.memref_slice %arg2[%dma_start3A_225, %multiple_of3A] : memref<64x1000000xf32, #tpu.memory_space<hbm>> -> memref<8x256xf32, #tpu.memory_space<hbm>>
        tpu.enqueue_dma source(%dma_start3A_226 : memref<8x256xf32, #tpu.memory_space<hbm>>) target(%dma_start3A_224 : memref<8x256xf32, #tpu.memory_space<vmem>>) target_semaphore(%arg9 : memref<!tpu.dma_semaphore, #tpu.memory_space<semaphore_mem>>)
        %dma_start3A_227 = arith.constant 24 : i32
        %dma_start3A_228 = arith.constant 0 : i32
        %dma_start3A_229 = tpu.memref_slice %arg5[%dma_start3A_227, %dma_start3A_228] : memref<64x256xf32, #tpu.memory_space<vmem>> -> memref<8x256xf32, #tpu.memory_space<vmem>>
        %dma_start3A_230 = arith.constant 24 : i32
        %dma_start3A_231 = tpu.memref_slice %arg2[%dma_start3A_230, %multiple_of3A] : memref<64x1000000xf32, #tpu.memory_space<hbm>> -> memref<8x256xf32, #tpu.memory_space<hbm>>
        %dma_start3A_232 = arith.constant 24 : i32
        %dma_start3A_233 = arith.constant 0 : i32
        %dma_start3A_234 = tpu.memref_slice %arg5[%dma_start3A_232, %dma_start3A_233] : memref<64x256xf32, #tpu.memory_space<vmem>> -> memref<8x256xf32, #tpu.memory_space<vmem>>
        %dma_start3A_235 = arith.constant 24 : i32
        %dma_start3A_236 = tpu.memref_slice %arg2[%dma_start3A_235, %multiple_of3A] : memref<64x1000000xf32, #tpu.memory_space<hbm>> -> memref<8x256xf32, #tpu.memory_space<hbm>>
        tpu.enqueue_dma source(%dma_start3A_236 : memref<8x256xf32, #tpu.memory_space<hbm>>) target(%dma_start3A_234 : memref<8x256xf32, #tpu.memory_space<vmem>>) target_semaphore(%arg9 : memref<!tpu.dma_semaphore, #tpu.memory_space<semaphore_mem>>)
        %dma_start3A_237 = arith.constant 32 : i32
        %dma_start3A_238 = arith.constant 0 : i32
        %dma_start3A_239 = tpu.memref_slice %arg5[%dma_start3A_237, %dma_start3A_238] : memref<64x256xf32, #tpu.memory_space<vmem>> -> memref<8x256xf32, #tpu.memory_space<vmem>>
        %dma_start3A_240 = arith.constant 32 : i32
        %dma_start3A_241 = tpu.memref_slice %arg2[%dma_start3A_240, %multiple_of3A] : memref<64x1000000xf32, #tpu.memory_space<hbm>> -> memref<8x256xf32, #tpu.memory_space<hbm>>
        %dma_start3A_242 = arith.constant 32 : i32
        %dma_start3A_243 = arith.constant 0 : i32
        %dma_start3A_244 = tpu.memref_slice %arg5[%dma_start3A_242, %dma_start3A_243] : memref<64x256xf32, #tpu.memory_space<vmem>> -> memref<8x256xf32, #tpu.memory_space<vmem>>
        %dma_start3A_245 = arith.constant 32 : i32
        %dma_start3A_246 = tpu.memref_slice %arg2[%dma_start3A_245, %multiple_of3A] : memref<64x1000000xf32, #tpu.memory_space<hbm>> -> memref<8x256xf32, #tpu.memory_space<hbm>>
        tpu.enqueue_dma source(%dma_start3A_246 : memref<8x256xf32, #tpu.memory_space<hbm>>) target(%dma_start3A_244 : memref<8x256xf32, #tpu.memory_space<vmem>>) target_semaphore(%arg9 : memref<!tpu.dma_semaphore, #tpu.memory_space<semaphore_mem>>)
        %dma_start3A_247 = arith.constant 40 : i32
        %dma_start3A_248 = arith.constant 0 : i32
        %dma_start3A_249 = tpu.memref_slice %arg5[%dma_start3A_247, %dma_start3A_248] : memref<64x256xf32, #tpu.memory_space<vmem>> -> memref<8x256xf32, #tpu.memory_space<vmem>>
        %dma_start3A_250 = arith.constant 40 : i32
        %dma_start3A_251 = tpu.memref_slice %arg2[%dma_start3A_250, %multiple_of3A] : memref<64x1000000xf32, #tpu.memory_space<hbm>> -> memref<8x256xf32, #tpu.memory_space<hbm>>
        %dma_start3A_252 = arith.constant 40 : i32
        %dma_start3A_253 = arith.constant 0 : i32
        %dma_start3A_254 = tpu.memref_slice %arg5[%dma_start3A_252, %dma_start3A_253] : memref<64x256xf32, #tpu.memory_space<vmem>> -> memref<8x256xf32, #tpu.memory_space<vmem>>
        %dma_start3A_255 = arith.constant 40 : i32
        %dma_start3A_256 = tpu.memref_slice %arg2[%dma_start3A_255, %multiple_of3A] : memref<64x1000000xf32, #tpu.memory_space<hbm>> -> memref<8x256xf32, #tpu.memory_space<hbm>>
        tpu.enqueue_dma source(%dma_start3A_256 : memref<8x256xf32, #tpu.memory_space<hbm>>) target(%dma_start3A_254 : memref<8x256xf32, #tpu.memory_space<vmem>>) target_semaphore(%arg9 : memref<!tpu.dma_semaphore, #tpu.memory_space<semaphore_mem>>)
        %dma_start3A_257 = arith.constant 48 : i32
        %dma_start3A_258 = arith.constant 0 : i32
        %dma_start3A_259 = tpu.memref_slice %arg5[%dma_start3A_257, %dma_start3A_258] : memref<64x256xf32, #tpu.memory_space<vmem>> -> memref<8x256xf32, #tpu.memory_space<vmem>>
        %dma_start3A_260 = arith.constant 48 : i32
        %dma_start3A_261 = tpu.memref_slice %arg2[%dma_start3A_260, %multiple_of3A] : memref<64x1000000xf32, #tpu.memory_space<hbm>> -> memref<8x256xf32, #tpu.memory_space<hbm>>
        %dma_start3A_262 = arith.constant 48 : i32
        %dma_start3A_263 = arith.constant 0 : i32
        %dma_start3A_264 = tpu.memref_slice %arg5[%dma_start3A_262, %dma_start3A_263] : memref<64x256xf32, #tpu.memory_space<vmem>> -> memref<8x256xf32, #tpu.memory_space<vmem>>
        %dma_start3A_265 = arith.constant 48 : i32
        %dma_start3A_266 = tpu.memref_slice %arg2[%dma_start3A_265, %multiple_of3A] : memref<64x1000000xf32, #tpu.memory_space<hbm>> -> memref<8x256xf32, #tpu.memory_space<hbm>>
        tpu.enqueue_dma source(%dma_start3A_266 : memref<8x256xf32, #tpu.memory_space<hbm>>) target(%dma_start3A_264 : memref<8x256xf32, #tpu.memory_space<vmem>>) target_semaphore(%arg9 : memref<!tpu.dma_semaphore, #tpu.memory_space<semaphore_mem>>)
        %dma_start3A_267 = arith.constant 56 : i32
        %dma_start3A_268 = arith.constant 0 : i32
        %dma_start3A_269 = tpu.memref_slice %arg5[%dma_start3A_267, %dma_start3A_268] : memref<64x256xf32, #tpu.memory_space<vmem>> -> memref<8x256xf32, #tpu.memory_space<vmem>>
        %dma_start3A_270 = arith.constant 56 : i32
        %dma_start3A_271 = tpu.memref_slice %arg2[%dma_start3A_270, %multiple_of3A] : memref<64x1000000xf32, #tpu.memory_space<hbm>> -> memref<8x256xf32, #tpu.memory_space<hbm>>
        %dma_start3A_272 = arith.constant 56 : i32
        %dma_start3A_273 = arith.constant 0 : i32
        %dma_start3A_274 = tpu.memref_slice %arg5[%dma_start3A_272, %dma_start3A_273] : memref<64x256xf32, #tpu.memory_space<vmem>> -> memref<8x256xf32, #tpu.memory_space<vmem>>
        %dma_start3A_275 = arith.constant 56 : i32
        %dma_start3A_276 = tpu.memref_slice %arg2[%dma_start3A_275, %multiple_of3A] : memref<64x1000000xf32, #tpu.memory_space<hbm>> -> memref<8x256xf32, #tpu.memory_space<hbm>>
        tpu.enqueue_dma source(%dma_start3A_276 : memref<8x256xf32, #tpu.memory_space<hbm>>) target(%dma_start3A_274 : memref<8x256xf32, #tpu.memory_space<vmem>>) target_semaphore(%arg9 : memref<!tpu.dma_semaphore, #tpu.memory_space<semaphore_mem>>)
      } else {
      }
      %lt3A_135 = arith.constant 3907 : i32
      %lt3A_136 = arith.cmpi slt, %add3A_127, %lt3A_135 : i32
      %convert_element_type3A_137 = arith.extui %lt3A_136 : i1 to i32
      %cond3A_138 = arith.constant 0 : i32
      %cond3A_139 = arith.cmpi ne, %convert_element_type3A_137, %cond3A_138 : i32
      scf.if %cond3A_139 {
        %mul3A_195 = arith.constant 256 : i32
        %mul3A_196 = arith.muli %add3A_127, %mul3A_195 : i32
        %min3A = arith.constant 999808 : i32
        %min3A_197 = arith.minsi %mul3A_196, %min3A : i32
        %multiple_of3A = tpu.assume_multiple %min3A_197, 128 : i32
        %dma_wait3A = arith.constant 0 : i32
        %dma_wait3A_198 = arith.constant 0 : i32
        %dma_wait3A_199 = tpu.memref_slice %arg4[%dma_wait3A, %dma_wait3A_198] : memref<64x256xf32, #tpu.memory_space<vmem>> -> memref<8x256xf32, #tpu.memory_space<vmem>>
        %dma_wait3A_200 = arith.constant 0 : i32
        %dma_wait3A_201 = tpu.memref_slice %arg2[%dma_wait3A_200, %multiple_of3A] : memref<64x1000000xf32, #tpu.memory_space<hbm>> -> memref<8x256xf32, #tpu.memory_space<hbm>>
        %dma_wait3A_202 = arith.constant 0 : i32
        %dma_wait3A_203 = arith.constant 0 : i32
        %dma_wait3A_204 = tpu.memref_slice %arg4[%dma_wait3A_202, %dma_wait3A_203] : memref<64x256xf32, #tpu.memory_space<vmem>> -> memref<8x256xf32, #tpu.memory_space<vmem>>
        %dma_wait3A_205 = arith.constant 0 : i32
        %dma_wait3A_206 = tpu.memref_slice %arg2[%dma_wait3A_205, %multiple_of3A] : memref<64x1000000xf32, #tpu.memory_space<hbm>> -> memref<8x256xf32, #tpu.memory_space<hbm>>
        tpu.wait_dma2 semaphore(%arg8 : memref<!tpu.dma_semaphore, #tpu.memory_space<semaphore_mem>>) src(%dma_wait3A_206 : memref<8x256xf32, #tpu.memory_space<hbm>>) dst(%dma_wait3A_204 : memref<8x256xf32, #tpu.memory_space<vmem>>)
        %dma_wait3A_207 = arith.constant 8 : i32
        %dma_wait3A_208 = arith.constant 0 : i32
        %dma_wait3A_209 = tpu.memref_slice %arg4[%dma_wait3A_207, %dma_wait3A_208] : memref<64x256xf32, #tpu.memory_space<vmem>> -> memref<8x256xf32, #tpu.memory_space<vmem>>
        %dma_wait3A_210 = arith.constant 8 : i32
        %dma_wait3A_211 = tpu.memref_slice %arg2[%dma_wait3A_210, %multiple_of3A] : memref<64x1000000xf32, #tpu.memory_space<hbm>> -> memref<8x256xf32, #tpu.memory_space<hbm>>
        %dma_wait3A_212 = arith.constant 8 : i32
        %dma_wait3A_213 = arith.constant 0 : i32
        %dma_wait3A_214 = tpu.memref_slice %arg4[%dma_wait3A_212, %dma_wait3A_213] : memref<64x256xf32, #tpu.memory_space<vmem>> -> memref<8x256xf32, #tpu.memory_space<vmem>>
        %dma_wait3A_215 = arith.constant 8 : i32
        %dma_wait3A_216 = tpu.memref_slice %arg2[%dma_wait3A_215, %multiple_of3A] : memref<64x1000000xf32, #tpu.memory_space<hbm>> -> memref<8x256xf32, #tpu.memory_space<hbm>>
        tpu.wait_dma2 semaphore(%arg8 : memref<!tpu.dma_semaphore, #tpu.memory_space<semaphore_mem>>) src(%dma_wait3A_216 : memref<8x256xf32, #tpu.memory_space<hbm>>) dst(%dma_wait3A_214 : memref<8x256xf32, #tpu.memory_space<vmem>>)
        %dma_wait3A_217 = arith.constant 16 : i32
        %dma_wait3A_218 = arith.constant 0 : i32
        %dma_wait3A_219 = tpu.memref_slice %arg4[%dma_wait3A_217, %dma_wait3A_218] : memref<64x256xf32, #tpu.memory_space<vmem>> -> memref<8x256xf32, #tpu.memory_space<vmem>>
        %dma_wait3A_220 = arith.constant 16 : i32
        %dma_wait3A_221 = tpu.memref_slice %arg2[%dma_wait3A_220, %multiple_of3A] : memref<64x1000000xf32, #tpu.memory_space<hbm>> -> memref<8x256xf32, #tpu.memory_space<hbm>>
        %dma_wait3A_222 = arith.constant 16 : i32
        %dma_wait3A_223 = arith.constant 0 : i32
        %dma_wait3A_224 = tpu.memref_slice %arg4[%dma_wait3A_222, %dma_wait3A_223] : memref<64x256xf32, #tpu.memory_space<vmem>> -> memref<8x256xf32, #tpu.memory_space<vmem>>
        %dma_wait3A_225 = arith.constant 16 : i32
        %dma_wait3A_226 = tpu.memref_slice %arg2[%dma_wait3A_225, %multiple_of3A] : memref<64x1000000xf32, #tpu.memory_space<hbm>> -> memref<8x256xf32, #tpu.memory_space<hbm>>
        tpu.wait_dma2 semaphore(%arg8 : memref<!tpu.dma_semaphore, #tpu.memory_space<semaphore_mem>>) src(%dma_wait3A_226 : memref<8x256xf32, #tpu.memory_space<hbm>>) dst(%dma_wait3A_224 : memref<8x256xf32, #tpu.memory_space<vmem>>)
        %dma_wait3A_227 = arith.constant 24 : i32
        %dma_wait3A_228 = arith.constant 0 : i32
        %dma_wait3A_229 = tpu.memref_slice %arg4[%dma_wait3A_227, %dma_wait3A_228] : memref<64x256xf32, #tpu.memory_space<vmem>> -> memref<8x256xf32, #tpu.memory_space<vmem>>
        %dma_wait3A_230 = arith.constant 24 : i32
        %dma_wait3A_231 = tpu.memref_slice %arg2[%dma_wait3A_230, %multiple_of3A] : memref<64x1000000xf32, #tpu.memory_space<hbm>> -> memref<8x256xf32, #tpu.memory_space<hbm>>
        %dma_wait3A_232 = arith.constant 24 : i32
        %dma_wait3A_233 = arith.constant 0 : i32
        %dma_wait3A_234 = tpu.memref_slice %arg4[%dma_wait3A_232, %dma_wait3A_233] : memref<64x256xf32, #tpu.memory_space<vmem>> -> memref<8x256xf32, #tpu.memory_space<vmem>>
        %dma_wait3A_235 = arith.constant 24 : i32
        %dma_wait3A_236 = tpu.memref_slice %arg2[%dma_wait3A_235, %multiple_of3A] : memref<64x1000000xf32, #tpu.memory_space<hbm>> -> memref<8x256xf32, #tpu.memory_space<hbm>>
        tpu.wait_dma2 semaphore(%arg8 : memref<!tpu.dma_semaphore, #tpu.memory_space<semaphore_mem>>) src(%dma_wait3A_236 : memref<8x256xf32, #tpu.memory_space<hbm>>) dst(%dma_wait3A_234 : memref<8x256xf32, #tpu.memory_space<vmem>>)
        %dma_wait3A_237 = arith.constant 32 : i32
        %dma_wait3A_238 = arith.constant 0 : i32
        %dma_wait3A_239 = tpu.memref_slice %arg4[%dma_wait3A_237, %dma_wait3A_238] : memref<64x256xf32, #tpu.memory_space<vmem>> -> memref<8x256xf32, #tpu.memory_space<vmem>>
        %dma_wait3A_240 = arith.constant 32 : i32
        %dma_wait3A_241 = tpu.memref_slice %arg2[%dma_wait3A_240, %multiple_of3A] : memref<64x1000000xf32, #tpu.memory_space<hbm>> -> memref<8x256xf32, #tpu.memory_space<hbm>>
        %dma_wait3A_242 = arith.constant 32 : i32
        %dma_wait3A_243 = arith.constant 0 : i32
        %dma_wait3A_244 = tpu.memref_slice %arg4[%dma_wait3A_242, %dma_wait3A_243] : memref<64x256xf32, #tpu.memory_space<vmem>> -> memref<8x256xf32, #tpu.memory_space<vmem>>
        %dma_wait3A_245 = arith.constant 32 : i32
        %dma_wait3A_246 = tpu.memref_slice %arg2[%dma_wait3A_245, %multiple_of3A] : memref<64x1000000xf32, #tpu.memory_space<hbm>> -> memref<8x256xf32, #tpu.memory_space<hbm>>
        tpu.wait_dma2 semaphore(%arg8 : memref<!tpu.dma_semaphore, #tpu.memory_space<semaphore_mem>>) src(%dma_wait3A_246 : memref<8x256xf32, #tpu.memory_space<hbm>>) dst(%dma_wait3A_244 : memref<8x256xf32, #tpu.memory_space<vmem>>)
        %dma_wait3A_247 = arith.constant 40 : i32
        %dma_wait3A_248 = arith.constant 0 : i32
        %dma_wait3A_249 = tpu.memref_slice %arg4[%dma_wait3A_247, %dma_wait3A_248] : memref<64x256xf32, #tpu.memory_space<vmem>> -> memref<8x256xf32, #tpu.memory_space<vmem>>
        %dma_wait3A_250 = arith.constant 40 : i32
        %dma_wait3A_251 = tpu.memref_slice %arg2[%dma_wait3A_250, %multiple_of3A] : memref<64x1000000xf32, #tpu.memory_space<hbm>> -> memref<8x256xf32, #tpu.memory_space<hbm>>
        %dma_wait3A_252 = arith.constant 40 : i32
        %dma_wait3A_253 = arith.constant 0 : i32
        %dma_wait3A_254 = tpu.memref_slice %arg4[%dma_wait3A_252, %dma_wait3A_253] : memref<64x256xf32, #tpu.memory_space<vmem>> -> memref<8x256xf32, #tpu.memory_space<vmem>>
        %dma_wait3A_255 = arith.constant 40 : i32
        %dma_wait3A_256 = tpu.memref_slice %arg2[%dma_wait3A_255, %multiple_of3A] : memref<64x1000000xf32, #tpu.memory_space<hbm>> -> memref<8x256xf32, #tpu.memory_space<hbm>>
        tpu.wait_dma2 semaphore(%arg8 : memref<!tpu.dma_semaphore, #tpu.memory_space<semaphore_mem>>) src(%dma_wait3A_256 : memref<8x256xf32, #tpu.memory_space<hbm>>) dst(%dma_wait3A_254 : memref<8x256xf32, #tpu.memory_space<vmem>>)
        %dma_wait3A_257 = arith.constant 48 : i32
        %dma_wait3A_258 = arith.constant 0 : i32
        %dma_wait3A_259 = tpu.memref_slice %arg4[%dma_wait3A_257, %dma_wait3A_258] : memref<64x256xf32, #tpu.memory_space<vmem>> -> memref<8x256xf32, #tpu.memory_space<vmem>>
        %dma_wait3A_260 = arith.constant 48 : i32
        %dma_wait3A_261 = tpu.memref_slice %arg2[%dma_wait3A_260, %multiple_of3A] : memref<64x1000000xf32, #tpu.memory_space<hbm>> -> memref<8x256xf32, #tpu.memory_space<hbm>>
        %dma_wait3A_262 = arith.constant 48 : i32
        %dma_wait3A_263 = arith.constant 0 : i32
        %dma_wait3A_264 = tpu.memref_slice %arg4[%dma_wait3A_262, %dma_wait3A_263] : memref<64x256xf32, #tpu.memory_space<vmem>> -> memref<8x256xf32, #tpu.memory_space<vmem>>
        %dma_wait3A_265 = arith.constant 48 : i32
        %dma_wait3A_266 = tpu.memref_slice %arg2[%dma_wait3A_265, %multiple_of3A] : memref<64x1000000xf32, #tpu.memory_space<hbm>> -> memref<8x256xf32, #tpu.memory_space<hbm>>
        tpu.wait_dma2 semaphore(%arg8 : memref<!tpu.dma_semaphore, #tpu.memory_space<semaphore_mem>>) src(%dma_wait3A_266 : memref<8x256xf32, #tpu.memory_space<hbm>>) dst(%dma_wait3A_264 : memref<8x256xf32, #tpu.memory_space<vmem>>)
        %dma_wait3A_267 = arith.constant 56 : i32
        %dma_wait3A_268 = arith.constant 0 : i32
        %dma_wait3A_269 = tpu.memref_slice %arg4[%dma_wait3A_267, %dma_wait3A_268] : memref<64x256xf32, #tpu.memory_space<vmem>> -> memref<8x256xf32, #tpu.memory_space<vmem>>
        %dma_wait3A_270 = arith.constant 56 : i32
        %dma_wait3A_271 = tpu.memref_slice %arg2[%dma_wait3A_270, %multiple_of3A] : memref<64x1000000xf32, #tpu.memory_space<hbm>> -> memref<8x256xf32, #tpu.memory_space<hbm>>
        %dma_wait3A_272 = arith.constant 56 : i32
        %dma_wait3A_273 = arith.constant 0 : i32
        %dma_wait3A_274 = tpu.memref_slice %arg4[%dma_wait3A_272, %dma_wait3A_273] : memref<64x256xf32, #tpu.memory_space<vmem>> -> memref<8x256xf32, #tpu.memory_space<vmem>>
        %dma_wait3A_275 = arith.constant 56 : i32
        %dma_wait3A_276 = tpu.memref_slice %arg2[%dma_wait3A_275, %multiple_of3A] : memref<64x1000000xf32, #tpu.memory_space<hbm>> -> memref<8x256xf32, #tpu.memory_space<hbm>>
        tpu.wait_dma2 semaphore(%arg8 : memref<!tpu.dma_semaphore, #tpu.memory_space<semaphore_mem>>) src(%dma_wait3A_276 : memref<8x256xf32, #tpu.memory_space<hbm>>) dst(%dma_wait3A_274 : memref<8x256xf32, #tpu.memory_space<vmem>>)
      } else {
      }
      %sub3A = arith.constant 64 : i32
      %sub3A_140 = arith.subi %add3A_127, %sub3A : i32
      %ge3A_141 = arith.constant 0 : i32
      %ge3A_142 = arith.cmpi sge, %sub3A_140, %ge3A_141 : i32
      %lt3A_143 = arith.constant 3907 : i32
      %lt3A_144 = arith.cmpi slt, %sub3A_140, %lt3A_143 : i32
      %and3A_145 = arith.andi %ge3A_142, %lt3A_144 : i1
      %convert_element_type3A_146 = arith.extui %and3A_145 : i1 to i32
      %cond3A_147 = arith.constant 0 : i32
      %cond3A_148 = arith.cmpi ne, %convert_element_type3A_146, %cond3A_147 : i32
      scf.if %cond3A_148 {
        %mul3A_195 = arith.constant 256 : i32
        %mul3A_196 = arith.muli %sub3A_140, %mul3A_195 : i32
        %min3A = arith.constant 999808 : i32
        %min3A_197 = arith.minsi %mul3A_196, %min3A : i32
        %multiple_of3A = tpu.assume_multiple %min3A_197, 128 : i32
        %mul3A_198 = arith.constant 64 : i32
        %mul3A_199 = arith.muli %multiple_of3A, %mul3A_198 : i32
        %dma_wait3A = tpu.memref_slice %arg3[%mul3A_199] : memref<64004096xf32, #tpu.memory_space<hbm>> -> memref<16384xf32, #tpu.memory_space<hbm>>
        %dma_wait3A_200 = tpu.memref_slice %arg3[%mul3A_199] : memref<64004096xf32, #tpu.memory_space<hbm>> -> memref<16384xf32, #tpu.memory_space<hbm>>
        tpu.wait_dma2 semaphore(%arg10 : memref<!tpu.dma_semaphore, #tpu.memory_space<semaphore_mem>>) src(%arg6 : memref<16384xf32, #tpu.memory_space<vmem>>) dst(%dma_wait3A_200 : memref<16384xf32, #tpu.memory_space<hbm>>)
      } else {
      }
      %scan3A_149 = arith.constant 0 : i32
      %scan3A_150 = arith.constant 0 : i32
      %scan3A_151 = arith.constant 64 : i32
      %scan3A_152 = arith.addi %scan3A_150, %scan3A_151 : i32
      %scan3A_153 = arith.constant 1 : i32
      scf.for %scan3A_195 = %scan3A_150 to %scan3A_152 step %scan3A_153  : i32 {
        %shift_right_arithmetic3A = arith.constant 2 : i32
        %shift_right_arithmetic3A_196 = arith.shrsi %scan3A_195, %shift_right_arithmetic3A : i32
        %and3A_197 = arith.constant 3 : i32
        %and3A_198 = arith.andi %scan3A_195, %and3A_197 : i32
        %mul3A_199 = arith.constant 16 : i32
        %mul3A_200 = arith.muli %shift_right_arithmetic3A_196, %mul3A_199 : i32
        %add3A_201 = vector.broadcast %mul3A_200 : i32 to vector<16xi32>
        %add3A_202 = arith.addi %add3A_201, %iota3A : vector<16xi32>
        %mul3A_203 = arith.constant 64 : i32
        %mul3A_204 = vector.broadcast %mul3A_203 : i32 to vector<16xi32>
        %mul3A_205 = arith.muli %add3A_202, %mul3A_204 : vector<16xi32>
        %mul3A_206 = arith.constant 16 : i32
        %mul3A_207 = arith.muli %and3A_198, %mul3A_206 : i32
        %add3A_208 = vector.broadcast %mul3A_207 : i32 to vector<16xi32>
        %add3A_209 = arith.addi %add3A_208, %and3A_5 : vector<16xi32>
        %gather3A = tpu.vector_load_idx %arg4[%add3A_209, %add3A_202] : memref<64x256xf32, #tpu.memory_space<vmem>>[vector<16xi32>, vector<16xi32>], vector<16xf32>,
        %add3A_210 = arith.addi %mul3A_205, %add3A_209 : vector<16xi32>
        tpu.vector_store_idx %arg6[%add3A_210], %gather3A : memref<16384xf32, #tpu.memory_space<vmem>>[vector<16xi32>], vector<16xf32>,
        %mul3A_211 = arith.constant 16 : i32
        %mul3A_212 = arith.muli %and3A_198, %mul3A_211 : i32
        %add3A_213 = vector.broadcast %mul3A_212 : i32 to vector<16xi32>
        %add3A_214 = arith.addi %add3A_213, %and3A_11 : vector<16xi32>
        %gather3A_215 = tpu.vector_load_idx %arg4[%add3A_214, %add3A_202] : memref<64x256xf32, #tpu.memory_space<vmem>>[vector<16xi32>, vector<16xi32>], vector<16xf32>,
        %add3A_216 = arith.addi %mul3A_205, %add3A_214 : vector<16xi32>
        tpu.vector_store_idx %arg6[%add3A_216], %gather3A_215 : memref<16384xf32, #tpu.memory_space<vmem>>[vector<16xi32>], vector<16xf32>,
        %mul3A_217 = arith.constant 16 : i32
        %mul3A_218 = arith.muli %and3A_198, %mul3A_217 : i32
        %add3A_219 = vector.broadcast %mul3A_218 : i32 to vector<16xi32>
        %add3A_220 = arith.addi %add3A_219, %and3A_17 : vector<16xi32>
        %gather3A_221 = tpu.vector_load_idx %arg4[%add3A_220, %add3A_202] : memref<64x256xf32, #tpu.memory_space<vmem>>[vector<16xi32>, vector<16xi32>], vector<16xf32>,
        %add3A_222 = arith.addi %mul3A_205, %add3A_220 : vector<16xi32>
        tpu.vector_store_idx %arg6[%add3A_222], %gather3A_221 : memref<16384xf32, #tpu.memory_space<vmem>>[vector<16xi32>], vector<16xf32>,
        %mul3A_223 = arith.constant 16 : i32
        %mul3A_224 = arith.muli %and3A_198, %mul3A_223 : i32
        %add3A_225 = vector.broadcast %mul3A_224 : i32 to vector<16xi32>
        %add3A_226 = arith.addi %add3A_225, %and3A_23 : vector<16xi32>
        %gather3A_227 = tpu.vector_load_idx %arg4[%add3A_226, %add3A_202] : memref<64x256xf32, #tpu.memory_space<vmem>>[vector<16xi32>, vector<16xi32>], vector<16xf32>,
        %add3A_228 = arith.addi %mul3A_205, %add3A_226 : vector<16xi32>
        tpu.vector_store_idx %arg6[%add3A_228], %gather3A_227 : memref<16384xf32, #tpu.memory_space<vmem>>[vector<16xi32>], vector<16xf32>,
        %mul3A_229 = arith.constant 16 : i32
        %mul3A_230 = arith.muli %and3A_198, %mul3A_229 : i32
        %add3A_231 = vector.broadcast %mul3A_230 : i32 to vector<16xi32>
        %add3A_232 = arith.addi %add3A_231, %and3A_29 : vector<16xi32>
        %gather3A_233 = tpu.vector_load_idx %arg4[%add3A_232, %add3A_202] : memref<64x256xf32, #tpu.memory_space<vmem>>[vector<16xi32>, vector<16xi32>], vector<16xf32>,
        %add3A_234 = arith.addi %mul3A_205, %add3A_232 : vector<16xi32>
        tpu.vector_store_idx %arg6[%add3A_234], %gather3A_233 : memref<16384xf32, #tpu.memory_space<vmem>>[vector<16xi32>], vector<16xf32>,
        %mul3A_235 = arith.constant 16 : i32
        %mul3A_236 = arith.muli %and3A_198, %mul3A_235 : i32
        %add3A_237 = vector.broadcast %mul3A_236 : i32 to vector<16xi32>
        %add3A_238 = arith.addi %add3A_237, %and3A_35 : vector<16xi32>
        %gather3A_239 = tpu.vector_load_idx %arg4[%add3A_238, %add3A_202] : memref<64x256xf32, #tpu.memory_space<vmem>>[vector<16xi32>, vector<16xi32>], vector<16xf32>,
        %add3A_240 = arith.addi %mul3A_205, %add3A_238 : vector<16xi32>
        tpu.vector_store_idx %arg6[%add3A_240], %gather3A_239 : memref<16384xf32, #tpu.memory_space<vmem>>[vector<16xi32>], vector<16xf32>,
        %mul3A_241 = arith.constant 16 : i32
        %mul3A_242 = arith.muli %and3A_198, %mul3A_241 : i32
        %add3A_243 = vector.broadcast %mul3A_242 : i32 to vector<16xi32>
        %add3A_244 = arith.addi %add3A_243, %and3A_41 : vector<16xi32>
        %gather3A_245 = tpu.vector_load_idx %arg4[%add3A_244, %add3A_202] : memref<64x256xf32, #tpu.memory_space<vmem>>[vector<16xi32>, vector<16xi32>], vector<16xf32>,
        %add3A_246 = arith.addi %mul3A_205, %add3A_244 : vector<16xi32>
        tpu.vector_store_idx %arg6[%add3A_246], %gather3A_245 : memref<16384xf32, #tpu.memory_space<vmem>>[vector<16xi32>], vector<16xf32>,
        %mul3A_247 = arith.constant 16 : i32
        %mul3A_248 = arith.muli %and3A_198, %mul3A_247 : i32
        %add3A_249 = vector.broadcast %mul3A_248 : i32 to vector<16xi32>
        %add3A_250 = arith.addi %add3A_249, %and3A_47 : vector<16xi32>
        %gather3A_251 = tpu.vector_load_idx %arg4[%add3A_250, %add3A_202] : memref<64x256xf32, #tpu.memory_space<vmem>>[vector<16xi32>, vector<16xi32>], vector<16xf32>,
        %add3A_252 = arith.addi %mul3A_205, %add3A_250 : vector<16xi32>
        tpu.vector_store_idx %arg6[%add3A_252], %gather3A_251 : memref<16384xf32, #tpu.memory_space<vmem>>[vector<16xi32>], vector<16xf32>,
        %mul3A_253 = arith.constant 16 : i32
        %mul3A_254 = arith.muli %and3A_198, %mul3A_253 : i32
        %add3A_255 = vector.broadcast %mul3A_254 : i32 to vector<16xi32>
        %add3A_256 = arith.addi %add3A_255, %and3A_53 : vector<16xi32>
        %gather3A_257 = tpu.vector_load_idx %arg4[%add3A_256, %add3A_202] : memref<64x256xf32, #tpu.memory_space<vmem>>[vector<16xi32>, vector<16xi32>], vector<16xf32>,
        %add3A_258 = arith.addi %mul3A_205, %add3A_256 : vector<16xi32>
        tpu.vector_store_idx %arg6[%add3A_258], %gather3A_257 : memref<16384xf32, #tpu.memory_space<vmem>>[vector<16xi32>], vector<16xf32>,
        %mul3A_259 = arith.constant 16 : i32
        %mul3A_260 = arith.muli %and3A_198, %mul3A_259 : i32
        %add3A_261 = vector.broadcast %mul3A_260 : i32 to vector<16xi32>
        %add3A_262 = arith.addi %add3A_261, %and3A_59 : vector<16xi32>
        %gather3A_263 = tpu.vector_load_idx %arg4[%add3A_262, %add3A_202] : memref<64x256xf32, #tpu.memory_space<vmem>>[vector<16xi32>, vector<16xi32>], vector<16xf32>,
        %add3A_264 = arith.addi %mul3A_205, %add3A_262 : vector<16xi32>
        tpu.vector_store_idx %arg6[%add3A_264], %gather3A_263 : memref<16384xf32, #tpu.memory_space<vmem>>[vector<16xi32>], vector<16xf32>,
        %mul3A_265 = arith.constant 16 : i32
        %mul3A_266 = arith.muli %and3A_198, %mul3A_265 : i32
        %add3A_267 = vector.broadcast %mul3A_266 : i32 to vector<16xi32>
        %add3A_268 = arith.addi %add3A_267, %and3A_65 : vector<16xi32>
        %gather3A_269 = tpu.vector_load_idx %arg4[%add3A_268, %add3A_202] : memref<64x256xf32, #tpu.memory_space<vmem>>[vector<16xi32>, vector<16xi32>], vector<16xf32>,
        %add3A_270 = arith.addi %mul3A_205, %add3A_268 : vector<16xi32>
        tpu.vector_store_idx %arg6[%add3A_270], %gather3A_269 : memref<16384xf32, #tpu.memory_space<vmem>>[vector<16xi32>], vector<16xf32>,
        %mul3A_271 = arith.constant 16 : i32
        %mul3A_272 = arith.muli %and3A_198, %mul3A_271 : i32
        %add3A_273 = vector.broadcast %mul3A_272 : i32 to vector<16xi32>
        %add3A_274 = arith.addi %add3A_273, %and3A_71 : vector<16xi32>
        %gather3A_275 = tpu.vector_load_idx %arg4[%add3A_274, %add3A_202] : memref<64x256xf32, #tpu.memory_space<vmem>>[vector<16xi32>, vector<16xi32>], vector<16xf32>,
        %add3A_276 = arith.addi %mul3A_205, %add3A_274 : vector<16xi32>
        tpu.vector_store_idx %arg6[%add3A_276], %gather3A_275 : memref<16384xf32, #tpu.memory_space<vmem>>[vector<16xi32>], vector<16xf32>,
        %mul3A_277 = arith.constant 16 : i32
        %mul3A_278 = arith.muli %and3A_198, %mul3A_277 : i32
        %add3A_279 = vector.broadcast %mul3A_278 : i32 to vector<16xi32>
        %add3A_280 = arith.addi %add3A_279, %and3A_77 : vector<16xi32>
        %gather3A_281 = tpu.vector_load_idx %arg4[%add3A_280, %add3A_202] : memref<64x256xf32, #tpu.memory_space<vmem>>[vector<16xi32>, vector<16xi32>], vector<16xf32>,
        %add3A_282 = arith.addi %mul3A_205, %add3A_280 : vector<16xi32>
        tpu.vector_store_idx %arg6[%add3A_282], %gather3A_281 : memref<16384xf32, #tpu.memory_space<vmem>>[vector<16xi32>], vector<16xf32>,
        %mul3A_283 = arith.constant 16 : i32
        %mul3A_284 = arith.muli %and3A_198, %mul3A_283 : i32
        %add3A_285 = vector.broadcast %mul3A_284 : i32 to vector<16xi32>
        %add3A_286 = arith.addi %add3A_285, %and3A_83 : vector<16xi32>
        %gather3A_287 = tpu.vector_load_idx %arg4[%add3A_286, %add3A_202] : memref<64x256xf32, #tpu.memory_space<vmem>>[vector<16xi32>, vector<16xi32>], vector<16xf32>,
        %add3A_288 = arith.addi %mul3A_205, %add3A_286 : vector<16xi32>
        tpu.vector_store_idx %arg6[%add3A_288], %gather3A_287 : memref<16384xf32, #tpu.memory_space<vmem>>[vector<16xi32>], vector<16xf32>,
        %mul3A_289 = arith.constant 16 : i32
        %mul3A_290 = arith.muli %and3A_198, %mul3A_289 : i32
        %add3A_291 = vector.broadcast %mul3A_290 : i32 to vector<16xi32>
        %add3A_292 = arith.addi %add3A_291, %and3A_89 : vector<16xi32>
        %gather3A_293 = tpu.vector_load_idx %arg4[%add3A_292, %add3A_202] : memref<64x256xf32, #tpu.memory_space<vmem>>[vector<16xi32>, vector<16xi32>], vector<16xf32>,
        %add3A_294 = arith.addi %mul3A_205, %add3A_292 : vector<16xi32>
        tpu.vector_store_idx %arg6[%add3A_294], %gather3A_293 : memref<16384xf32, #tpu.memory_space<vmem>>[vector<16xi32>], vector<16xf32>,
        %mul3A_295 = arith.constant 16 : i32
        %mul3A_296 = arith.muli %and3A_198, %mul3A_295 : i32
        %add3A_297 = vector.broadcast %mul3A_296 : i32 to vector<16xi32>
        %add3A_298 = arith.addi %add3A_297, %and3A_95 : vector<16xi32>
        %gather3A_299 = tpu.vector_load_idx %arg4[%add3A_298, %add3A_202] : memref<64x256xf32, #tpu.memory_space<vmem>>[vector<16xi32>, vector<16xi32>], vector<16xf32>,
        %add3A_300 = arith.addi %mul3A_205, %add3A_298 : vector<16xi32>
        tpu.vector_store_idx %arg6[%add3A_300], %gather3A_299 : memref<16384xf32, #tpu.memory_space<vmem>>[vector<16xi32>], vector<16xf32>,
      }
      %scan3A_154 = arith.constant 64 : i32
      %lt3A_155 = arith.constant 3907 : i32
      %lt3A_156 = arith.cmpi slt, %add3A_127, %lt3A_155 : i32
      %convert_element_type3A_157 = arith.extui %lt3A_156 : i1 to i32
      %cond3A_158 = arith.constant 0 : i32
      %cond3A_159 = arith.cmpi ne, %convert_element_type3A_157, %cond3A_158 : i32
      scf.if %cond3A_159 {
        %mul3A_195 = arith.constant 256 : i32
        %mul3A_196 = arith.muli %add3A_127, %mul3A_195 : i32
        %min3A = arith.constant 999808 : i32
        %min3A_197 = arith.minsi %mul3A_196, %min3A : i32
        %multiple_of3A = tpu.assume_multiple %min3A_197, 128 : i32
        %mul3A_198 = arith.constant 64 : i32
        %mul3A_199 = arith.muli %multiple_of3A, %mul3A_198 : i32
        %dma_start3A = tpu.memref_slice %arg3[%mul3A_199] : memref<64004096xf32, #tpu.memory_space<hbm>> -> memref<16384xf32, #tpu.memory_space<hbm>>
        %dma_start3A_200 = tpu.memref_slice %arg3[%mul3A_199] : memref<64004096xf32, #tpu.memory_space<hbm>> -> memref<16384xf32, #tpu.memory_space<hbm>>
        tpu.enqueue_dma source(%arg6 : memref<16384xf32, #tpu.memory_space<vmem>>) target(%dma_start3A_200 : memref<16384xf32, #tpu.memory_space<hbm>>) target_semaphore(%arg10 : memref<!tpu.dma_semaphore, #tpu.memory_space<semaphore_mem>>)
      } else {
      }
      %add3A_160 = arith.constant 32 : i32
      %add3A_161 = arith.addi %add3A_127, %add3A_160 : i32
      %add3A_162 = arith.constant 32 : i32
      %add3A_163 = arith.addi %add3A_161, %add3A_162 : i32
      %lt3A_164 = arith.constant 3907 : i32
      %lt3A_165 = arith.cmpi slt, %add3A_163, %lt3A_164 : i32
      %convert_element_type3A_166 = arith.extui %lt3A_165 : i1 to i32
      %cond3A_167 = arith.constant 0 : i32
      %cond3A_168 = arith.cmpi ne, %convert_element_type3A_166, %cond3A_167 : i32
      scf.if %cond3A_168 {
        %mul3A_195 = arith.constant 256 : i32
        %mul3A_196 = arith.muli %add3A_163, %mul3A_195 : i32
        %min3A = arith.constant 999808 : i32
        %min3A_197 = arith.minsi %mul3A_196, %min3A : i32
        %multiple_of3A = tpu.assume_multiple %min3A_197, 128 : i32
        %dma_start3A = arith.constant 0 : i32
        %dma_start3A_198 = arith.constant 0 : i32
        %dma_start3A_199 = tpu.memref_slice %arg4[%dma_start3A, %dma_start3A_198] : memref<64x256xf32, #tpu.memory_space<vmem>> -> memref<8x256xf32, #tpu.memory_space<vmem>>
        %dma_start3A_200 = arith.constant 0 : i32
        %dma_start3A_201 = tpu.memref_slice %arg2[%dma_start3A_200, %multiple_of3A] : memref<64x1000000xf32, #tpu.memory_space<hbm>> -> memref<8x256xf32, #tpu.memory_space<hbm>>
        %dma_start3A_202 = arith.constant 0 : i32
        %dma_start3A_203 = arith.constant 0 : i32
        %dma_start3A_204 = tpu.memref_slice %arg4[%dma_start3A_202, %dma_start3A_203] : memref<64x256xf32, #tpu.memory_space<vmem>> -> memref<8x256xf32, #tpu.memory_space<vmem>>
        %dma_start3A_205 = arith.constant 0 : i32
        %dma_start3A_206 = tpu.memref_slice %arg2[%dma_start3A_205, %multiple_of3A] : memref<64x1000000xf32, #tpu.memory_space<hbm>> -> memref<8x256xf32, #tpu.memory_space<hbm>>
        tpu.enqueue_dma source(%dma_start3A_206 : memref<8x256xf32, #tpu.memory_space<hbm>>) target(%dma_start3A_204 : memref<8x256xf32, #tpu.memory_space<vmem>>) target_semaphore(%arg8 : memref<!tpu.dma_semaphore, #tpu.memory_space<semaphore_mem>>)
        %dma_start3A_207 = arith.constant 8 : i32
        %dma_start3A_208 = arith.constant 0 : i32
        %dma_start3A_209 = tpu.memref_slice %arg4[%dma_start3A_207, %dma_start3A_208] : memref<64x256xf32, #tpu.memory_space<vmem>> -> memref<8x256xf32, #tpu.memory_space<vmem>>
        %dma_start3A_210 = arith.constant 8 : i32
        %dma_start3A_211 = tpu.memref_slice %arg2[%dma_start3A_210, %multiple_of3A] : memref<64x1000000xf32, #tpu.memory_space<hbm>> -> memref<8x256xf32, #tpu.memory_space<hbm>>
        %dma_start3A_212 = arith.constant 8 : i32
        %dma_start3A_213 = arith.constant 0 : i32
        %dma_start3A_214 = tpu.memref_slice %arg4[%dma_start3A_212, %dma_start3A_213] : memref<64x256xf32, #tpu.memory_space<vmem>> -> memref<8x256xf32, #tpu.memory_space<vmem>>
        %dma_start3A_215 = arith.constant 8 : i32
        %dma_start3A_216 = tpu.memref_slice %arg2[%dma_start3A_215, %multiple_of3A] : memref<64x1000000xf32, #tpu.memory_space<hbm>> -> memref<8x256xf32, #tpu.memory_space<hbm>>
        tpu.enqueue_dma source(%dma_start3A_216 : memref<8x256xf32, #tpu.memory_space<hbm>>) target(%dma_start3A_214 : memref<8x256xf32, #tpu.memory_space<vmem>>) target_semaphore(%arg8 : memref<!tpu.dma_semaphore, #tpu.memory_space<semaphore_mem>>)
        %dma_start3A_217 = arith.constant 16 : i32
        %dma_start3A_218 = arith.constant 0 : i32
        %dma_start3A_219 = tpu.memref_slice %arg4[%dma_start3A_217, %dma_start3A_218] : memref<64x256xf32, #tpu.memory_space<vmem>> -> memref<8x256xf32, #tpu.memory_space<vmem>>
        %dma_start3A_220 = arith.constant 16 : i32
        %dma_start3A_221 = tpu.memref_slice %arg2[%dma_start3A_220, %multiple_of3A] : memref<64x1000000xf32, #tpu.memory_space<hbm>> -> memref<8x256xf32, #tpu.memory_space<hbm>>
        %dma_start3A_222 = arith.constant 16 : i32
        %dma_start3A_223 = arith.constant 0 : i32
        %dma_start3A_224 = tpu.memref_slice %arg4[%dma_start3A_222, %dma_start3A_223] : memref<64x256xf32, #tpu.memory_space<vmem>> -> memref<8x256xf32, #tpu.memory_space<vmem>>
        %dma_start3A_225 = arith.constant 16 : i32
        %dma_start3A_226 = tpu.memref_slice %arg2[%dma_start3A_225, %multiple_of3A] : memref<64x1000000xf32, #tpu.memory_space<hbm>> -> memref<8x256xf32, #tpu.memory_space<hbm>>
        tpu.enqueue_dma source(%dma_start3A_226 : memref<8x256xf32, #tpu.memory_space<hbm>>) target(%dma_start3A_224 : memref<8x256xf32, #tpu.memory_space<vmem>>) target_semaphore(%arg8 : memref<!tpu.dma_semaphore, #tpu.memory_space<semaphore_mem>>)
        %dma_start3A_227 = arith.constant 24 : i32
        %dma_start3A_228 = arith.constant 0 : i32
        %dma_start3A_229 = tpu.memref_slice %arg4[%dma_start3A_227, %dma_start3A_228] : memref<64x256xf32, #tpu.memory_space<vmem>> -> memref<8x256xf32, #tpu.memory_space<vmem>>
        %dma_start3A_230 = arith.constant 24 : i32
        %dma_start3A_231 = tpu.memref_slice %arg2[%dma_start3A_230, %multiple_of3A] : memref<64x1000000xf32, #tpu.memory_space<hbm>> -> memref<8x256xf32, #tpu.memory_space<hbm>>
        %dma_start3A_232 = arith.constant 24 : i32
        %dma_start3A_233 = arith.constant 0 : i32
        %dma_start3A_234 = tpu.memref_slice %arg4[%dma_start3A_232, %dma_start3A_233] : memref<64x256xf32, #tpu.memory_space<vmem>> -> memref<8x256xf32, #tpu.memory_space<vmem>>
        %dma_start3A_235 = arith.constant 24 : i32
        %dma_start3A_236 = tpu.memref_slice %arg2[%dma_start3A_235, %multiple_of3A] : memref<64x1000000xf32, #tpu.memory_space<hbm>> -> memref<8x256xf32, #tpu.memory_space<hbm>>
        tpu.enqueue_dma source(%dma_start3A_236 : memref<8x256xf32, #tpu.memory_space<hbm>>) target(%dma_start3A_234 : memref<8x256xf32, #tpu.memory_space<vmem>>) target_semaphore(%arg8 : memref<!tpu.dma_semaphore, #tpu.memory_space<semaphore_mem>>)
        %dma_start3A_237 = arith.constant 32 : i32
        %dma_start3A_238 = arith.constant 0 : i32
        %dma_start3A_239 = tpu.memref_slice %arg4[%dma_start3A_237, %dma_start3A_238] : memref<64x256xf32, #tpu.memory_space<vmem>> -> memref<8x256xf32, #tpu.memory_space<vmem>>
        %dma_start3A_240 = arith.constant 32 : i32
        %dma_start3A_241 = tpu.memref_slice %arg2[%dma_start3A_240, %multiple_of3A] : memref<64x1000000xf32, #tpu.memory_space<hbm>> -> memref<8x256xf32, #tpu.memory_space<hbm>>
        %dma_start3A_242 = arith.constant 32 : i32
        %dma_start3A_243 = arith.constant 0 : i32
        %dma_start3A_244 = tpu.memref_slice %arg4[%dma_start3A_242, %dma_start3A_243] : memref<64x256xf32, #tpu.memory_space<vmem>> -> memref<8x256xf32, #tpu.memory_space<vmem>>
        %dma_start3A_245 = arith.constant 32 : i32
        %dma_start3A_246 = tpu.memref_slice %arg2[%dma_start3A_245, %multiple_of3A] : memref<64x1000000xf32, #tpu.memory_space<hbm>> -> memref<8x256xf32, #tpu.memory_space<hbm>>
        tpu.enqueue_dma source(%dma_start3A_246 : memref<8x256xf32, #tpu.memory_space<hbm>>) target(%dma_start3A_244 : memref<8x256xf32, #tpu.memory_space<vmem>>) target_semaphore(%arg8 : memref<!tpu.dma_semaphore, #tpu.memory_space<semaphore_mem>>)
        %dma_start3A_247 = arith.constant 40 : i32
        %dma_start3A_248 = arith.constant 0 : i32
        %dma_start3A_249 = tpu.memref_slice %arg4[%dma_start3A_247, %dma_start3A_248] : memref<64x256xf32, #tpu.memory_space<vmem>> -> memref<8x256xf32, #tpu.memory_space<vmem>>
        %dma_start3A_250 = arith.constant 40 : i32
        %dma_start3A_251 = tpu.memref_slice %arg2[%dma_start3A_250, %multiple_of3A] : memref<64x1000000xf32, #tpu.memory_space<hbm>> -> memref<8x256xf32, #tpu.memory_space<hbm>>
        %dma_start3A_252 = arith.constant 40 : i32
        %dma_start3A_253 = arith.constant 0 : i32
        %dma_start3A_254 = tpu.memref_slice %arg4[%dma_start3A_252, %dma_start3A_253] : memref<64x256xf32, #tpu.memory_space<vmem>> -> memref<8x256xf32, #tpu.memory_space<vmem>>
        %dma_start3A_255 = arith.constant 40 : i32
        %dma_start3A_256 = tpu.memref_slice %arg2[%dma_start3A_255, %multiple_of3A] : memref<64x1000000xf32, #tpu.memory_space<hbm>> -> memref<8x256xf32, #tpu.memory_space<hbm>>
        tpu.enqueue_dma source(%dma_start3A_256 : memref<8x256xf32, #tpu.memory_space<hbm>>) target(%dma_start3A_254 : memref<8x256xf32, #tpu.memory_space<vmem>>) target_semaphore(%arg8 : memref<!tpu.dma_semaphore, #tpu.memory_space<semaphore_mem>>)
        %dma_start3A_257 = arith.constant 48 : i32
        %dma_start3A_258 = arith.constant 0 : i32
        %dma_start3A_259 = tpu.memref_slice %arg4[%dma_start3A_257, %dma_start3A_258] : memref<64x256xf32, #tpu.memory_space<vmem>> -> memref<8x256xf32, #tpu.memory_space<vmem>>
        %dma_start3A_260 = arith.constant 48 : i32
        %dma_start3A_261 = tpu.memref_slice %arg2[%dma_start3A_260, %multiple_of3A] : memref<64x1000000xf32, #tpu.memory_space<hbm>> -> memref<8x256xf32, #tpu.memory_space<hbm>>
        %dma_start3A_262 = arith.constant 48 : i32
        %dma_start3A_263 = arith.constant 0 : i32
        %dma_start3A_264 = tpu.memref_slice %arg4[%dma_start3A_262, %dma_start3A_263] : memref<64x256xf32, #tpu.memory_space<vmem>> -> memref<8x256xf32, #tpu.memory_space<vmem>>
        %dma_start3A_265 = arith.constant 48 : i32
        %dma_start3A_266 = tpu.memref_slice %arg2[%dma_start3A_265, %multiple_of3A] : memref<64x1000000xf32, #tpu.memory_space<hbm>> -> memref<8x256xf32, #tpu.memory_space<hbm>>
        tpu.enqueue_dma source(%dma_start3A_266 : memref<8x256xf32, #tpu.memory_space<hbm>>) target(%dma_start3A_264 : memref<8x256xf32, #tpu.memory_space<vmem>>) target_semaphore(%arg8 : memref<!tpu.dma_semaphore, #tpu.memory_space<semaphore_mem>>)
        %dma_start3A_267 = arith.constant 56 : i32
        %dma_start3A_268 = arith.constant 0 : i32
        %dma_start3A_269 = tpu.memref_slice %arg4[%dma_start3A_267, %dma_start3A_268] : memref<64x256xf32, #tpu.memory_space<vmem>> -> memref<8x256xf32, #tpu.memory_space<vmem>>
        %dma_start3A_270 = arith.constant 56 : i32
        %dma_start3A_271 = tpu.memref_slice %arg2[%dma_start3A_270, %multiple_of3A] : memref<64x1000000xf32, #tpu.memory_space<hbm>> -> memref<8x256xf32, #tpu.memory_space<hbm>>
        %dma_start3A_272 = arith.constant 56 : i32
        %dma_start3A_273 = arith.constant 0 : i32
        %dma_start3A_274 = tpu.memref_slice %arg4[%dma_start3A_272, %dma_start3A_273] : memref<64x256xf32, #tpu.memory_space<vmem>> -> memref<8x256xf32, #tpu.memory_space<vmem>>
        %dma_start3A_275 = arith.constant 56 : i32
        %dma_start3A_276 = tpu.memref_slice %arg2[%dma_start3A_275, %multiple_of3A] : memref<64x1000000xf32, #tpu.memory_space<hbm>> -> memref<8x256xf32, #tpu.memory_space<hbm>>
        tpu.enqueue_dma source(%dma_start3A_276 : memref<8x256xf32, #tpu.memory_space<hbm>>) target(%dma_start3A_274 : memref<8x256xf32, #tpu.memory_space<vmem>>) target_semaphore(%arg8 : memref<!tpu.dma_semaphore, #tpu.memory_space<semaphore_mem>>)
      } else {
      }
      %lt3A_169 = arith.constant 3907 : i32
      %lt3A_170 = arith.cmpi slt, %add3A_161, %lt3A_169 : i32
      %convert_element_type3A_171 = arith.extui %lt3A_170 : i1 to i32
      %cond3A_172 = arith.constant 0 : i32
      %cond3A_173 = arith.cmpi ne, %convert_element_type3A_171, %cond3A_172 : i32
      scf.if %cond3A_173 {
        %mul3A_195 = arith.constant 256 : i32
        %mul3A_196 = arith.muli %add3A_161, %mul3A_195 : i32
        %min3A = arith.constant 999808 : i32
        %min3A_197 = arith.minsi %mul3A_196, %min3A : i32
        %multiple_of3A = tpu.assume_multiple %min3A_197, 128 : i32
        %dma_wait3A = arith.constant 0 : i32
        %dma_wait3A_198 = arith.constant 0 : i32
        %dma_wait3A_199 = tpu.memref_slice %arg5[%dma_wait3A, %dma_wait3A_198] : memref<64x256xf32, #tpu.memory_space<vmem>> -> memref<8x256xf32, #tpu.memory_space<vmem>>
        %dma_wait3A_200 = arith.constant 0 : i32
        %dma_wait3A_201 = tpu.memref_slice %arg2[%dma_wait3A_200, %multiple_of3A] : memref<64x1000000xf32, #tpu.memory_space<hbm>> -> memref<8x256xf32, #tpu.memory_space<hbm>>
        %dma_wait3A_202 = arith.constant 0 : i32
        %dma_wait3A_203 = arith.constant 0 : i32
        %dma_wait3A_204 = tpu.memref_slice %arg5[%dma_wait3A_202, %dma_wait3A_203] : memref<64x256xf32, #tpu.memory_space<vmem>> -> memref<8x256xf32, #tpu.memory_space<vmem>>
        %dma_wait3A_205 = arith.constant 0 : i32
        %dma_wait3A_206 = tpu.memref_slice %arg2[%dma_wait3A_205, %multiple_of3A] : memref<64x1000000xf32, #tpu.memory_space<hbm>> -> memref<8x256xf32, #tpu.memory_space<hbm>>
        tpu.wait_dma2 semaphore(%arg9 : memref<!tpu.dma_semaphore, #tpu.memory_space<semaphore_mem>>) src(%dma_wait3A_206 : memref<8x256xf32, #tpu.memory_space<hbm>>) dst(%dma_wait3A_204 : memref<8x256xf32, #tpu.memory_space<vmem>>)
        %dma_wait3A_207 = arith.constant 8 : i32
        %dma_wait3A_208 = arith.constant 0 : i32
        %dma_wait3A_209 = tpu.memref_slice %arg5[%dma_wait3A_207, %dma_wait3A_208] : memref<64x256xf32, #tpu.memory_space<vmem>> -> memref<8x256xf32, #tpu.memory_space<vmem>>
        %dma_wait3A_210 = arith.constant 8 : i32
        %dma_wait3A_211 = tpu.memref_slice %arg2[%dma_wait3A_210, %multiple_of3A] : memref<64x1000000xf32, #tpu.memory_space<hbm>> -> memref<8x256xf32, #tpu.memory_space<hbm>>
        %dma_wait3A_212 = arith.constant 8 : i32
        %dma_wait3A_213 = arith.constant 0 : i32
        %dma_wait3A_214 = tpu.memref_slice %arg5[%dma_wait3A_212, %dma_wait3A_213] : memref<64x256xf32, #tpu.memory_space<vmem>> -> memref<8x256xf32, #tpu.memory_space<vmem>>
        %dma_wait3A_215 = arith.constant 8 : i32
        %dma_wait3A_216 = tpu.memref_slice %arg2[%dma_wait3A_215, %multiple_of3A] : memref<64x1000000xf32, #tpu.memory_space<hbm>> -> memref<8x256xf32, #tpu.memory_space<hbm>>
        tpu.wait_dma2 semaphore(%arg9 : memref<!tpu.dma_semaphore, #tpu.memory_space<semaphore_mem>>) src(%dma_wait3A_216 : memref<8x256xf32, #tpu.memory_space<hbm>>) dst(%dma_wait3A_214 : memref<8x256xf32, #tpu.memory_space<vmem>>)
        %dma_wait3A_217 = arith.constant 16 : i32
        %dma_wait3A_218 = arith.constant 0 : i32
        %dma_wait3A_219 = tpu.memref_slice %arg5[%dma_wait3A_217, %dma_wait3A_218] : memref<64x256xf32, #tpu.memory_space<vmem>> -> memref<8x256xf32, #tpu.memory_space<vmem>>
        %dma_wait3A_220 = arith.constant 16 : i32
        %dma_wait3A_221 = tpu.memref_slice %arg2[%dma_wait3A_220, %multiple_of3A] : memref<64x1000000xf32, #tpu.memory_space<hbm>> -> memref<8x256xf32, #tpu.memory_space<hbm>>
        %dma_wait3A_222 = arith.constant 16 : i32
        %dma_wait3A_223 = arith.constant 0 : i32
        %dma_wait3A_224 = tpu.memref_slice %arg5[%dma_wait3A_222, %dma_wait3A_223] : memref<64x256xf32, #tpu.memory_space<vmem>> -> memref<8x256xf32, #tpu.memory_space<vmem>>
        %dma_wait3A_225 = arith.constant 16 : i32
        %dma_wait3A_226 = tpu.memref_slice %arg2[%dma_wait3A_225, %multiple_of3A] : memref<64x1000000xf32, #tpu.memory_space<hbm>> -> memref<8x256xf32, #tpu.memory_space<hbm>>
        tpu.wait_dma2 semaphore(%arg9 : memref<!tpu.dma_semaphore, #tpu.memory_space<semaphore_mem>>) src(%dma_wait3A_226 : memref<8x256xf32, #tpu.memory_space<hbm>>) dst(%dma_wait3A_224 : memref<8x256xf32, #tpu.memory_space<vmem>>)
        %dma_wait3A_227 = arith.constant 24 : i32
        %dma_wait3A_228 = arith.constant 0 : i32
        %dma_wait3A_229 = tpu.memref_slice %arg5[%dma_wait3A_227, %dma_wait3A_228] : memref<64x256xf32, #tpu.memory_space<vmem>> -> memref<8x256xf32, #tpu.memory_space<vmem>>
        %dma_wait3A_230 = arith.constant 24 : i32
        %dma_wait3A_231 = tpu.memref_slice %arg2[%dma_wait3A_230, %multiple_of3A] : memref<64x1000000xf32, #tpu.memory_space<hbm>> -> memref<8x256xf32, #tpu.memory_space<hbm>>
        %dma_wait3A_232 = arith.constant 24 : i32
        %dma_wait3A_233 = arith.constant 0 : i32
        %dma_wait3A_234 = tpu.memref_slice %arg5[%dma_wait3A_232, %dma_wait3A_233] : memref<64x256xf32, #tpu.memory_space<vmem>> -> memref<8x256xf32, #tpu.memory_space<vmem>>
        %dma_wait3A_235 = arith.constant 24 : i32
        %dma_wait3A_236 = tpu.memref_slice %arg2[%dma_wait3A_235, %multiple_of3A] : memref<64x1000000xf32, #tpu.memory_space<hbm>> -> memref<8x256xf32, #tpu.memory_space<hbm>>
        tpu.wait_dma2 semaphore(%arg9 : memref<!tpu.dma_semaphore, #tpu.memory_space<semaphore_mem>>) src(%dma_wait3A_236 : memref<8x256xf32, #tpu.memory_space<hbm>>) dst(%dma_wait3A_234 : memref<8x256xf32, #tpu.memory_space<vmem>>)
        %dma_wait3A_237 = arith.constant 32 : i32
        %dma_wait3A_238 = arith.constant 0 : i32
        %dma_wait3A_239 = tpu.memref_slice %arg5[%dma_wait3A_237, %dma_wait3A_238] : memref<64x256xf32, #tpu.memory_space<vmem>> -> memref<8x256xf32, #tpu.memory_space<vmem>>
        %dma_wait3A_240 = arith.constant 32 : i32
        %dma_wait3A_241 = tpu.memref_slice %arg2[%dma_wait3A_240, %multiple_of3A] : memref<64x1000000xf32, #tpu.memory_space<hbm>> -> memref<8x256xf32, #tpu.memory_space<hbm>>
        %dma_wait3A_242 = arith.constant 32 : i32
        %dma_wait3A_243 = arith.constant 0 : i32
        %dma_wait3A_244 = tpu.memref_slice %arg5[%dma_wait3A_242, %dma_wait3A_243] : memref<64x256xf32, #tpu.memory_space<vmem>> -> memref<8x256xf32, #tpu.memory_space<vmem>>
        %dma_wait3A_245 = arith.constant 32 : i32
        %dma_wait3A_246 = tpu.memref_slice %arg2[%dma_wait3A_245, %multiple_of3A] : memref<64x1000000xf32, #tpu.memory_space<hbm>> -> memref<8x256xf32, #tpu.memory_space<hbm>>
        tpu.wait_dma2 semaphore(%arg9 : memref<!tpu.dma_semaphore, #tpu.memory_space<semaphore_mem>>) src(%dma_wait3A_246 : memref<8x256xf32, #tpu.memory_space<hbm>>) dst(%dma_wait3A_244 : memref<8x256xf32, #tpu.memory_space<vmem>>)
        %dma_wait3A_247 = arith.constant 40 : i32
        %dma_wait3A_248 = arith.constant 0 : i32
        %dma_wait3A_249 = tpu.memref_slice %arg5[%dma_wait3A_247, %dma_wait3A_248] : memref<64x256xf32, #tpu.memory_space<vmem>> -> memref<8x256xf32, #tpu.memory_space<vmem>>
        %dma_wait3A_250 = arith.constant 40 : i32
        %dma_wait3A_251 = tpu.memref_slice %arg2[%dma_wait3A_250, %multiple_of3A] : memref<64x1000000xf32, #tpu.memory_space<hbm>> -> memref<8x256xf32, #tpu.memory_space<hbm>>
        %dma_wait3A_252 = arith.constant 40 : i32
        %dma_wait3A_253 = arith.constant 0 : i32
        %dma_wait3A_254 = tpu.memref_slice %arg5[%dma_wait3A_252, %dma_wait3A_253] : memref<64x256xf32, #tpu.memory_space<vmem>> -> memref<8x256xf32, #tpu.memory_space<vmem>>
        %dma_wait3A_255 = arith.constant 40 : i32
        %dma_wait3A_256 = tpu.memref_slice %arg2[%dma_wait3A_255, %multiple_of3A] : memref<64x1000000xf32, #tpu.memory_space<hbm>> -> memref<8x256xf32, #tpu.memory_space<hbm>>
        tpu.wait_dma2 semaphore(%arg9 : memref<!tpu.dma_semaphore, #tpu.memory_space<semaphore_mem>>) src(%dma_wait3A_256 : memref<8x256xf32, #tpu.memory_space<hbm>>) dst(%dma_wait3A_254 : memref<8x256xf32, #tpu.memory_space<vmem>>)
        %dma_wait3A_257 = arith.constant 48 : i32
        %dma_wait3A_258 = arith.constant 0 : i32
        %dma_wait3A_259 = tpu.memref_slice %arg5[%dma_wait3A_257, %dma_wait3A_258] : memref<64x256xf32, #tpu.memory_space<vmem>> -> memref<8x256xf32, #tpu.memory_space<vmem>>
        %dma_wait3A_260 = arith.constant 48 : i32
        %dma_wait3A_261 = tpu.memref_slice %arg2[%dma_wait3A_260, %multiple_of3A] : memref<64x1000000xf32, #tpu.memory_space<hbm>> -> memref<8x256xf32, #tpu.memory_space<hbm>>
        %dma_wait3A_262 = arith.constant 48 : i32
        %dma_wait3A_263 = arith.constant 0 : i32
        %dma_wait3A_264 = tpu.memref_slice %arg5[%dma_wait3A_262, %dma_wait3A_263] : memref<64x256xf32, #tpu.memory_space<vmem>> -> memref<8x256xf32, #tpu.memory_space<vmem>>
        %dma_wait3A_265 = arith.constant 48 : i32
        %dma_wait3A_266 = tpu.memref_slice %arg2[%dma_wait3A_265, %multiple_of3A] : memref<64x1000000xf32, #tpu.memory_space<hbm>> -> memref<8x256xf32, #tpu.memory_space<hbm>>
        tpu.wait_dma2 semaphore(%arg9 : memref<!tpu.dma_semaphore, #tpu.memory_space<semaphore_mem>>) src(%dma_wait3A_266 : memref<8x256xf32, #tpu.memory_space<hbm>>) dst(%dma_wait3A_264 : memref<8x256xf32, #tpu.memory_space<vmem>>)
        %dma_wait3A_267 = arith.constant 56 : i32
        %dma_wait3A_268 = arith.constant 0 : i32
        %dma_wait3A_269 = tpu.memref_slice %arg5[%dma_wait3A_267, %dma_wait3A_268] : memref<64x256xf32, #tpu.memory_space<vmem>> -> memref<8x256xf32, #tpu.memory_space<vmem>>
        %dma_wait3A_270 = arith.constant 56 : i32
        %dma_wait3A_271 = tpu.memref_slice %arg2[%dma_wait3A_270, %multiple_of3A] : memref<64x1000000xf32, #tpu.memory_space<hbm>> -> memref<8x256xf32, #tpu.memory_space<hbm>>
        %dma_wait3A_272 = arith.constant 56 : i32
        %dma_wait3A_273 = arith.constant 0 : i32
        %dma_wait3A_274 = tpu.memref_slice %arg5[%dma_wait3A_272, %dma_wait3A_273] : memref<64x256xf32, #tpu.memory_space<vmem>> -> memref<8x256xf32, #tpu.memory_space<vmem>>
        %dma_wait3A_275 = arith.constant 56 : i32
        %dma_wait3A_276 = tpu.memref_slice %arg2[%dma_wait3A_275, %multiple_of3A] : memref<64x1000000xf32, #tpu.memory_space<hbm>> -> memref<8x256xf32, #tpu.memory_space<hbm>>
        tpu.wait_dma2 semaphore(%arg9 : memref<!tpu.dma_semaphore, #tpu.memory_space<semaphore_mem>>) src(%dma_wait3A_276 : memref<8x256xf32, #tpu.memory_space<hbm>>) dst(%dma_wait3A_274 : memref<8x256xf32, #tpu.memory_space<vmem>>)
      } else {
      }
      %sub3A_174 = arith.constant 64 : i32
      %sub3A_175 = arith.subi %add3A_161, %sub3A_174 : i32
      %ge3A_176 = arith.constant 0 : i32
      %ge3A_177 = arith.cmpi sge, %sub3A_175, %ge3A_176 : i32
      %lt3A_178 = arith.constant 3907 : i32
      %lt3A_179 = arith.cmpi slt, %sub3A_175, %lt3A_178 : i32
      %and3A_180 = arith.andi %ge3A_177, %lt3A_179 : i1
      %convert_element_type3A_181 = arith.extui %and3A_180 : i1 to i32
      %cond3A_182 = arith.constant 0 : i32
      %cond3A_183 = arith.cmpi ne, %convert_element_type3A_181, %cond3A_182 : i32
      scf.if %cond3A_183 {
        %mul3A_195 = arith.constant 256 : i32
        %mul3A_196 = arith.muli %sub3A_175, %mul3A_195 : i32
        %min3A = arith.constant 999808 : i32
        %min3A_197 = arith.minsi %mul3A_196, %min3A : i32
        %multiple_of3A = tpu.assume_multiple %min3A_197, 128 : i32
        %mul3A_198 = arith.constant 64 : i32
        %mul3A_199 = arith.muli %multiple_of3A, %mul3A_198 : i32
        %dma_wait3A = tpu.memref_slice %arg3[%mul3A_199] : memref<64004096xf32, #tpu.memory_space<hbm>> -> memref<16384xf32, #tpu.memory_space<hbm>>
        %dma_wait3A_200 = tpu.memref_slice %arg3[%mul3A_199] : memref<64004096xf32, #tpu.memory_space<hbm>> -> memref<16384xf32, #tpu.memory_space<hbm>>
        tpu.wait_dma2 semaphore(%arg11 : memref<!tpu.dma_semaphore, #tpu.memory_space<semaphore_mem>>) src(%arg7 : memref<16384xf32, #tpu.memory_space<vmem>>) dst(%dma_wait3A_200 : memref<16384xf32, #tpu.memory_space<hbm>>)
      } else {
      }
      %scan3A_184 = arith.constant 0 : i32
      %scan3A_185 = arith.constant 0 : i32
      %scan3A_186 = arith.constant 64 : i32
      %scan3A_187 = arith.addi %scan3A_185, %scan3A_186 : i32
      %scan3A_188 = arith.constant 1 : i32
      scf.for %scan3A_195 = %scan3A_185 to %scan3A_187 step %scan3A_188  : i32 {
        %shift_right_arithmetic3A = arith.constant 2 : i32
        %shift_right_arithmetic3A_196 = arith.shrsi %scan3A_195, %shift_right_arithmetic3A : i32
        %and3A_197 = arith.constant 3 : i32
        %and3A_198 = arith.andi %scan3A_195, %and3A_197 : i32
        %mul3A_199 = arith.constant 16 : i32
        %mul3A_200 = arith.muli %shift_right_arithmetic3A_196, %mul3A_199 : i32
        %add3A_201 = vector.broadcast %mul3A_200 : i32 to vector<16xi32>
        %add3A_202 = arith.addi %add3A_201, %iota3A : vector<16xi32>
        %mul3A_203 = arith.constant 64 : i32
        %mul3A_204 = vector.broadcast %mul3A_203 : i32 to vector<16xi32>
        %mul3A_205 = arith.muli %add3A_202, %mul3A_204 : vector<16xi32>
        %mul3A_206 = arith.constant 16 : i32
        %mul3A_207 = arith.muli %and3A_198, %mul3A_206 : i32
        %add3A_208 = vector.broadcast %mul3A_207 : i32 to vector<16xi32>
        %add3A_209 = arith.addi %add3A_208, %and3A_5 : vector<16xi32>
        %gather3A = tpu.vector_load_idx %arg5[%add3A_209, %add3A_202] : memref<64x256xf32, #tpu.memory_space<vmem>>[vector<16xi32>, vector<16xi32>], vector<16xf32>,
        %add3A_210 = arith.addi %mul3A_205, %add3A_209 : vector<16xi32>
        tpu.vector_store_idx %arg7[%add3A_210], %gather3A : memref<16384xf32, #tpu.memory_space<vmem>>[vector<16xi32>], vector<16xf32>,
        %mul3A_211 = arith.constant 16 : i32
        %mul3A_212 = arith.muli %and3A_198, %mul3A_211 : i32
        %add3A_213 = vector.broadcast %mul3A_212 : i32 to vector<16xi32>
        %add3A_214 = arith.addi %add3A_213, %and3A_11 : vector<16xi32>
        %gather3A_215 = tpu.vector_load_idx %arg5[%add3A_214, %add3A_202] : memref<64x256xf32, #tpu.memory_space<vmem>>[vector<16xi32>, vector<16xi32>], vector<16xf32>,
        %add3A_216 = arith.addi %mul3A_205, %add3A_214 : vector<16xi32>
        tpu.vector_store_idx %arg7[%add3A_216], %gather3A_215 : memref<16384xf32, #tpu.memory_space<vmem>>[vector<16xi32>], vector<16xf32>,
        %mul3A_217 = arith.constant 16 : i32
        %mul3A_218 = arith.muli %and3A_198, %mul3A_217 : i32
        %add3A_219 = vector.broadcast %mul3A_218 : i32 to vector<16xi32>
        %add3A_220 = arith.addi %add3A_219, %and3A_17 : vector<16xi32>
        %gather3A_221 = tpu.vector_load_idx %arg5[%add3A_220, %add3A_202] : memref<64x256xf32, #tpu.memory_space<vmem>>[vector<16xi32>, vector<16xi32>], vector<16xf32>,
        %add3A_222 = arith.addi %mul3A_205, %add3A_220 : vector<16xi32>
        tpu.vector_store_idx %arg7[%add3A_222], %gather3A_221 : memref<16384xf32, #tpu.memory_space<vmem>>[vector<16xi32>], vector<16xf32>,
        %mul3A_223 = arith.constant 16 : i32
        %mul3A_224 = arith.muli %and3A_198, %mul3A_223 : i32
        %add3A_225 = vector.broadcast %mul3A_224 : i32 to vector<16xi32>
        %add3A_226 = arith.addi %add3A_225, %and3A_23 : vector<16xi32>
        %gather3A_227 = tpu.vector_load_idx %arg5[%add3A_226, %add3A_202] : memref<64x256xf32, #tpu.memory_space<vmem>>[vector<16xi32>, vector<16xi32>], vector<16xf32>,
        %add3A_228 = arith.addi %mul3A_205, %add3A_226 : vector<16xi32>
        tpu.vector_store_idx %arg7[%add3A_228], %gather3A_227 : memref<16384xf32, #tpu.memory_space<vmem>>[vector<16xi32>], vector<16xf32>,
        %mul3A_229 = arith.constant 16 : i32
        %mul3A_230 = arith.muli %and3A_198, %mul3A_229 : i32
        %add3A_231 = vector.broadcast %mul3A_230 : i32 to vector<16xi32>
        %add3A_232 = arith.addi %add3A_231, %and3A_29 : vector<16xi32>
        %gather3A_233 = tpu.vector_load_idx %arg5[%add3A_232, %add3A_202] : memref<64x256xf32, #tpu.memory_space<vmem>>[vector<16xi32>, vector<16xi32>], vector<16xf32>,
        %add3A_234 = arith.addi %mul3A_205, %add3A_232 : vector<16xi32>
        tpu.vector_store_idx %arg7[%add3A_234], %gather3A_233 : memref<16384xf32, #tpu.memory_space<vmem>>[vector<16xi32>], vector<16xf32>,
        %mul3A_235 = arith.constant 16 : i32
        %mul3A_236 = arith.muli %and3A_198, %mul3A_235 : i32
        %add3A_237 = vector.broadcast %mul3A_236 : i32 to vector<16xi32>
        %add3A_238 = arith.addi %add3A_237, %and3A_35 : vector<16xi32>
        %gather3A_239 = tpu.vector_load_idx %arg5[%add3A_238, %add3A_202] : memref<64x256xf32, #tpu.memory_space<vmem>>[vector<16xi32>, vector<16xi32>], vector<16xf32>,
        %add3A_240 = arith.addi %mul3A_205, %add3A_238 : vector<16xi32>
        tpu.vector_store_idx %arg7[%add3A_240], %gather3A_239 : memref<16384xf32, #tpu.memory_space<vmem>>[vector<16xi32>], vector<16xf32>,
        %mul3A_241 = arith.constant 16 : i32
        %mul3A_242 = arith.muli %and3A_198, %mul3A_241 : i32
        %add3A_243 = vector.broadcast %mul3A_242 : i32 to vector<16xi32>
        %add3A_244 = arith.addi %add3A_243, %and3A_41 : vector<16xi32>
        %gather3A_245 = tpu.vector_load_idx %arg5[%add3A_244, %add3A_202] : memref<64x256xf32, #tpu.memory_space<vmem>>[vector<16xi32>, vector<16xi32>], vector<16xf32>,
        %add3A_246 = arith.addi %mul3A_205, %add3A_244 : vector<16xi32>
        tpu.vector_store_idx %arg7[%add3A_246], %gather3A_245 : memref<16384xf32, #tpu.memory_space<vmem>>[vector<16xi32>], vector<16xf32>,
        %mul3A_247 = arith.constant 16 : i32
        %mul3A_248 = arith.muli %and3A_198, %mul3A_247 : i32
        %add3A_249 = vector.broadcast %mul3A_248 : i32 to vector<16xi32>
        %add3A_250 = arith.addi %add3A_249, %and3A_47 : vector<16xi32>
        %gather3A_251 = tpu.vector_load_idx %arg5[%add3A_250, %add3A_202] : memref<64x256xf32, #tpu.memory_space<vmem>>[vector<16xi32>, vector<16xi32>], vector<16xf32>,
        %add3A_252 = arith.addi %mul3A_205, %add3A_250 : vector<16xi32>
        tpu.vector_store_idx %arg7[%add3A_252], %gather3A_251 : memref<16384xf32, #tpu.memory_space<vmem>>[vector<16xi32>], vector<16xf32>,
        %mul3A_253 = arith.constant 16 : i32
        %mul3A_254 = arith.muli %and3A_198, %mul3A_253 : i32
        %add3A_255 = vector.broadcast %mul3A_254 : i32 to vector<16xi32>
        %add3A_256 = arith.addi %add3A_255, %and3A_53 : vector<16xi32>
        %gather3A_257 = tpu.vector_load_idx %arg5[%add3A_256, %add3A_202] : memref<64x256xf32, #tpu.memory_space<vmem>>[vector<16xi32>, vector<16xi32>], vector<16xf32>,
        %add3A_258 = arith.addi %mul3A_205, %add3A_256 : vector<16xi32>
        tpu.vector_store_idx %arg7[%add3A_258], %gather3A_257 : memref<16384xf32, #tpu.memory_space<vmem>>[vector<16xi32>], vector<16xf32>,
        %mul3A_259 = arith.constant 16 : i32
        %mul3A_260 = arith.muli %and3A_198, %mul3A_259 : i32
        %add3A_261 = vector.broadcast %mul3A_260 : i32 to vector<16xi32>
        %add3A_262 = arith.addi %add3A_261, %and3A_59 : vector<16xi32>
        %gather3A_263 = tpu.vector_load_idx %arg5[%add3A_262, %add3A_202] : memref<64x256xf32, #tpu.memory_space<vmem>>[vector<16xi32>, vector<16xi32>], vector<16xf32>,
        %add3A_264 = arith.addi %mul3A_205, %add3A_262 : vector<16xi32>
        tpu.vector_store_idx %arg7[%add3A_264], %gather3A_263 : memref<16384xf32, #tpu.memory_space<vmem>>[vector<16xi32>], vector<16xf32>,
        %mul3A_265 = arith.constant 16 : i32
        %mul3A_266 = arith.muli %and3A_198, %mul3A_265 : i32
        %add3A_267 = vector.broadcast %mul3A_266 : i32 to vector<16xi32>
        %add3A_268 = arith.addi %add3A_267, %and3A_65 : vector<16xi32>
        %gather3A_269 = tpu.vector_load_idx %arg5[%add3A_268, %add3A_202] : memref<64x256xf32, #tpu.memory_space<vmem>>[vector<16xi32>, vector<16xi32>], vector<16xf32>,
        %add3A_270 = arith.addi %mul3A_205, %add3A_268 : vector<16xi32>
        tpu.vector_store_idx %arg7[%add3A_270], %gather3A_269 : memref<16384xf32, #tpu.memory_space<vmem>>[vector<16xi32>], vector<16xf32>,
        %mul3A_271 = arith.constant 16 : i32
        %mul3A_272 = arith.muli %and3A_198, %mul3A_271 : i32
        %add3A_273 = vector.broadcast %mul3A_272 : i32 to vector<16xi32>
        %add3A_274 = arith.addi %add3A_273, %and3A_71 : vector<16xi32>
        %gather3A_275 = tpu.vector_load_idx %arg5[%add3A_274, %add3A_202] : memref<64x256xf32, #tpu.memory_space<vmem>>[vector<16xi32>, vector<16xi32>], vector<16xf32>,
        %add3A_276 = arith.addi %mul3A_205, %add3A_274 : vector<16xi32>
        tpu.vector_store_idx %arg7[%add3A_276], %gather3A_275 : memref<16384xf32, #tpu.memory_space<vmem>>[vector<16xi32>], vector<16xf32>,
        %mul3A_277 = arith.constant 16 : i32
        %mul3A_278 = arith.muli %and3A_198, %mul3A_277 : i32
        %add3A_279 = vector.broadcast %mul3A_278 : i32 to vector<16xi32>
        %add3A_280 = arith.addi %add3A_279, %and3A_77 : vector<16xi32>
        %gather3A_281 = tpu.vector_load_idx %arg5[%add3A_280, %add3A_202] : memref<64x256xf32, #tpu.memory_space<vmem>>[vector<16xi32>, vector<16xi32>], vector<16xf32>,
        %add3A_282 = arith.addi %mul3A_205, %add3A_280 : vector<16xi32>
        tpu.vector_store_idx %arg7[%add3A_282], %gather3A_281 : memref<16384xf32, #tpu.memory_space<vmem>>[vector<16xi32>], vector<16xf32>,
        %mul3A_283 = arith.constant 16 : i32
        %mul3A_284 = arith.muli %and3A_198, %mul3A_283 : i32
        %add3A_285 = vector.broadcast %mul3A_284 : i32 to vector<16xi32>
        %add3A_286 = arith.addi %add3A_285, %and3A_83 : vector<16xi32>
        %gather3A_287 = tpu.vector_load_idx %arg5[%add3A_286, %add3A_202] : memref<64x256xf32, #tpu.memory_space<vmem>>[vector<16xi32>, vector<16xi32>], vector<16xf32>,
        %add3A_288 = arith.addi %mul3A_205, %add3A_286 : vector<16xi32>
        tpu.vector_store_idx %arg7[%add3A_288], %gather3A_287 : memref<16384xf32, #tpu.memory_space<vmem>>[vector<16xi32>], vector<16xf32>,
        %mul3A_289 = arith.constant 16 : i32
        %mul3A_290 = arith.muli %and3A_198, %mul3A_289 : i32
        %add3A_291 = vector.broadcast %mul3A_290 : i32 to vector<16xi32>
        %add3A_292 = arith.addi %add3A_291, %and3A_89 : vector<16xi32>
        %gather3A_293 = tpu.vector_load_idx %arg5[%add3A_292, %add3A_202] : memref<64x256xf32, #tpu.memory_space<vmem>>[vector<16xi32>, vector<16xi32>], vector<16xf32>,
        %add3A_294 = arith.addi %mul3A_205, %add3A_292 : vector<16xi32>
        tpu.vector_store_idx %arg7[%add3A_294], %gather3A_293 : memref<16384xf32, #tpu.memory_space<vmem>>[vector<16xi32>], vector<16xf32>,
        %mul3A_295 = arith.constant 16 : i32
        %mul3A_296 = arith.muli %and3A_198, %mul3A_295 : i32
        %add3A_297 = vector.broadcast %mul3A_296 : i32 to vector<16xi32>
        %add3A_298 = arith.addi %add3A_297, %and3A_95 : vector<16xi32>
        %gather3A_299 = tpu.vector_load_idx %arg5[%add3A_298, %add3A_202] : memref<64x256xf32, #tpu.memory_space<vmem>>[vector<16xi32>, vector<16xi32>], vector<16xf32>,
        %add3A_300 = arith.addi %mul3A_205, %add3A_298 : vector<16xi32>
        tpu.vector_store_idx %arg7[%add3A_300], %gather3A_299 : memref<16384xf32, #tpu.memory_space<vmem>>[vector<16xi32>], vector<16xf32>,
      }
      %scan3A_189 = arith.constant 64 : i32
      %lt3A_190 = arith.constant 3907 : i32
      %lt3A_191 = arith.cmpi slt, %add3A_161, %lt3A_190 : i32
      %convert_element_type3A_192 = arith.extui %lt3A_191 : i1 to i32
      %cond3A_193 = arith.constant 0 : i32
      %cond3A_194 = arith.cmpi ne, %convert_element_type3A_192, %cond3A_193 : i32
      scf.if %cond3A_194 {
        %mul3A_195 = arith.constant 256 : i32
        %mul3A_196 = arith.muli %add3A_161, %mul3A_195 : i32
        %min3A = arith.constant 999808 : i32
        %min3A_197 = arith.minsi %mul3A_196, %min3A : i32
        %multiple_of3A = tpu.assume_multiple %min3A_197, 128 : i32
        %mul3A_198 = arith.constant 64 : i32
        %mul3A_199 = arith.muli %multiple_of3A, %mul3A_198 : i32
        %dma_start3A = tpu.memref_slice %arg3[%mul3A_199] : memref<64004096xf32, #tpu.memory_space<hbm>> -> memref<16384xf32, #tpu.memory_space<hbm>>
        %dma_start3A_200 = tpu.memref_slice %arg3[%mul3A_199] : memref<64004096xf32, #tpu.memory_space<hbm>> -> memref<16384xf32, #tpu.memory_space<hbm>>
        tpu.enqueue_dma source(%arg7 : memref<16384xf32, #tpu.memory_space<vmem>>) target(%dma_start3A_200 : memref<16384xf32, #tpu.memory_space<hbm>>) target_semaphore(%arg11 : memref<!tpu.dma_semaphore, #tpu.memory_space<semaphore_mem>>)
      } else {
      }
    }
    %scan3A_102 = arith.constant 62 : i32
    %add3A_103 = arith.constant 3904 : i32
    %add3A_104 = arith.addi %add3A, %add3A_103 : i32
    %ge3A = arith.constant 0 : i32
    %ge3A_105 = arith.cmpi sge, %add3A_104, %ge3A : i32
    %lt3A_106 = arith.constant 3907 : i32
    %lt3A_107 = arith.cmpi slt, %add3A_104, %lt3A_106 : i32
    %and3A_108 = arith.andi %ge3A_105, %lt3A_107 : i1
    %convert_element_type3A_109 = arith.extui %and3A_108 : i1 to i32
    %cond3A_110 = arith.constant 0 : i32
    %cond3A_111 = arith.cmpi ne, %convert_element_type3A_109, %cond3A_110 : i32
    scf.if %cond3A_111 {
      %mul3A_122 = arith.constant 256 : i32
      %mul3A_123 = arith.muli %add3A_104, %mul3A_122 : i32
      %min3A = arith.constant 999808 : i32
      %min3A_124 = arith.minsi %mul3A_123, %min3A : i32
      %multiple_of3A = tpu.assume_multiple %min3A_124, 128 : i32
      %mul3A_125 = arith.constant 64 : i32
      %mul3A_126 = arith.muli %multiple_of3A, %mul3A_125 : i32
      %dma_wait3A = tpu.memref_slice %arg3[%mul3A_126] : memref<64004096xf32, #tpu.memory_space<hbm>> -> memref<16384xf32, #tpu.memory_space<hbm>>
      %dma_wait3A_127 = tpu.memref_slice %arg3[%mul3A_126] : memref<64004096xf32, #tpu.memory_space<hbm>> -> memref<16384xf32, #tpu.memory_space<hbm>>
      tpu.wait_dma2 semaphore(%arg10 : memref<!tpu.dma_semaphore, #tpu.memory_space<semaphore_mem>>) src(%arg6 : memref<16384xf32, #tpu.memory_space<vmem>>) dst(%dma_wait3A_127 : memref<16384xf32, #tpu.memory_space<hbm>>)
    } else {
    }
    %add3A_112 = arith.constant 32 : i32
    %add3A_113 = arith.addi %add3A_104, %add3A_112 : i32
    %ge3A_114 = arith.constant 0 : i32
    %ge3A_115 = arith.cmpi sge, %add3A_113, %ge3A_114 : i32
    %lt3A_116 = arith.constant 3907 : i32
    %lt3A_117 = arith.cmpi slt, %add3A_113, %lt3A_116 : i32
    %and3A_118 = arith.andi %ge3A_115, %lt3A_117 : i1
    %convert_element_type3A_119 = arith.extui %and3A_118 : i1 to i32
    %cond3A_120 = arith.constant 0 : i32
    %cond3A_121 = arith.cmpi ne, %convert_element_type3A_119, %cond3A_120 : i32
    scf.if %cond3A_121 {
      %mul3A_122 = arith.constant 256 : i32
      %mul3A_123 = arith.muli %add3A_113, %mul3A_122 : i32
      %min3A = arith.constant 999808 : i32
      %min3A_124 = arith.minsi %mul3A_123, %min3A : i32
      %multiple_of3A = tpu.assume_multiple %min3A_124, 128 : i32
      %mul3A_125 = arith.constant 64 : i32
      %mul3A_126 = arith.muli %multiple_of3A, %mul3A_125 : i32
      %dma_wait3A = tpu.memref_slice %arg3[%mul3A_126] : memref<64004096xf32, #tpu.memory_space<hbm>> -> memref<16384xf32, #tpu.memory_space<hbm>>
      %dma_wait3A_127 = tpu.memref_slice %arg3[%mul3A_126] : memref<64004096xf32, #tpu.memory_space<hbm>> -> memref<16384xf32, #tpu.memory_space<hbm>>
      tpu.wait_dma2 semaphore(%arg11 : memref<!tpu.dma_semaphore, #tpu.memory_space<semaphore_mem>>) src(%arg7 : memref<16384xf32, #tpu.memory_space<vmem>>) dst(%dma_wait3A_127 : memref<16384xf32, #tpu.memory_space<hbm>>)
    } else {
    }
    return
  }
}

#map = affine_map<(d0, d1) -> (0, 0, 0)>
#map1 = affine_map<(d0, d1) -> (0, 0, 0, 0)>
#map2 = affine_map<(d0, d1) -> (0, 0)>
module attributes {stable_mosaic.version = 14 : i64} {
  func.func @_sc_body(%arg0: i32, %arg1: i32, %arg2: memref<32x16x32xi32, #tpu.memory_space<hbm>>, %arg3: memref<32x16x32xi32, #tpu.memory_space<hbm>>, %arg4: memref<32x16x5x128xi32, #tpu.memory_space<hbm>>, %arg5: memref<1000064x128xf32, #tpu.memory_space<hbm>>, %arg6: memref<1000064x64xf32, #tpu.memory_space<hbm>>, %arg7: memref<32x16x672xf32, #tpu.memory_space<hbm>>, %arg8: memref<16x32xi32, #tpu.memory_space<vmem>>, %arg9: memref<16x32xi32, #tpu.memory_space<vmem>>, %arg10: memref<16x5x128xi32, #tpu.memory_space<vmem>>, %arg11: memref<32x128xf32, #tpu.memory_space<vmem>>, %arg12: memref<32x64xf32, #tpu.memory_space<vmem>>, %arg13: memref<640x64xf32, #tpu.memory_space<vmem>>, %arg14: memref<672xf32, #tpu.memory_space<vmem>>, %arg15: memref<!tpu.dma_semaphore, #tpu.memory_space<semaphore_mem>>) attributes {dimension_semantics = [#tpu.dimension_semantics<core_parallel>, #tpu.dimension_semantics<subcore_parallel>], iteration_bounds = array<i64: 2, 16>, scalar_prefetch = 0 : i64, scratch_operands = 8 : i64, tpu.core_type = #tpu.core_type<sc_vector_subcore>, window_params = [{transform_indices = #map}, {transform_indices = #map}, {transform_indices = #map1}, {transform_indices = #map2}, {transform_indices = #map2}, {transform_indices = #map}]} {
    %mul3A = arith.constant 2 : i32
    %mul3A_0 = arith.muli %arg1, %mul3A : i32
    %add3A = arith.addi %mul3A_0, %arg0 : i32
    "tpu.region"() ({
      %run_scoped3A = tpu.sem_alloc : memref<!tpu.dma_semaphore, #tpu.memory_space<semaphore_mem>>
      %dma_start3A = arith.constant 0 : i32
      %dma_start3A_7 = arith.constant 0 : i32
      %dma_start3A_8 = tpu.memref_slice %arg2[%add3A, %dma_start3A, %dma_start3A_7] : memref<32x16x32xi32, #tpu.memory_space<hbm>> -> memref<1x16x32xi32, #tpu.memory_space<hbm>>
      %dma_start3A_9 = tpu.memref_squeeze %dma_start3A_8 : memref<1x16x32xi32, #tpu.memory_space<hbm>> -> memref<16x32xi32, #tpu.memory_space<hbm>>
      %dma_start3A_10 = arith.constant 0 : i32
      %dma_start3A_11 = arith.constant 0 : i32
      %dma_start3A_12 = tpu.memref_slice %arg2[%add3A, %dma_start3A_10, %dma_start3A_11] : memref<32x16x32xi32, #tpu.memory_space<hbm>> -> memref<1x16x32xi32, #tpu.memory_space<hbm>>
      %dma_start3A_13 = tpu.memref_squeeze %dma_start3A_12 : memref<1x16x32xi32, #tpu.memory_space<hbm>> -> memref<16x32xi32, #tpu.memory_space<hbm>>
      tpu.enqueue_dma source(%dma_start3A_13 : memref<16x32xi32, #tpu.memory_space<hbm>>) target(%arg8 : memref<16x32xi32, #tpu.memory_space<vmem>>) target_semaphore(%run_scoped3A : memref<!tpu.dma_semaphore, #tpu.memory_space<semaphore_mem>>)
      %dma_wait3A = arith.constant 0 : i32
      %dma_wait3A_14 = arith.constant 0 : i32
      %dma_wait3A_15 = tpu.memref_slice %arg2[%add3A, %dma_wait3A, %dma_wait3A_14] : memref<32x16x32xi32, #tpu.memory_space<hbm>> -> memref<1x16x32xi32, #tpu.memory_space<hbm>>
      %dma_wait3A_16 = tpu.memref_squeeze %dma_wait3A_15 : memref<1x16x32xi32, #tpu.memory_space<hbm>> -> memref<16x32xi32, #tpu.memory_space<hbm>>
      %dma_wait3A_17 = arith.constant 0 : i32
      %dma_wait3A_18 = arith.constant 0 : i32
      %dma_wait3A_19 = tpu.memref_slice %arg2[%add3A, %dma_wait3A_17, %dma_wait3A_18] : memref<32x16x32xi32, #tpu.memory_space<hbm>> -> memref<1x16x32xi32, #tpu.memory_space<hbm>>
      %dma_wait3A_20 = tpu.memref_squeeze %dma_wait3A_19 : memref<1x16x32xi32, #tpu.memory_space<hbm>> -> memref<16x32xi32, #tpu.memory_space<hbm>>
      tpu.wait_dma2 semaphore(%run_scoped3A : memref<!tpu.dma_semaphore, #tpu.memory_space<semaphore_mem>>) src(%dma_wait3A_20 : memref<16x32xi32, #tpu.memory_space<hbm>>) dst(%arg8 : memref<16x32xi32, #tpu.memory_space<vmem>>)
      tpu.yield
    }) : () -> ()
    "tpu.region"() ({
      %run_scoped3A = tpu.sem_alloc : memref<!tpu.dma_semaphore, #tpu.memory_space<semaphore_mem>>
      %dma_start3A = arith.constant 0 : i32
      %dma_start3A_7 = arith.constant 0 : i32
      %dma_start3A_8 = tpu.memref_slice %arg3[%add3A, %dma_start3A, %dma_start3A_7] : memref<32x16x32xi32, #tpu.memory_space<hbm>> -> memref<1x16x32xi32, #tpu.memory_space<hbm>>
      %dma_start3A_9 = tpu.memref_squeeze %dma_start3A_8 : memref<1x16x32xi32, #tpu.memory_space<hbm>> -> memref<16x32xi32, #tpu.memory_space<hbm>>
      %dma_start3A_10 = arith.constant 0 : i32
      %dma_start3A_11 = arith.constant 0 : i32
      %dma_start3A_12 = tpu.memref_slice %arg3[%add3A, %dma_start3A_10, %dma_start3A_11] : memref<32x16x32xi32, #tpu.memory_space<hbm>> -> memref<1x16x32xi32, #tpu.memory_space<hbm>>
      %dma_start3A_13 = tpu.memref_squeeze %dma_start3A_12 : memref<1x16x32xi32, #tpu.memory_space<hbm>> -> memref<16x32xi32, #tpu.memory_space<hbm>>
      tpu.enqueue_dma source(%dma_start3A_13 : memref<16x32xi32, #tpu.memory_space<hbm>>) target(%arg9 : memref<16x32xi32, #tpu.memory_space<vmem>>) target_semaphore(%run_scoped3A : memref<!tpu.dma_semaphore, #tpu.memory_space<semaphore_mem>>)
      %dma_wait3A = arith.constant 0 : i32
      %dma_wait3A_14 = arith.constant 0 : i32
      %dma_wait3A_15 = tpu.memref_slice %arg3[%add3A, %dma_wait3A, %dma_wait3A_14] : memref<32x16x32xi32, #tpu.memory_space<hbm>> -> memref<1x16x32xi32, #tpu.memory_space<hbm>>
      %dma_wait3A_16 = tpu.memref_squeeze %dma_wait3A_15 : memref<1x16x32xi32, #tpu.memory_space<hbm>> -> memref<16x32xi32, #tpu.memory_space<hbm>>
      %dma_wait3A_17 = arith.constant 0 : i32
      %dma_wait3A_18 = arith.constant 0 : i32
      %dma_wait3A_19 = tpu.memref_slice %arg3[%add3A, %dma_wait3A_17, %dma_wait3A_18] : memref<32x16x32xi32, #tpu.memory_space<hbm>> -> memref<1x16x32xi32, #tpu.memory_space<hbm>>
      %dma_wait3A_20 = tpu.memref_squeeze %dma_wait3A_19 : memref<1x16x32xi32, #tpu.memory_space<hbm>> -> memref<16x32xi32, #tpu.memory_space<hbm>>
      tpu.wait_dma2 semaphore(%run_scoped3A : memref<!tpu.dma_semaphore, #tpu.memory_space<semaphore_mem>>) src(%dma_wait3A_20 : memref<16x32xi32, #tpu.memory_space<hbm>>) dst(%arg9 : memref<16x32xi32, #tpu.memory_space<vmem>>)
      tpu.yield
    }) : () -> ()
    "tpu.region"() ({
      %run_scoped3A = tpu.sem_alloc : memref<!tpu.dma_semaphore, #tpu.memory_space<semaphore_mem>>
      %dma_start3A = arith.constant 0 : i32
      %dma_start3A_7 = arith.constant 0 : i32
      %dma_start3A_8 = arith.constant 0 : i32
      %dma_start3A_9 = tpu.memref_slice %arg4[%add3A, %dma_start3A, %dma_start3A_7, %dma_start3A_8] : memref<32x16x5x128xi32, #tpu.memory_space<hbm>> -> memref<1x16x5x128xi32, #tpu.memory_space<hbm>>
      %dma_start3A_10 = tpu.memref_squeeze %dma_start3A_9 : memref<1x16x5x128xi32, #tpu.memory_space<hbm>> -> memref<16x5x128xi32, #tpu.memory_space<hbm>>
      %dma_start3A_11 = arith.constant 0 : i32
      %dma_start3A_12 = arith.constant 0 : i32
      %dma_start3A_13 = arith.constant 0 : i32
      %dma_start3A_14 = tpu.memref_slice %arg4[%add3A, %dma_start3A_11, %dma_start3A_12, %dma_start3A_13] : memref<32x16x5x128xi32, #tpu.memory_space<hbm>> -> memref<1x16x5x128xi32, #tpu.memory_space<hbm>>
      %dma_start3A_15 = tpu.memref_squeeze %dma_start3A_14 : memref<1x16x5x128xi32, #tpu.memory_space<hbm>> -> memref<16x5x128xi32, #tpu.memory_space<hbm>>
      tpu.enqueue_dma source(%dma_start3A_15 : memref<16x5x128xi32, #tpu.memory_space<hbm>>) target(%arg10 : memref<16x5x128xi32, #tpu.memory_space<vmem>>) target_semaphore(%run_scoped3A : memref<!tpu.dma_semaphore, #tpu.memory_space<semaphore_mem>>)
      %dma_wait3A = arith.constant 0 : i32
      %dma_wait3A_16 = arith.constant 0 : i32
      %dma_wait3A_17 = arith.constant 0 : i32
      %dma_wait3A_18 = tpu.memref_slice %arg4[%add3A, %dma_wait3A, %dma_wait3A_16, %dma_wait3A_17] : memref<32x16x5x128xi32, #tpu.memory_space<hbm>> -> memref<1x16x5x128xi32, #tpu.memory_space<hbm>>
      %dma_wait3A_19 = tpu.memref_squeeze %dma_wait3A_18 : memref<1x16x5x128xi32, #tpu.memory_space<hbm>> -> memref<16x5x128xi32, #tpu.memory_space<hbm>>
      %dma_wait3A_20 = arith.constant 0 : i32
      %dma_wait3A_21 = arith.constant 0 : i32
      %dma_wait3A_22 = arith.constant 0 : i32
      %dma_wait3A_23 = tpu.memref_slice %arg4[%add3A, %dma_wait3A_20, %dma_wait3A_21, %dma_wait3A_22] : memref<32x16x5x128xi32, #tpu.memory_space<hbm>> -> memref<1x16x5x128xi32, #tpu.memory_space<hbm>>
      %dma_wait3A_24 = tpu.memref_squeeze %dma_wait3A_23 : memref<1x16x5x128xi32, #tpu.memory_space<hbm>> -> memref<16x5x128xi32, #tpu.memory_space<hbm>>
      tpu.wait_dma2 semaphore(%run_scoped3A : memref<!tpu.dma_semaphore, #tpu.memory_space<semaphore_mem>>) src(%dma_wait3A_24 : memref<16x5x128xi32, #tpu.memory_space<hbm>>) dst(%arg10 : memref<16x5x128xi32, #tpu.memory_space<vmem>>)
      tpu.yield
    }) : () -> ()
    %iota3A = tpu.iota {dimensions = array<i32: 0>} : vector<16xi32>
    %broadcast_in_dim3A = arith.constant 0.000000e+00 : f32
    %broadcast_in_dim3A_1 = vector.broadcast %broadcast_in_dim3A : f32 to vector<16xf32>
    %scan3A = arith.constant 0 : i32
    %scan3A_2 = arith.constant 0 : i32
    %scan3A_3 = arith.constant 16 : i32
    %scan3A_4 = arith.addi %scan3A_2, %scan3A_3 : i32
    %scan3A_5 = arith.constant 1 : i32
    scf.for %scan3A_7 = %scan3A_2 to %scan3A_4 step %scan3A_5  : i32 {
      %dma_start3A = arith.constant 0 : i32
      %dma_start3A_8 = tpu.memref_slice %arg8[%scan3A_7, %dma_start3A] : memref<16x32xi32, #tpu.memory_space<vmem>> -> memref<1x32xi32, #tpu.memory_space<vmem>>
      %dma_start3A_9 = tpu.memref_squeeze %dma_start3A_8 : memref<1x32xi32, #tpu.memory_space<vmem>> -> memref<32xi32, #tpu.memory_space<vmem>>
      %dma_start3A_10 = arith.constant 0 : i32
      %dma_start3A_11 = arith.constant 0 : i32
      %dma_start3A_12 = tpu.memref_slice %arg5[%dma_start3A_10, %dma_start3A_11] : memref<1000064x128xf32, #tpu.memory_space<hbm>> -> memref<1000064x128xf32, #tpu.memory_space<hbm>>
      tpu.enqueue_indirect_dma source(%dma_start3A_12 : memref<1000064x128xf32, #tpu.memory_space<hbm>>) target(%arg11 : memref<32x128xf32, #tpu.memory_space<vmem>>) offsets(%dma_start3A_9 : memref<32xi32, #tpu.memory_space<vmem>>) semaphore(%arg15 : memref<!tpu.dma_semaphore, #tpu.memory_space<semaphore_mem>>)
      %dma_start3A_13 = arith.constant 0 : i32
      %dma_start3A_14 = tpu.memref_slice %arg9[%scan3A_7, %dma_start3A_13] : memref<16x32xi32, #tpu.memory_space<vmem>> -> memref<1x32xi32, #tpu.memory_space<vmem>>
      %dma_start3A_15 = tpu.memref_squeeze %dma_start3A_14 : memref<1x32xi32, #tpu.memory_space<vmem>> -> memref<32xi32, #tpu.memory_space<vmem>>
      %dma_start3A_16 = arith.constant 0 : i32
      %dma_start3A_17 = arith.constant 0 : i32
      %dma_start3A_18 = tpu.memref_slice %arg6[%dma_start3A_16, %dma_start3A_17] : memref<1000064x64xf32, #tpu.memory_space<hbm>> -> memref<1000064x64xf32, #tpu.memory_space<hbm>>
      tpu.enqueue_indirect_dma source(%dma_start3A_18 : memref<1000064x64xf32, #tpu.memory_space<hbm>>) target(%arg12 : memref<32x64xf32, #tpu.memory_space<vmem>>) offsets(%dma_start3A_15 : memref<32xi32, #tpu.memory_space<vmem>>) semaphore(%arg15 : memref<!tpu.dma_semaphore, #tpu.memory_space<semaphore_mem>>)
      %dma_start3A_19 = arith.constant 0 : i32
      %dma_start3A_20 = arith.constant 0 : i32
      %dma_start3A_21 = arith.constant 0 : i32
      %dma_start3A_22 = tpu.memref_slice %arg13[%dma_start3A_20, %dma_start3A_21] : memref<640x64xf32, #tpu.memory_space<vmem>> -> memref<128x64xf32, #tpu.memory_space<vmem>>
      %dma_start3A_23 = arith.constant 0 : i32
      %dma_start3A_24 = tpu.memref_slice %arg10[%scan3A_7, %dma_start3A_19, %dma_start3A_23] : memref<16x5x128xi32, #tpu.memory_space<vmem>> -> memref<1x1x128xi32, #tpu.memory_space<vmem>>
      %dma_start3A_25 = tpu.memref_squeeze %dma_start3A_24 : memref<1x1x128xi32, #tpu.memory_space<vmem>> -> memref<128xi32, #tpu.memory_space<vmem>>
      %dma_start3A_26 = arith.constant 0 : i32
      %dma_start3A_27 = arith.constant 0 : i32
      %dma_start3A_28 = tpu.memref_slice %arg6[%dma_start3A_26, %dma_start3A_27] : memref<1000064x64xf32, #tpu.memory_space<hbm>> -> memref<1000064x64xf32, #tpu.memory_space<hbm>>
      tpu.enqueue_indirect_dma source(%dma_start3A_28 : memref<1000064x64xf32, #tpu.memory_space<hbm>>) target(%dma_start3A_22 : memref<128x64xf32, #tpu.memory_space<vmem>>) offsets(%dma_start3A_25 : memref<128xi32, #tpu.memory_space<vmem>>) semaphore(%arg15 : memref<!tpu.dma_semaphore, #tpu.memory_space<semaphore_mem>>)
      %dma_start3A_29 = arith.constant 1 : i32
      %dma_start3A_30 = arith.constant 128 : i32
      %dma_start3A_31 = arith.constant 0 : i32
      %dma_start3A_32 = tpu.memref_slice %arg13[%dma_start3A_30, %dma_start3A_31] : memref<640x64xf32, #tpu.memory_space<vmem>> -> memref<128x64xf32, #tpu.memory_space<vmem>>
      %dma_start3A_33 = arith.constant 0 : i32
      %dma_start3A_34 = tpu.memref_slice %arg10[%scan3A_7, %dma_start3A_29, %dma_start3A_33] : memref<16x5x128xi32, #tpu.memory_space<vmem>> -> memref<1x1x128xi32, #tpu.memory_space<vmem>>
      %dma_start3A_35 = tpu.memref_squeeze %dma_start3A_34 : memref<1x1x128xi32, #tpu.memory_space<vmem>> -> memref<128xi32, #tpu.memory_space<vmem>>
      %dma_start3A_36 = arith.constant 0 : i32
      %dma_start3A_37 = arith.constant 0 : i32
      %dma_start3A_38 = tpu.memref_slice %arg6[%dma_start3A_36, %dma_start3A_37] : memref<1000064x64xf32, #tpu.memory_space<hbm>> -> memref<1000064x64xf32, #tpu.memory_space<hbm>>
      tpu.enqueue_indirect_dma source(%dma_start3A_38 : memref<1000064x64xf32, #tpu.memory_space<hbm>>) target(%dma_start3A_32 : memref<128x64xf32, #tpu.memory_space<vmem>>) offsets(%dma_start3A_35 : memref<128xi32, #tpu.memory_space<vmem>>) semaphore(%arg15 : memref<!tpu.dma_semaphore, #tpu.memory_space<semaphore_mem>>)
      %dma_start3A_39 = arith.constant 2 : i32
      %dma_start3A_40 = arith.constant 256 : i32
      %dma_start3A_41 = arith.constant 0 : i32
      %dma_start3A_42 = tpu.memref_slice %arg13[%dma_start3A_40, %dma_start3A_41] : memref<640x64xf32, #tpu.memory_space<vmem>> -> memref<128x64xf32, #tpu.memory_space<vmem>>
      %dma_start3A_43 = arith.constant 0 : i32
      %dma_start3A_44 = tpu.memref_slice %arg10[%scan3A_7, %dma_start3A_39, %dma_start3A_43] : memref<16x5x128xi32, #tpu.memory_space<vmem>> -> memref<1x1x128xi32, #tpu.memory_space<vmem>>
      %dma_start3A_45 = tpu.memref_squeeze %dma_start3A_44 : memref<1x1x128xi32, #tpu.memory_space<vmem>> -> memref<128xi32, #tpu.memory_space<vmem>>
      %dma_start3A_46 = arith.constant 0 : i32
      %dma_start3A_47 = arith.constant 0 : i32
      %dma_start3A_48 = tpu.memref_slice %arg6[%dma_start3A_46, %dma_start3A_47] : memref<1000064x64xf32, #tpu.memory_space<hbm>> -> memref<1000064x64xf32, #tpu.memory_space<hbm>>
      tpu.enqueue_indirect_dma source(%dma_start3A_48 : memref<1000064x64xf32, #tpu.memory_space<hbm>>) target(%dma_start3A_42 : memref<128x64xf32, #tpu.memory_space<vmem>>) offsets(%dma_start3A_45 : memref<128xi32, #tpu.memory_space<vmem>>) semaphore(%arg15 : memref<!tpu.dma_semaphore, #tpu.memory_space<semaphore_mem>>)
      %dma_start3A_49 = arith.constant 3 : i32
      %dma_start3A_50 = arith.constant 384 : i32
      %dma_start3A_51 = arith.constant 0 : i32
      %dma_start3A_52 = tpu.memref_slice %arg13[%dma_start3A_50, %dma_start3A_51] : memref<640x64xf32, #tpu.memory_space<vmem>> -> memref<128x64xf32, #tpu.memory_space<vmem>>
      %dma_start3A_53 = arith.constant 0 : i32
      %dma_start3A_54 = tpu.memref_slice %arg10[%scan3A_7, %dma_start3A_49, %dma_start3A_53] : memref<16x5x128xi32, #tpu.memory_space<vmem>> -> memref<1x1x128xi32, #tpu.memory_space<vmem>>
      %dma_start3A_55 = tpu.memref_squeeze %dma_start3A_54 : memref<1x1x128xi32, #tpu.memory_space<vmem>> -> memref<128xi32, #tpu.memory_space<vmem>>
      %dma_start3A_56 = arith.constant 0 : i32
      %dma_start3A_57 = arith.constant 0 : i32
      %dma_start3A_58 = tpu.memref_slice %arg6[%dma_start3A_56, %dma_start3A_57] : memref<1000064x64xf32, #tpu.memory_space<hbm>> -> memref<1000064x64xf32, #tpu.memory_space<hbm>>
      tpu.enqueue_indirect_dma source(%dma_start3A_58 : memref<1000064x64xf32, #tpu.memory_space<hbm>>) target(%dma_start3A_52 : memref<128x64xf32, #tpu.memory_space<vmem>>) offsets(%dma_start3A_55 : memref<128xi32, #tpu.memory_space<vmem>>) semaphore(%arg15 : memref<!tpu.dma_semaphore, #tpu.memory_space<semaphore_mem>>)
      %dma_start3A_59 = arith.constant 4 : i32
      %dma_start3A_60 = arith.constant 512 : i32
      %dma_start3A_61 = arith.constant 0 : i32
      %dma_start3A_62 = tpu.memref_slice %arg13[%dma_start3A_60, %dma_start3A_61] : memref<640x64xf32, #tpu.memory_space<vmem>> -> memref<128x64xf32, #tpu.memory_space<vmem>>
      %dma_start3A_63 = arith.constant 0 : i32
      %dma_start3A_64 = tpu.memref_slice %arg10[%scan3A_7, %dma_start3A_59, %dma_start3A_63] : memref<16x5x128xi32, #tpu.memory_space<vmem>> -> memref<1x1x128xi32, #tpu.memory_space<vmem>>
      %dma_start3A_65 = tpu.memref_squeeze %dma_start3A_64 : memref<1x1x128xi32, #tpu.memory_space<vmem>> -> memref<128xi32, #tpu.memory_space<vmem>>
      %dma_start3A_66 = arith.constant 0 : i32
      %dma_start3A_67 = arith.constant 0 : i32
      %dma_start3A_68 = tpu.memref_slice %arg6[%dma_start3A_66, %dma_start3A_67] : memref<1000064x64xf32, #tpu.memory_space<hbm>> -> memref<1000064x64xf32, #tpu.memory_space<hbm>>
      tpu.enqueue_indirect_dma source(%dma_start3A_68 : memref<1000064x64xf32, #tpu.memory_space<hbm>>) target(%dma_start3A_62 : memref<128x64xf32, #tpu.memory_space<vmem>>) offsets(%dma_start3A_65 : memref<128xi32, #tpu.memory_space<vmem>>) semaphore(%arg15 : memref<!tpu.dma_semaphore, #tpu.memory_space<semaphore_mem>>)
      %dma_wait3A = arith.constant 0 : i32
      %dma_wait3A_69 = tpu.memref_slice %arg8[%scan3A_7, %dma_wait3A] : memref<16x32xi32, #tpu.memory_space<vmem>> -> memref<1x32xi32, #tpu.memory_space<vmem>>
      %dma_wait3A_70 = tpu.memref_squeeze %dma_wait3A_69 : memref<1x32xi32, #tpu.memory_space<vmem>> -> memref<32xi32, #tpu.memory_space<vmem>>
      %dma_wait3A_71 = arith.constant 0 : i32
      %dma_wait3A_72 = arith.constant 0 : i32
      %dma_wait3A_73 = tpu.memref_slice %arg5[%dma_wait3A_71, %dma_wait3A_72] : memref<1000064x128xf32, #tpu.memory_space<hbm>> -> memref<1000064x128xf32, #tpu.memory_space<hbm>>
      tpu.wait_indirect_dma semaphore(%arg15 : memref<!tpu.dma_semaphore, #tpu.memory_space<semaphore_mem>>) src(%dma_wait3A_73 : memref<1000064x128xf32, #tpu.memory_space<hbm>>) dst(%arg11 : memref<32x128xf32, #tpu.memory_space<vmem>>)
      %dma_wait3A_74 = arith.constant 0 : i32
      %dma_wait3A_75 = tpu.memref_slice %arg9[%scan3A_7, %dma_wait3A_74] : memref<16x32xi32, #tpu.memory_space<vmem>> -> memref<1x32xi32, #tpu.memory_space<vmem>>
      %dma_wait3A_76 = tpu.memref_squeeze %dma_wait3A_75 : memref<1x32xi32, #tpu.memory_space<vmem>> -> memref<32xi32, #tpu.memory_space<vmem>>
      %dma_wait3A_77 = arith.constant 0 : i32
      %dma_wait3A_78 = arith.constant 0 : i32
      %dma_wait3A_79 = tpu.memref_slice %arg6[%dma_wait3A_77, %dma_wait3A_78] : memref<1000064x64xf32, #tpu.memory_space<hbm>> -> memref<1000064x64xf32, #tpu.memory_space<hbm>>
      tpu.wait_indirect_dma semaphore(%arg15 : memref<!tpu.dma_semaphore, #tpu.memory_space<semaphore_mem>>) src(%dma_wait3A_79 : memref<1000064x64xf32, #tpu.memory_space<hbm>>) dst(%arg12 : memref<32x64xf32, #tpu.memory_space<vmem>>)
      %dma_wait3A_80 = arith.constant 0 : i32
      %dma_wait3A_81 = arith.constant 0 : i32
      %dma_wait3A_82 = arith.constant 0 : i32
      %dma_wait3A_83 = tpu.memref_slice %arg13[%dma_wait3A_81, %dma_wait3A_82] : memref<640x64xf32, #tpu.memory_space<vmem>> -> memref<128x64xf32, #tpu.memory_space<vmem>>
      %dma_wait3A_84 = arith.constant 0 : i32
      %dma_wait3A_85 = tpu.memref_slice %arg10[%scan3A_7, %dma_wait3A_80, %dma_wait3A_84] : memref<16x5x128xi32, #tpu.memory_space<vmem>> -> memref<1x1x128xi32, #tpu.memory_space<vmem>>
      %dma_wait3A_86 = tpu.memref_squeeze %dma_wait3A_85 : memref<1x1x128xi32, #tpu.memory_space<vmem>> -> memref<128xi32, #tpu.memory_space<vmem>>
      %dma_wait3A_87 = arith.constant 0 : i32
      %dma_wait3A_88 = arith.constant 0 : i32
      %dma_wait3A_89 = tpu.memref_slice %arg6[%dma_wait3A_87, %dma_wait3A_88] : memref<1000064x64xf32, #tpu.memory_space<hbm>> -> memref<1000064x64xf32, #tpu.memory_space<hbm>>
      tpu.wait_indirect_dma semaphore(%arg15 : memref<!tpu.dma_semaphore, #tpu.memory_space<semaphore_mem>>) src(%dma_wait3A_89 : memref<1000064x64xf32, #tpu.memory_space<hbm>>) dst(%dma_wait3A_83 : memref<128x64xf32, #tpu.memory_space<vmem>>)
      %dma_wait3A_90 = arith.constant 1 : i32
      %dma_wait3A_91 = arith.constant 128 : i32
      %dma_wait3A_92 = arith.constant 0 : i32
      %dma_wait3A_93 = tpu.memref_slice %arg13[%dma_wait3A_91, %dma_wait3A_92] : memref<640x64xf32, #tpu.memory_space<vmem>> -> memref<128x64xf32, #tpu.memory_space<vmem>>
      %dma_wait3A_94 = arith.constant 0 : i32
      %dma_wait3A_95 = tpu.memref_slice %arg10[%scan3A_7, %dma_wait3A_90, %dma_wait3A_94] : memref<16x5x128xi32, #tpu.memory_space<vmem>> -> memref<1x1x128xi32, #tpu.memory_space<vmem>>
      %dma_wait3A_96 = tpu.memref_squeeze %dma_wait3A_95 : memref<1x1x128xi32, #tpu.memory_space<vmem>> -> memref<128xi32, #tpu.memory_space<vmem>>
      %dma_wait3A_97 = arith.constant 0 : i32
      %dma_wait3A_98 = arith.constant 0 : i32
      %dma_wait3A_99 = tpu.memref_slice %arg6[%dma_wait3A_97, %dma_wait3A_98] : memref<1000064x64xf32, #tpu.memory_space<hbm>> -> memref<1000064x64xf32, #tpu.memory_space<hbm>>
      tpu.wait_indirect_dma semaphore(%arg15 : memref<!tpu.dma_semaphore, #tpu.memory_space<semaphore_mem>>) src(%dma_wait3A_99 : memref<1000064x64xf32, #tpu.memory_space<hbm>>) dst(%dma_wait3A_93 : memref<128x64xf32, #tpu.memory_space<vmem>>)
      %dma_wait3A_100 = arith.constant 2 : i32
      %dma_wait3A_101 = arith.constant 256 : i32
      %dma_wait3A_102 = arith.constant 0 : i32
      %dma_wait3A_103 = tpu.memref_slice %arg13[%dma_wait3A_101, %dma_wait3A_102] : memref<640x64xf32, #tpu.memory_space<vmem>> -> memref<128x64xf32, #tpu.memory_space<vmem>>
      %dma_wait3A_104 = arith.constant 0 : i32
      %dma_wait3A_105 = tpu.memref_slice %arg10[%scan3A_7, %dma_wait3A_100, %dma_wait3A_104] : memref<16x5x128xi32, #tpu.memory_space<vmem>> -> memref<1x1x128xi32, #tpu.memory_space<vmem>>
      %dma_wait3A_106 = tpu.memref_squeeze %dma_wait3A_105 : memref<1x1x128xi32, #tpu.memory_space<vmem>> -> memref<128xi32, #tpu.memory_space<vmem>>
      %dma_wait3A_107 = arith.constant 0 : i32
      %dma_wait3A_108 = arith.constant 0 : i32
      %dma_wait3A_109 = tpu.memref_slice %arg6[%dma_wait3A_107, %dma_wait3A_108] : memref<1000064x64xf32, #tpu.memory_space<hbm>> -> memref<1000064x64xf32, #tpu.memory_space<hbm>>
      tpu.wait_indirect_dma semaphore(%arg15 : memref<!tpu.dma_semaphore, #tpu.memory_space<semaphore_mem>>) src(%dma_wait3A_109 : memref<1000064x64xf32, #tpu.memory_space<hbm>>) dst(%dma_wait3A_103 : memref<128x64xf32, #tpu.memory_space<vmem>>)
      %dma_wait3A_110 = arith.constant 3 : i32
      %dma_wait3A_111 = arith.constant 384 : i32
      %dma_wait3A_112 = arith.constant 0 : i32
      %dma_wait3A_113 = tpu.memref_slice %arg13[%dma_wait3A_111, %dma_wait3A_112] : memref<640x64xf32, #tpu.memory_space<vmem>> -> memref<128x64xf32, #tpu.memory_space<vmem>>
      %dma_wait3A_114 = arith.constant 0 : i32
      %dma_wait3A_115 = tpu.memref_slice %arg10[%scan3A_7, %dma_wait3A_110, %dma_wait3A_114] : memref<16x5x128xi32, #tpu.memory_space<vmem>> -> memref<1x1x128xi32, #tpu.memory_space<vmem>>
      %dma_wait3A_116 = tpu.memref_squeeze %dma_wait3A_115 : memref<1x1x128xi32, #tpu.memory_space<vmem>> -> memref<128xi32, #tpu.memory_space<vmem>>
      %dma_wait3A_117 = arith.constant 0 : i32
      %dma_wait3A_118 = arith.constant 0 : i32
      %dma_wait3A_119 = tpu.memref_slice %arg6[%dma_wait3A_117, %dma_wait3A_118] : memref<1000064x64xf32, #tpu.memory_space<hbm>> -> memref<1000064x64xf32, #tpu.memory_space<hbm>>
      tpu.wait_indirect_dma semaphore(%arg15 : memref<!tpu.dma_semaphore, #tpu.memory_space<semaphore_mem>>) src(%dma_wait3A_119 : memref<1000064x64xf32, #tpu.memory_space<hbm>>) dst(%dma_wait3A_113 : memref<128x64xf32, #tpu.memory_space<vmem>>)
      %dma_wait3A_120 = arith.constant 4 : i32
      %dma_wait3A_121 = arith.constant 512 : i32
      %dma_wait3A_122 = arith.constant 0 : i32
      %dma_wait3A_123 = tpu.memref_slice %arg13[%dma_wait3A_121, %dma_wait3A_122] : memref<640x64xf32, #tpu.memory_space<vmem>> -> memref<128x64xf32, #tpu.memory_space<vmem>>
      %dma_wait3A_124 = arith.constant 0 : i32
      %dma_wait3A_125 = tpu.memref_slice %arg10[%scan3A_7, %dma_wait3A_120, %dma_wait3A_124] : memref<16x5x128xi32, #tpu.memory_space<vmem>> -> memref<1x1x128xi32, #tpu.memory_space<vmem>>
      %dma_wait3A_126 = tpu.memref_squeeze %dma_wait3A_125 : memref<1x1x128xi32, #tpu.memory_space<vmem>> -> memref<128xi32, #tpu.memory_space<vmem>>
      %dma_wait3A_127 = arith.constant 0 : i32
      %dma_wait3A_128 = arith.constant 0 : i32
      %dma_wait3A_129 = tpu.memref_slice %arg6[%dma_wait3A_127, %dma_wait3A_128] : memref<1000064x64xf32, #tpu.memory_space<hbm>> -> memref<1000064x64xf32, #tpu.memory_space<hbm>>
      tpu.wait_indirect_dma semaphore(%arg15 : memref<!tpu.dma_semaphore, #tpu.memory_space<semaphore_mem>>) src(%dma_wait3A_129 : memref<1000064x64xf32, #tpu.memory_space<hbm>>) dst(%dma_wait3A_123 : memref<128x64xf32, #tpu.memory_space<vmem>>)
      %scan3A_130 = arith.constant 0 : i32
      %scan3A_131 = arith.constant 2 : i32
      %scan3A_132 = arith.constant 40 : i32
      %scan3A_133 = arith.addi %scan3A_131, %scan3A_132 : i32
      %scan3A_134 = arith.constant 1 : i32
      scf.for %scan3A_142 = %scan3A_131 to %scan3A_133 step %scan3A_134  : i32 {
        %mul3A_143 = arith.constant 16 : i32
        %mul3A_144 = arith.muli %scan3A_142, %mul3A_143 : i32
        %swap3A = arith.index_cast %mul3A_144 : i32 to index
        %swap3A_145 = tpu.vector_load %arg14[%swap3A] {strides = array<i32>} : memref<672xf32, #tpu.memory_space<vmem>>, vector<16xf32>,
        tpu.vector_store %arg14[%swap3A], %broadcast_in_dim3A_1 {strides = array<i32>} : memref<672xf32, #tpu.memory_space<vmem>>, vector<16xf32>,
      }
      %scan3A_135 = arith.constant 40 : i32
      %scan3A_136 = arith.constant 0 : i32
      %scan3A_137 = arith.constant 0 : i32
      %scan3A_138 = arith.constant 2 : i32
      %scan3A_139 = arith.addi %scan3A_137, %scan3A_138 : i32
      %scan3A_140 = arith.constant 1 : i32
      scf.for %scan3A_142 = %scan3A_137 to %scan3A_139 step %scan3A_140  : i32 {
        %mul3A_143 = arith.constant 16 : i32
        %mul3A_144 = arith.muli %scan3A_142, %mul3A_143 : i32
        %add3A_145 = vector.broadcast %mul3A_144 : i32 to vector<16xi32>
        %add3A_146 = arith.addi %iota3A, %add3A_145 : vector<16xi32>
        %mul3A_147 = arith.constant 20 : i32
        %mul3A_148 = vector.broadcast %mul3A_147 : i32 to vector<16xi32>
        %mul3A_149 = arith.muli %add3A_146, %mul3A_148 : vector<16xi32>
        %scan3A_150 = arith.constant 0 : i32
        %scan3A_151 = arith.constant 4 : i32
        %scan3A_152 = arith.addi %scan3A_150, %scan3A_151 : i32
        %scan3A_153 = arith.constant 1 : i32
        %scan3A_154 = scf.for %scan3A_161 = %scan3A_150 to %scan3A_152 step %scan3A_153 iter_args(%scan3A_162 = %broadcast_in_dim3A_1) -> (vector<16xf32>)  : i32 {
          %mul3A_163 = arith.constant 16 : i32
          %mul3A_164 = arith.muli %scan3A_161, %mul3A_163 : i32
          %add3A_165 = arith.constant 0 : i32
          %add3A_166 = vector.broadcast %add3A_165 : i32 to vector<16xi32>
          %add3A_167 = arith.addi %iota3A, %add3A_166 : vector<16xi32>
          %and3A = arith.constant 15 : i32
          %and3A_168 = vector.broadcast %and3A : i32 to vector<16xi32>
          %and3A_169 = arith.andi %add3A_167, %and3A_168 : vector<16xi32>
          %add3A_170 = vector.broadcast %mul3A_164 : i32 to vector<16xi32>
          %add3A_171 = arith.addi %add3A_170, %and3A_169 : vector<16xi32>
          %mul3A_172 = arith.constant 16 : i32
          %mul3A_173 = arith.muli %scan3A_161, %mul3A_172 : i32
          %add3A_174 = arith.constant 1 : i32
          %add3A_175 = vector.broadcast %add3A_174 : i32 to vector<16xi32>
          %add3A_176 = arith.addi %iota3A, %add3A_175 : vector<16xi32>
          %and3A_177 = arith.constant 15 : i32
          %and3A_178 = vector.broadcast %and3A_177 : i32 to vector<16xi32>
          %and3A_179 = arith.andi %add3A_176, %and3A_178 : vector<16xi32>
          %add3A_180 = vector.broadcast %mul3A_173 : i32 to vector<16xi32>
          %add3A_181 = arith.addi %add3A_180, %and3A_179 : vector<16xi32>
          %mul3A_182 = arith.constant 16 : i32
          %mul3A_183 = arith.muli %scan3A_161, %mul3A_182 : i32
          %add3A_184 = arith.constant 2 : i32
          %add3A_185 = vector.broadcast %add3A_184 : i32 to vector<16xi32>
          %add3A_186 = arith.addi %iota3A, %add3A_185 : vector<16xi32>
          %and3A_187 = arith.constant 15 : i32
          %and3A_188 = vector.broadcast %and3A_187 : i32 to vector<16xi32>
          %and3A_189 = arith.andi %add3A_186, %and3A_188 : vector<16xi32>
          %add3A_190 = vector.broadcast %mul3A_183 : i32 to vector<16xi32>
          %add3A_191 = arith.addi %add3A_190, %and3A_189 : vector<16xi32>
          %mul3A_192 = arith.constant 16 : i32
          %mul3A_193 = arith.muli %scan3A_161, %mul3A_192 : i32
          %add3A_194 = arith.constant 3 : i32
          %add3A_195 = vector.broadcast %add3A_194 : i32 to vector<16xi32>
          %add3A_196 = arith.addi %iota3A, %add3A_195 : vector<16xi32>
          %and3A_197 = arith.constant 15 : i32
          %and3A_198 = vector.broadcast %and3A_197 : i32 to vector<16xi32>
          %and3A_199 = arith.andi %add3A_196, %and3A_198 : vector<16xi32>
          %add3A_200 = vector.broadcast %mul3A_193 : i32 to vector<16xi32>
          %add3A_201 = arith.addi %add3A_200, %and3A_199 : vector<16xi32>
          %mul3A_202 = arith.constant 16 : i32
          %mul3A_203 = arith.muli %scan3A_161, %mul3A_202 : i32
          %add3A_204 = arith.constant 4 : i32
          %add3A_205 = vector.broadcast %add3A_204 : i32 to vector<16xi32>
          %add3A_206 = arith.addi %iota3A, %add3A_205 : vector<16xi32>
          %and3A_207 = arith.constant 15 : i32
          %and3A_208 = vector.broadcast %and3A_207 : i32 to vector<16xi32>
          %and3A_209 = arith.andi %add3A_206, %and3A_208 : vector<16xi32>
          %add3A_210 = vector.broadcast %mul3A_203 : i32 to vector<16xi32>
          %add3A_211 = arith.addi %add3A_210, %and3A_209 : vector<16xi32>
          %mul3A_212 = arith.constant 16 : i32
          %mul3A_213 = arith.muli %scan3A_161, %mul3A_212 : i32
          %add3A_214 = arith.constant 5 : i32
          %add3A_215 = vector.broadcast %add3A_214 : i32 to vector<16xi32>
          %add3A_216 = arith.addi %iota3A, %add3A_215 : vector<16xi32>
          %and3A_217 = arith.constant 15 : i32
          %and3A_218 = vector.broadcast %and3A_217 : i32 to vector<16xi32>
          %and3A_219 = arith.andi %add3A_216, %and3A_218 : vector<16xi32>
          %add3A_220 = vector.broadcast %mul3A_213 : i32 to vector<16xi32>
          %add3A_221 = arith.addi %add3A_220, %and3A_219 : vector<16xi32>
          %mul3A_222 = arith.constant 16 : i32
          %mul3A_223 = arith.muli %scan3A_161, %mul3A_222 : i32
          %add3A_224 = arith.constant 6 : i32
          %add3A_225 = vector.broadcast %add3A_224 : i32 to vector<16xi32>
          %add3A_226 = arith.addi %iota3A, %add3A_225 : vector<16xi32>
          %and3A_227 = arith.constant 15 : i32
          %and3A_228 = vector.broadcast %and3A_227 : i32 to vector<16xi32>
          %and3A_229 = arith.andi %add3A_226, %and3A_228 : vector<16xi32>
          %add3A_230 = vector.broadcast %mul3A_223 : i32 to vector<16xi32>
          %add3A_231 = arith.addi %add3A_230, %and3A_229 : vector<16xi32>
          %mul3A_232 = arith.constant 16 : i32
          %mul3A_233 = arith.muli %scan3A_161, %mul3A_232 : i32
          %add3A_234 = arith.constant 7 : i32
          %add3A_235 = vector.broadcast %add3A_234 : i32 to vector<16xi32>
          %add3A_236 = arith.addi %iota3A, %add3A_235 : vector<16xi32>
          %and3A_237 = arith.constant 15 : i32
          %and3A_238 = vector.broadcast %and3A_237 : i32 to vector<16xi32>
          %and3A_239 = arith.andi %add3A_236, %and3A_238 : vector<16xi32>
          %add3A_240 = vector.broadcast %mul3A_233 : i32 to vector<16xi32>
          %add3A_241 = arith.addi %add3A_240, %and3A_239 : vector<16xi32>
          %mul3A_242 = arith.constant 16 : i32
          %mul3A_243 = arith.muli %scan3A_161, %mul3A_242 : i32
          %add3A_244 = arith.constant 8 : i32
          %add3A_245 = vector.broadcast %add3A_244 : i32 to vector<16xi32>
          %add3A_246 = arith.addi %iota3A, %add3A_245 : vector<16xi32>
          %and3A_247 = arith.constant 15 : i32
          %and3A_248 = vector.broadcast %and3A_247 : i32 to vector<16xi32>
          %and3A_249 = arith.andi %add3A_246, %and3A_248 : vector<16xi32>
          %add3A_250 = vector.broadcast %mul3A_243 : i32 to vector<16xi32>
          %add3A_251 = arith.addi %add3A_250, %and3A_249 : vector<16xi32>
          %mul3A_252 = arith.constant 16 : i32
          %mul3A_253 = arith.muli %scan3A_161, %mul3A_252 : i32
          %add3A_254 = arith.constant 9 : i32
          %add3A_255 = vector.broadcast %add3A_254 : i32 to vector<16xi32>
          %add3A_256 = arith.addi %iota3A, %add3A_255 : vector<16xi32>
          %and3A_257 = arith.constant 15 : i32
          %and3A_258 = vector.broadcast %and3A_257 : i32 to vector<16xi32>
          %and3A_259 = arith.andi %add3A_256, %and3A_258 : vector<16xi32>
          %add3A_260 = vector.broadcast %mul3A_253 : i32 to vector<16xi32>
          %add3A_261 = arith.addi %add3A_260, %and3A_259 : vector<16xi32>
          %mul3A_262 = arith.constant 16 : i32
          %mul3A_263 = arith.muli %scan3A_161, %mul3A_262 : i32
          %add3A_264 = arith.constant 10 : i32
          %add3A_265 = vector.broadcast %add3A_264 : i32 to vector<16xi32>
          %add3A_266 = arith.addi %iota3A, %add3A_265 : vector<16xi32>
          %and3A_267 = arith.constant 15 : i32
          %and3A_268 = vector.broadcast %and3A_267 : i32 to vector<16xi32>
          %and3A_269 = arith.andi %add3A_266, %and3A_268 : vector<16xi32>
          %add3A_270 = vector.broadcast %mul3A_263 : i32 to vector<16xi32>
          %add3A_271 = arith.addi %add3A_270, %and3A_269 : vector<16xi32>
          %mul3A_272 = arith.constant 16 : i32
          %mul3A_273 = arith.muli %scan3A_161, %mul3A_272 : i32
          %add3A_274 = arith.constant 11 : i32
          %add3A_275 = vector.broadcast %add3A_274 : i32 to vector<16xi32>
          %add3A_276 = arith.addi %iota3A, %add3A_275 : vector<16xi32>
          %and3A_277 = arith.constant 15 : i32
          %and3A_278 = vector.broadcast %and3A_277 : i32 to vector<16xi32>
          %and3A_279 = arith.andi %add3A_276, %and3A_278 : vector<16xi32>
          %add3A_280 = vector.broadcast %mul3A_273 : i32 to vector<16xi32>
          %add3A_281 = arith.addi %add3A_280, %and3A_279 : vector<16xi32>
          %mul3A_282 = arith.constant 16 : i32
          %mul3A_283 = arith.muli %scan3A_161, %mul3A_282 : i32
          %add3A_284 = arith.constant 12 : i32
          %add3A_285 = vector.broadcast %add3A_284 : i32 to vector<16xi32>
          %add3A_286 = arith.addi %iota3A, %add3A_285 : vector<16xi32>
          %and3A_287 = arith.constant 15 : i32
          %and3A_288 = vector.broadcast %and3A_287 : i32 to vector<16xi32>
          %and3A_289 = arith.andi %add3A_286, %and3A_288 : vector<16xi32>
          %add3A_290 = vector.broadcast %mul3A_283 : i32 to vector<16xi32>
          %add3A_291 = arith.addi %add3A_290, %and3A_289 : vector<16xi32>
          %mul3A_292 = arith.constant 16 : i32
          %mul3A_293 = arith.muli %scan3A_161, %mul3A_292 : i32
          %add3A_294 = arith.constant 13 : i32
          %add3A_295 = vector.broadcast %add3A_294 : i32 to vector<16xi32>
          %add3A_296 = arith.addi %iota3A, %add3A_295 : vector<16xi32>
          %and3A_297 = arith.constant 15 : i32
          %and3A_298 = vector.broadcast %and3A_297 : i32 to vector<16xi32>
          %and3A_299 = arith.andi %add3A_296, %and3A_298 : vector<16xi32>
          %add3A_300 = vector.broadcast %mul3A_293 : i32 to vector<16xi32>
          %add3A_301 = arith.addi %add3A_300, %and3A_299 : vector<16xi32>
          %mul3A_302 = arith.constant 16 : i32
          %mul3A_303 = arith.muli %scan3A_161, %mul3A_302 : i32
          %add3A_304 = arith.constant 14 : i32
          %add3A_305 = vector.broadcast %add3A_304 : i32 to vector<16xi32>
          %add3A_306 = arith.addi %iota3A, %add3A_305 : vector<16xi32>
          %and3A_307 = arith.constant 15 : i32
          %and3A_308 = vector.broadcast %and3A_307 : i32 to vector<16xi32>
          %and3A_309 = arith.andi %add3A_306, %and3A_308 : vector<16xi32>
          %add3A_310 = vector.broadcast %mul3A_303 : i32 to vector<16xi32>
          %add3A_311 = arith.addi %add3A_310, %and3A_309 : vector<16xi32>
          %mul3A_312 = arith.constant 16 : i32
          %mul3A_313 = arith.muli %scan3A_161, %mul3A_312 : i32
          %add3A_314 = arith.constant 15 : i32
          %add3A_315 = vector.broadcast %add3A_314 : i32 to vector<16xi32>
          %add3A_316 = arith.addi %iota3A, %add3A_315 : vector<16xi32>
          %and3A_317 = arith.constant 15 : i32
          %and3A_318 = vector.broadcast %and3A_317 : i32 to vector<16xi32>
          %and3A_319 = arith.andi %add3A_316, %and3A_318 : vector<16xi32>
          %add3A_320 = vector.broadcast %mul3A_313 : i32 to vector<16xi32>
          %add3A_321 = arith.addi %add3A_320, %and3A_319 : vector<16xi32>
          %gather3A = tpu.vector_load_idx %arg11[%add3A_146, %add3A_171] : memref<32x128xf32, #tpu.memory_space<vmem>>[vector<16xi32>, vector<16xi32>], vector<16xf32>,
          %gather3A_322 = tpu.vector_load_idx %arg11[%add3A_146, %add3A_181] : memref<32x128xf32, #tpu.memory_space<vmem>>[vector<16xi32>, vector<16xi32>], vector<16xf32>,
          %gather3A_323 = tpu.vector_load_idx %arg11[%add3A_146, %add3A_191] : memref<32x128xf32, #tpu.memory_space<vmem>>[vector<16xi32>, vector<16xi32>], vector<16xf32>,
          %gather3A_324 = tpu.vector_load_idx %arg11[%add3A_146, %add3A_201] : memref<32x128xf32, #tpu.memory_space<vmem>>[vector<16xi32>, vector<16xi32>], vector<16xf32>,
          %gather3A_325 = tpu.vector_load_idx %arg11[%add3A_146, %add3A_211] : memref<32x128xf32, #tpu.memory_space<vmem>>[vector<16xi32>, vector<16xi32>], vector<16xf32>,
          %gather3A_326 = tpu.vector_load_idx %arg11[%add3A_146, %add3A_221] : memref<32x128xf32, #tpu.memory_space<vmem>>[vector<16xi32>, vector<16xi32>], vector<16xf32>,
          %gather3A_327 = tpu.vector_load_idx %arg11[%add3A_146, %add3A_231] : memref<32x128xf32, #tpu.memory_space<vmem>>[vector<16xi32>, vector<16xi32>], vector<16xf32>,
          %gather3A_328 = tpu.vector_load_idx %arg11[%add3A_146, %add3A_241] : memref<32x128xf32, #tpu.memory_space<vmem>>[vector<16xi32>, vector<16xi32>], vector<16xf32>,
          %gather3A_329 = tpu.vector_load_idx %arg11[%add3A_146, %add3A_251] : memref<32x128xf32, #tpu.memory_space<vmem>>[vector<16xi32>, vector<16xi32>], vector<16xf32>,
          %gather3A_330 = tpu.vector_load_idx %arg11[%add3A_146, %add3A_261] : memref<32x128xf32, #tpu.memory_space<vmem>>[vector<16xi32>, vector<16xi32>], vector<16xf32>,
          %gather3A_331 = tpu.vector_load_idx %arg11[%add3A_146, %add3A_271] : memref<32x128xf32, #tpu.memory_space<vmem>>[vector<16xi32>, vector<16xi32>], vector<16xf32>,
          %gather3A_332 = tpu.vector_load_idx %arg11[%add3A_146, %add3A_281] : memref<32x128xf32, #tpu.memory_space<vmem>>[vector<16xi32>, vector<16xi32>], vector<16xf32>,
          %gather3A_333 = tpu.vector_load_idx %arg11[%add3A_146, %add3A_291] : memref<32x128xf32, #tpu.memory_space<vmem>>[vector<16xi32>, vector<16xi32>], vector<16xf32>,
          %gather3A_334 = tpu.vector_load_idx %arg11[%add3A_146, %add3A_301] : memref<32x128xf32, #tpu.memory_space<vmem>>[vector<16xi32>, vector<16xi32>], vector<16xf32>,
          %gather3A_335 = tpu.vector_load_idx %arg11[%add3A_146, %add3A_311] : memref<32x128xf32, #tpu.memory_space<vmem>>[vector<16xi32>, vector<16xi32>], vector<16xf32>,
          %gather3A_336 = tpu.vector_load_idx %arg11[%add3A_146, %add3A_321] : memref<32x128xf32, #tpu.memory_space<vmem>>[vector<16xi32>, vector<16xi32>], vector<16xf32>,
          %gather3A_337 = tpu.vector_load_idx %arg12[%add3A_146, %add3A_171] : memref<32x64xf32, #tpu.memory_space<vmem>>[vector<16xi32>, vector<16xi32>], vector<16xf32>,
          %mul3A_338 = arith.mulf %gather3A, %gather3A_337 : vector<16xf32>
          %add3A_339 = arith.addf %scan3A_162, %mul3A_338 : vector<16xf32>
          %gather3A_340 = tpu.vector_load_idx %arg12[%add3A_146, %add3A_181] : memref<32x64xf32, #tpu.memory_space<vmem>>[vector<16xi32>, vector<16xi32>], vector<16xf32>,
          %mul3A_341 = arith.mulf %gather3A_322, %gather3A_340 : vector<16xf32>
          %add3A_342 = arith.addf %add3A_339, %mul3A_341 : vector<16xf32>
          %gather3A_343 = tpu.vector_load_idx %arg12[%add3A_146, %add3A_191] : memref<32x64xf32, #tpu.memory_space<vmem>>[vector<16xi32>, vector<16xi32>], vector<16xf32>,
          %mul3A_344 = arith.mulf %gather3A_323, %gather3A_343 : vector<16xf32>
          %add3A_345 = arith.addf %add3A_342, %mul3A_344 : vector<16xf32>
          %gather3A_346 = tpu.vector_load_idx %arg12[%add3A_146, %add3A_201] : memref<32x64xf32, #tpu.memory_space<vmem>>[vector<16xi32>, vector<16xi32>], vector<16xf32>,
          %mul3A_347 = arith.mulf %gather3A_324, %gather3A_346 : vector<16xf32>
          %add3A_348 = arith.addf %add3A_345, %mul3A_347 : vector<16xf32>
          %gather3A_349 = tpu.vector_load_idx %arg12[%add3A_146, %add3A_211] : memref<32x64xf32, #tpu.memory_space<vmem>>[vector<16xi32>, vector<16xi32>], vector<16xf32>,
          %mul3A_350 = arith.mulf %gather3A_325, %gather3A_349 : vector<16xf32>
          %add3A_351 = arith.addf %add3A_348, %mul3A_350 : vector<16xf32>
          %gather3A_352 = tpu.vector_load_idx %arg12[%add3A_146, %add3A_221] : memref<32x64xf32, #tpu.memory_space<vmem>>[vector<16xi32>, vector<16xi32>], vector<16xf32>,
          %mul3A_353 = arith.mulf %gather3A_326, %gather3A_352 : vector<16xf32>
          %add3A_354 = arith.addf %add3A_351, %mul3A_353 : vector<16xf32>
          %gather3A_355 = tpu.vector_load_idx %arg12[%add3A_146, %add3A_231] : memref<32x64xf32, #tpu.memory_space<vmem>>[vector<16xi32>, vector<16xi32>], vector<16xf32>,
          %mul3A_356 = arith.mulf %gather3A_327, %gather3A_355 : vector<16xf32>
          %add3A_357 = arith.addf %add3A_354, %mul3A_356 : vector<16xf32>
          %gather3A_358 = tpu.vector_load_idx %arg12[%add3A_146, %add3A_241] : memref<32x64xf32, #tpu.memory_space<vmem>>[vector<16xi32>, vector<16xi32>], vector<16xf32>,
          %mul3A_359 = arith.mulf %gather3A_328, %gather3A_358 : vector<16xf32>
          %add3A_360 = arith.addf %add3A_357, %mul3A_359 : vector<16xf32>
          %gather3A_361 = tpu.vector_load_idx %arg12[%add3A_146, %add3A_251] : memref<32x64xf32, #tpu.memory_space<vmem>>[vector<16xi32>, vector<16xi32>], vector<16xf32>,
          %mul3A_362 = arith.mulf %gather3A_329, %gather3A_361 : vector<16xf32>
          %add3A_363 = arith.addf %add3A_360, %mul3A_362 : vector<16xf32>
          %gather3A_364 = tpu.vector_load_idx %arg12[%add3A_146, %add3A_261] : memref<32x64xf32, #tpu.memory_space<vmem>>[vector<16xi32>, vector<16xi32>], vector<16xf32>,
          %mul3A_365 = arith.mulf %gather3A_330, %gather3A_364 : vector<16xf32>
          %add3A_366 = arith.addf %add3A_363, %mul3A_365 : vector<16xf32>
          %gather3A_367 = tpu.vector_load_idx %arg12[%add3A_146, %add3A_271] : memref<32x64xf32, #tpu.memory_space<vmem>>[vector<16xi32>, vector<16xi32>], vector<16xf32>,
          %mul3A_368 = arith.mulf %gather3A_331, %gather3A_367 : vector<16xf32>
          %add3A_369 = arith.addf %add3A_366, %mul3A_368 : vector<16xf32>
          %gather3A_370 = tpu.vector_load_idx %arg12[%add3A_146, %add3A_281] : memref<32x64xf32, #tpu.memory_space<vmem>>[vector<16xi32>, vector<16xi32>], vector<16xf32>,
          %mul3A_371 = arith.mulf %gather3A_332, %gather3A_370 : vector<16xf32>
          %add3A_372 = arith.addf %add3A_369, %mul3A_371 : vector<16xf32>
          %gather3A_373 = tpu.vector_load_idx %arg12[%add3A_146, %add3A_291] : memref<32x64xf32, #tpu.memory_space<vmem>>[vector<16xi32>, vector<16xi32>], vector<16xf32>,
          %mul3A_374 = arith.mulf %gather3A_333, %gather3A_373 : vector<16xf32>
          %add3A_375 = arith.addf %add3A_372, %mul3A_374 : vector<16xf32>
          %gather3A_376 = tpu.vector_load_idx %arg12[%add3A_146, %add3A_301] : memref<32x64xf32, #tpu.memory_space<vmem>>[vector<16xi32>, vector<16xi32>], vector<16xf32>,
          %mul3A_377 = arith.mulf %gather3A_334, %gather3A_376 : vector<16xf32>
          %add3A_378 = arith.addf %add3A_375, %mul3A_377 : vector<16xf32>
          %gather3A_379 = tpu.vector_load_idx %arg12[%add3A_146, %add3A_311] : memref<32x64xf32, #tpu.memory_space<vmem>>[vector<16xi32>, vector<16xi32>], vector<16xf32>,
          %mul3A_380 = arith.mulf %gather3A_335, %gather3A_379 : vector<16xf32>
          %add3A_381 = arith.addf %add3A_378, %mul3A_380 : vector<16xf32>
          %gather3A_382 = tpu.vector_load_idx %arg12[%add3A_146, %add3A_321] : memref<32x64xf32, #tpu.memory_space<vmem>>[vector<16xi32>, vector<16xi32>], vector<16xf32>,
          %mul3A_383 = arith.mulf %gather3A_336, %gather3A_382 : vector<16xf32>
          %add3A_384 = arith.addf %add3A_381, %mul3A_383 : vector<16xf32>
          %scan3A_385 = arith.constant 0 : i32
          %scan3A_386 = arith.constant 0 : i32
          %scan3A_387 = arith.constant 20 : i32
          %scan3A_388 = arith.addi %scan3A_386, %scan3A_387 : i32
          %scan3A_389 = arith.constant 1 : i32
          scf.for %scan3A_391 = %scan3A_386 to %scan3A_388 step %scan3A_389  : i32 {
            %add3A_392 = vector.broadcast %scan3A_391 : i32 to vector<16xi32>
            %add3A_393 = arith.addi %mul3A_149, %add3A_392 : vector<16xi32>
            %gather3A_394 = tpu.vector_load_idx %arg13[%add3A_393, %add3A_171] : memref<640x64xf32, #tpu.memory_space<vmem>>[vector<16xi32>, vector<16xi32>], vector<16xf32>,
            %mul3A_395 = arith.mulf %gather3A, %gather3A_394 : vector<16xf32>
            %gather3A_396 = tpu.vector_load_idx %arg13[%add3A_393, %add3A_181] : memref<640x64xf32, #tpu.memory_space<vmem>>[vector<16xi32>, vector<16xi32>], vector<16xf32>,
            %mul3A_397 = arith.mulf %gather3A_322, %gather3A_396 : vector<16xf32>
            %add3A_398 = arith.addf %mul3A_395, %mul3A_397 : vector<16xf32>
            %gather3A_399 = tpu.vector_load_idx %arg13[%add3A_393, %add3A_191] : memref<640x64xf32, #tpu.memory_space<vmem>>[vector<16xi32>, vector<16xi32>], vector<16xf32>,
            %mul3A_400 = arith.mulf %gather3A_323, %gather3A_399 : vector<16xf32>
            %add3A_401 = arith.addf %add3A_398, %mul3A_400 : vector<16xf32>
            %gather3A_402 = tpu.vector_load_idx %arg13[%add3A_393, %add3A_201] : memref<640x64xf32, #tpu.memory_space<vmem>>[vector<16xi32>, vector<16xi32>], vector<16xf32>,
            %mul3A_403 = arith.mulf %gather3A_324, %gather3A_402 : vector<16xf32>
            %add3A_404 = arith.addf %add3A_401, %mul3A_403 : vector<16xf32>
            %gather3A_405 = tpu.vector_load_idx %arg13[%add3A_393, %add3A_211] : memref<640x64xf32, #tpu.memory_space<vmem>>[vector<16xi32>, vector<16xi32>], vector<16xf32>,
            %mul3A_406 = arith.mulf %gather3A_325, %gather3A_405 : vector<16xf32>
            %add3A_407 = arith.addf %add3A_404, %mul3A_406 : vector<16xf32>
            %gather3A_408 = tpu.vector_load_idx %arg13[%add3A_393, %add3A_221] : memref<640x64xf32, #tpu.memory_space<vmem>>[vector<16xi32>, vector<16xi32>], vector<16xf32>,
            %mul3A_409 = arith.mulf %gather3A_326, %gather3A_408 : vector<16xf32>
            %add3A_410 = arith.addf %add3A_407, %mul3A_409 : vector<16xf32>
            %gather3A_411 = tpu.vector_load_idx %arg13[%add3A_393, %add3A_231] : memref<640x64xf32, #tpu.memory_space<vmem>>[vector<16xi32>, vector<16xi32>], vector<16xf32>,
            %mul3A_412 = arith.mulf %gather3A_327, %gather3A_411 : vector<16xf32>
            %add3A_413 = arith.addf %add3A_410, %mul3A_412 : vector<16xf32>
            %gather3A_414 = tpu.vector_load_idx %arg13[%add3A_393, %add3A_241] : memref<640x64xf32, #tpu.memory_space<vmem>>[vector<16xi32>, vector<16xi32>], vector<16xf32>,
            %mul3A_415 = arith.mulf %gather3A_328, %gather3A_414 : vector<16xf32>
            %add3A_416 = arith.addf %add3A_413, %mul3A_415 : vector<16xf32>
            %gather3A_417 = tpu.vector_load_idx %arg13[%add3A_393, %add3A_251] : memref<640x64xf32, #tpu.memory_space<vmem>>[vector<16xi32>, vector<16xi32>], vector<16xf32>,
            %mul3A_418 = arith.mulf %gather3A_329, %gather3A_417 : vector<16xf32>
            %add3A_419 = arith.addf %add3A_416, %mul3A_418 : vector<16xf32>
            %gather3A_420 = tpu.vector_load_idx %arg13[%add3A_393, %add3A_261] : memref<640x64xf32, #tpu.memory_space<vmem>>[vector<16xi32>, vector<16xi32>], vector<16xf32>,
            %mul3A_421 = arith.mulf %gather3A_330, %gather3A_420 : vector<16xf32>
            %add3A_422 = arith.addf %add3A_419, %mul3A_421 : vector<16xf32>
            %gather3A_423 = tpu.vector_load_idx %arg13[%add3A_393, %add3A_271] : memref<640x64xf32, #tpu.memory_space<vmem>>[vector<16xi32>, vector<16xi32>], vector<16xf32>,
            %mul3A_424 = arith.mulf %gather3A_331, %gather3A_423 : vector<16xf32>
            %add3A_425 = arith.addf %add3A_422, %mul3A_424 : vector<16xf32>
            %gather3A_426 = tpu.vector_load_idx %arg13[%add3A_393, %add3A_281] : memref<640x64xf32, #tpu.memory_space<vmem>>[vector<16xi32>, vector<16xi32>], vector<16xf32>,
            %mul3A_427 = arith.mulf %gather3A_332, %gather3A_426 : vector<16xf32>
            %add3A_428 = arith.addf %add3A_425, %mul3A_427 : vector<16xf32>
            %gather3A_429 = tpu.vector_load_idx %arg13[%add3A_393, %add3A_291] : memref<640x64xf32, #tpu.memory_space<vmem>>[vector<16xi32>, vector<16xi32>], vector<16xf32>,
            %mul3A_430 = arith.mulf %gather3A_333, %gather3A_429 : vector<16xf32>
            %add3A_431 = arith.addf %add3A_428, %mul3A_430 : vector<16xf32>
            %gather3A_432 = tpu.vector_load_idx %arg13[%add3A_393, %add3A_301] : memref<640x64xf32, #tpu.memory_space<vmem>>[vector<16xi32>, vector<16xi32>], vector<16xf32>,
            %mul3A_433 = arith.mulf %gather3A_334, %gather3A_432 : vector<16xf32>
            %add3A_434 = arith.addf %add3A_431, %mul3A_433 : vector<16xf32>
            %gather3A_435 = tpu.vector_load_idx %arg13[%add3A_393, %add3A_311] : memref<640x64xf32, #tpu.memory_space<vmem>>[vector<16xi32>, vector<16xi32>], vector<16xf32>,
            %mul3A_436 = arith.mulf %gather3A_335, %gather3A_435 : vector<16xf32>
            %add3A_437 = arith.addf %add3A_434, %mul3A_436 : vector<16xf32>
            %gather3A_438 = tpu.vector_load_idx %arg13[%add3A_393, %add3A_321] : memref<640x64xf32, #tpu.memory_space<vmem>>[vector<16xi32>, vector<16xi32>], vector<16xf32>,
            %mul3A_439 = arith.mulf %gather3A_336, %gather3A_438 : vector<16xf32>
            %add3A_440 = arith.addf %add3A_437, %mul3A_439 : vector<16xf32>
            %add3A_441 = arith.constant 1 : i32
            %add3A_442 = arith.addi %add3A_441, %scan3A_391 : i32
            %mul3A_443 = arith.constant 32 : i32
            %mul3A_444 = arith.muli %add3A_442, %mul3A_443 : i32
            %mul3A_445 = arith.constant 16 : i32
            %mul3A_446 = arith.muli %scan3A_142, %mul3A_445 : i32
            %add3A_447 = arith.addi %mul3A_444, %mul3A_446 : i32
            %swap3A_448 = arith.index_cast %add3A_447 : i32 to index
            %swap3A_449 = tpu.vector_load %arg14[%swap3A_448] {strides = array<i32>} : memref<672xf32, #tpu.memory_space<vmem>>, vector<16xf32>,
            tpu.vector_store %arg14[%swap3A_448], %add3A_440 {add = true, strides = array<i32>} : memref<672xf32, #tpu.memory_space<vmem>>, vector<16xf32>,
          }
          %scan3A_390 = arith.constant 20 : i32
          scf.yield %add3A_384 : vector<16xf32>
        }
        %scan3A_155 = arith.constant 4 : i32
        %neg3A = arith.constant 0.000000e+00 : f32
        %neg3A_156 = vector.broadcast %neg3A : f32 to vector<16xf32>
        %neg3A_157 = arith.subf %neg3A_156, %scan3A_154 : vector<16xf32>
        %mul3A_158 = arith.constant 16 : i32
        %mul3A_159 = arith.muli %scan3A_142, %mul3A_158 : i32
        %swap3A = arith.index_cast %mul3A_159 : i32 to index
        %swap3A_160 = tpu.vector_load %arg14[%swap3A] {strides = array<i32>} : memref<672xf32, #tpu.memory_space<vmem>>, vector<16xf32>,
        tpu.vector_store %arg14[%swap3A], %neg3A_157 {strides = array<i32>} : memref<672xf32, #tpu.memory_space<vmem>>, vector<16xf32>,
      }
      %scan3A_141 = arith.constant 2 : i32
      "tpu.region"() ({
        %run_scoped3A = tpu.sem_alloc : memref<!tpu.dma_semaphore, #tpu.memory_space<semaphore_mem>>
        %dma_start3A_142 = arith.constant 0 : i32
        %dma_start3A_143 = tpu.memref_slice %arg7[%add3A, %scan3A_7, %dma_start3A_142] : memref<32x16x672xf32, #tpu.memory_space<hbm>> -> memref<1x1x672xf32, #tpu.memory_space<hbm>>
        %dma_start3A_144 = tpu.memref_squeeze %dma_start3A_143 : memref<1x1x672xf32, #tpu.memory_space<hbm>> -> memref<672xf32, #tpu.memory_space<hbm>>
        %dma_start3A_145 = arith.constant 0 : i32
        %dma_start3A_146 = tpu.memref_slice %arg7[%add3A, %scan3A_7, %dma_start3A_145] : memref<32x16x672xf32, #tpu.memory_space<hbm>> -> memref<1x1x672xf32, #tpu.memory_space<hbm>>
        %dma_start3A_147 = tpu.memref_squeeze %dma_start3A_146 : memref<1x1x672xf32, #tpu.memory_space<hbm>> -> memref<672xf32, #tpu.memory_space<hbm>>
        tpu.enqueue_dma source(%arg14 : memref<672xf32, #tpu.memory_space<vmem>>) target(%dma_start3A_147 : memref<672xf32, #tpu.memory_space<hbm>>) target_semaphore(%run_scoped3A : memref<!tpu.dma_semaphore, #tpu.memory_space<semaphore_mem>>)
        %dma_wait3A_148 = arith.constant 0 : i32
        %dma_wait3A_149 = tpu.memref_slice %arg7[%add3A, %scan3A_7, %dma_wait3A_148] : memref<32x16x672xf32, #tpu.memory_space<hbm>> -> memref<1x1x672xf32, #tpu.memory_space<hbm>>
        %dma_wait3A_150 = tpu.memref_squeeze %dma_wait3A_149 : memref<1x1x672xf32, #tpu.memory_space<hbm>> -> memref<672xf32, #tpu.memory_space<hbm>>
        %dma_wait3A_151 = arith.constant 0 : i32
        %dma_wait3A_152 = tpu.memref_slice %arg7[%add3A, %scan3A_7, %dma_wait3A_151] : memref<32x16x672xf32, #tpu.memory_space<hbm>> -> memref<1x1x672xf32, #tpu.memory_space<hbm>>
        %dma_wait3A_153 = tpu.memref_squeeze %dma_wait3A_152 : memref<1x1x672xf32, #tpu.memory_space<hbm>> -> memref<672xf32, #tpu.memory_space<hbm>>
        tpu.wait_dma2 semaphore(%run_scoped3A : memref<!tpu.dma_semaphore, #tpu.memory_space<semaphore_mem>>) src(%arg14 : memref<672xf32, #tpu.memory_space<vmem>>) dst(%dma_wait3A_153 : memref<672xf32, #tpu.memory_space<hbm>>)
        tpu.yield
      }) : () -> ()
    }
    %scan3A_6 = arith.constant 16 : i32
    return
  }
}

module attributes {stable_mosaic.version = 14 : i64} {
  func.func @_tc_loss_body(%arg0: memref<2688x128xf32, #tpu.memory_space<vmem>>, %arg1: memref<1x1xf32, #tpu.memory_space<smem>>) attributes {dimension_semantics = [], scalar_prefetch = 0 : i64, scratch_operands = 0 : i64, tpu.core_type = #tpu.core_type<tc>} {
    %get3A = arith.constant 0 : index
    %get3A_0 = arith.constant 0 : index
    %get3A_1 = vector.load %arg0[%get3A, %get3A_0] : memref<2688x128xf32, #tpu.memory_space<vmem>>, vector<2688x128xf32>
    %max3A = arith.constant 0.000000e+00 : f32
    %max3A_2 = vector.broadcast %max3A : f32 to vector<2688x128xf32>
    %max3A_3 = arith.maximumf %get3A_1, %max3A_2 : vector<2688x128xf32>
    %abs3A = math.absf %get3A_1 : vector<2688x128xf32>
    %neg3A = arith.constant 0.000000e+00 : f32
    %neg3A_4 = vector.broadcast %neg3A : f32 to vector<2688x128xf32>
    %neg3A_5 = arith.subf %neg3A_4, %abs3A : vector<2688x128xf32>
    %exp3A = math.exp %neg3A_5 : vector<2688x128xf32>
    %log1p3A = math.log1p %exp3A : vector<2688x128xf32>
    %add3A = arith.addf %max3A_3, %log1p3A : vector<2688x128xf32>
    %reduce_sum3A = vector.shape_cast %add3A : vector<2688x128xf32> to vector<1x2688x128xf32>
    %reduce_sum3A_6 = arith.constant dense<0.000000e+00> : vector<1xf32>
    %reduce_sum3A_7 = vector.multi_reduction <add>, %reduce_sum3A, %reduce_sum3A_6 [1, 2] : vector<1x2688x128xf32> to vector<1xf32>
    %reduce_sum3A_8 = vector.shape_cast %reduce_sum3A_7 : vector<1xf32> to vector<1x1x1xf32>
    %reduce_sum3A_9 = vector.extract %reduce_sum3A_8[0, 0, 0] : f32 from vector<1x1x1xf32>
    %mul3A = arith.constant 6.10351563E-5 : f32
    %mul3A_10 = arith.mulf %reduce_sum3A_9, %mul3A : f32
    %swap3A = arith.constant 0 : index
    %swap3A_11 = arith.constant 0 : index
    %swap3A_12 = memref.load %arg1[%swap3A, %swap3A_11] : memref<1x1xf32, #tpu.memory_space<smem>>
    memref.store %mul3A_10, %arg1[%swap3A, %swap3A_11] : memref<1x1xf32, #tpu.memory_space<smem>>
    return
  }
}

module attributes {stable_mosaic.version = 14 : i64} {
  func.func @_tc_tr_body(%arg0: i32, %arg1: memref<64x4096xf32, #tpu.memory_space<vmem>>, %arg2: memref<4096x128xf32, #tpu.memory_space<vmem>>) attributes {dimension_semantics = [#tpu.dimension_semantics<arbitrary>], iteration_bounds = array<i64: 245>, scalar_prefetch = 0 : i64, scratch_operands = 0 : i64, tpu.core_type = #tpu.core_type<tc>, window_params = [{transform_indices = @transform_0, window_bounds = array<i64: 64, 4096>}, {transform_indices = @transform_1, window_bounds = array<i64: 4096, 128>}]} {
    %get3A = arith.constant 0 : index
    %get3A_0 = arith.constant 0 : index
    %get3A_1 = vector.load %arg1[%get3A, %get3A_0] : memref<64x4096xf32, #tpu.memory_space<vmem>>, vector<64x4096xf32>
    %iota3A = tpu.iota {dimensions = array<i32: 0>} : vector<64x64xi32>
    %iota3A_2 = tpu.iota {dimensions = array<i32: 1>} : vector<64x64xi32>
    %add3A = arith.constant 0 : i32
    %add3A_3 = vector.broadcast %add3A : i32 to vector<64x64xi32>
    %add3A_4 = arith.addi %iota3A, %add3A_3 : vector<64x64xi32>
    %eq3A = arith.cmpi eq, %add3A_4, %iota3A_2 : vector<64x64xi32>
    %convert_element_type3A = arith.extui %eq3A : vector<64x64xi1> to vector<64x64xi32>
    %convert_element_type3A_5 = arith.sitofp %convert_element_type3A : vector<64x64xi32> to vector<64x64xf32>
    %dot_general3A = arith.constant dense<0.000000e+00> : vector<4096x64xf32>
    %dot_general3A_6 = tpu.matmul %get3A_1, %convert_element_type3A_5, %dot_general3A {dimension_numbers = #tpu.dot_dimension_numbers<[0], [0], [1], [1], [0, 1, 1, 1], [], []>, transpose_lhs_hint = false} : vector<64x4096xf32>, vector<64x64xf32>, vector<4096x64xf32> -> vector<4096x64xf32>
    %broadcast_in_dim3A = arith.constant 0.000000e+00 : f32
    %broadcast_in_dim3A_7 = vector.broadcast %broadcast_in_dim3A : f32 to vector<4096x64xf32>
    %concatenate3A = tpu.concatenate %dot_general3A_6, %broadcast_in_dim3A_7 in 1 : vector<4096x64xf32>, vector<4096x64xf32> -> vector<4096x128xf32>
    %swap3A = arith.constant 0 : index
    %swap3A_8 = arith.constant 0 : index
    %swap3A_9 = vector.load %arg2[%swap3A, %swap3A_8] : memref<4096x128xf32, #tpu.memory_space<vmem>>, vector<4096x128xf32>
    tpu.vector_store %arg2[%swap3A, %swap3A_8], %concatenate3A {strides = array<i32>} : memref<4096x128xf32, #tpu.memory_space<vmem>>, vector<4096x128xf32>,
    return
  }
  func.func @transform_0(%arg0: i32) -> (i32, i32) {
    %c0_i32 = arith.constant 0 : i32
    %c0_i32_0 = arith.constant 0 : i32
    return %c0_i32, %arg0 : i32, i32
  }
  func.func @transform_1(%arg0: i32) -> (i32, i32) {
    %c0_i32 = arith.constant 0 : i32
    %c0_i32_0 = arith.constant 0 : i32
    return %arg0, %c0_i32 : i32, i32
  }
}

</mosaic_0001>

<sc_bundles>
// kernel: kernel.6.cloned.1.call-start
scs
__scs_entry_jumppad:
0x0: {  	(pc) =	sbr.rel $0x88, $3  }
0x1: {  	(tag) =	ssettag $0x0;
	lr =	simm.s32 $0x1  }
0x2: {  	[smem:$0x3F9C] =	sst lr;
	_ =	strace $0xD0000000  }
0x3: {  	_ = 	snop  }
0x4: {  	_ = 	snop  }
0x5: {  	_ = 	snop  }
0x6: {  	_ = 	snop  }
0x7: {  	_ = 	snop  }
__scs_overlays_trampoline_lowered:
0x8: {  	[smem:$0x3FAB] =	sst s0  }
0x9: {  	[smem:$0x3FAC] =	sst s1  }
0xa: {  	[smem:$0x3FAD] =	sst s2  }
0xb: {  	[smem:$0x3FAE] =	sst s3  }
0xc: {  	[smem:$0x3FAF] =	sst s4  }
0xd: {  	[smem:$0x3FB0] =	sst s5  }
0xe: {  	[smem:$0x3FB1] =	sst s6  }
0xf: {  	[smem:$0x3FB2] =	sst s7  }
0x10: {  	[smem:$0x3FB3] =	sst s8  }
0x11: {  	[smem:$0x3FB4] =	sst s9;
	s0 =	simm.s32 @!p0 $0x0  }
0x12: {  	s1 =	sld [smem:$0x3F9A];
	s0 =	simm.s32 @p0 $0x1  }
0x13: {  	[smem:$0x3FB5] =	sst s0;
	s0 =	simm.s32 @!p1 $0x0  }
0x14: {  	s2 =	sld [smem:$0x3F99];
	s0 =	simm.s32 @p1 $0x1  }
0x15: {  	[smem:$0x3FB6] =	sst s0;
	s0 =	simm.s32 @!p2 $0x0  }
0x16: {  	s3 =	sld [smem:$0x3FDB];
	s0 =	simm.s32 @p2 $0x1  }
0x17: {  	s4 =	simm.s32 $0x1BF5;
	[smem:$0x3FB8] =	sst s0  }
0x18: {  	s0 =	sld [smem:$0x3F9B];
	_ =	swait.ge [sflag:s4], $0x0  }
0x19: {  	s7 =	sld [smem:$0x3F9C]  }
0x1a: {  	s8 =	sadd.s32 $0xFFFFE003, lr  }
0x1b: {  	s9 =	sadd.s32 $0xFFFFFEF7, lr;
	s5 =	simm.s32 $0xFFFFFFFF;
	p2 =	slt.u32 s8, $0xFFFFF086  }
0x1c: {  	p1 =	slt.u32 s9, $0xF7A;
	s5 =	simm.s32 @!p2 $0x0  }
0x1d: {  	s5 =	simm.s32 @p1 $0x1;
	p0 =	seq.s32 s7, s2  }
0x1e: {  	s7 =	smul.u32 @!p0 $0xF7A, s2;
	p2 =	seq.s32 @!p0 s5, $0x0  }
0x1f: {  	s9 =	smul.u32 $0xF7A, s1;
	s8 =	simm.s32 @!p0 $0x1BF5;
	p2 =	por !p2, p0  }
0x20: {  	[sflag:s8] =	ssyncset.s32 @!p0 $0xFFFFF086;
	s6 =	sadd.s32 @!p0 s3, s7;
	s7 =	simm.s32 @!p0 $0x108  }
0x21: {  	s3 =	sadd.s32 s3, s9;
	s6 =	sadd.s32 @!p0 $0x88, s6;
	s7 =	simm.s32 @p2 $0x1082  }
0x22: {  	[simem:s7], [sflag:s8] =	dma.local @!p0 [hbm:s6], $0xF7A  }
0x23: {  	s9 =	sor.u32 $0xD0000000, s2;
	s6 =	simm.s32 $0x108;
	_ =	swait.ge @!p0 [sflag:s8], $0x0  }
0x24: {  	s3 =	sadd.s32 $0x88, s3;
	s6 =	simm.s32 @!p1 $0x1082;
	[sflag:s4] =	ssyncset.s32 $0xFFFFF086  }
0x25: {  	[simem:s6], [sflag:s4] =	dma.local [hbm:s3], $0xF7A  }
0x26: {  	[smem:$0x3F9C] =	sst s1;
	(tag) =	ssettag s2;
	_ =	strace s9  }
0x27: {  	s1 =	sld [smem:$0x3FAC]  }
0x28: {  	s2 =	sld [smem:$0x3FAD]  }
0x29: {  	s4 =	sld [smem:$0x3FAF]  }
0x2a: {  	p0 =	seq.s32 s5, $0x0;
	s5 =	sld [smem:$0x3FB0]  }
0x2b: {  	s6 =	sld [smem:$0x3FB1]  }
0x2c: {  	s7 =	sld [smem:$0x3FB2]  }
0x2d: {  	s3 =	simm.s32 $0x108;
	s8 =	sld [smem:$0x3FB3]  }
0x2e: {  	s3 =	simm.s32 @!p0 $0x1082;
	s9 =	sld [smem:$0x3FB4]  }
0x2f: {  	lr =	sadd.s32 s0, s3;
	s0 =	sld [smem:$0x3FAB]  }
0x30: {  	s3 =	sld [smem:$0x3FAE]  }
0x31: {  	[smem:$0x3FB7] =	sst s10  }
0x32: {  	s10 =	sld [smem:$0x3FB5];
	_ =	sdelay $0x3  }
0x33: {  	p0 =	seq.s32 s10, $0x1;
	s10 =	sld [smem:$0x3FB7];
	_ =	sdelay $0x3  }
0x34: {  	[smem:$0x3FB7] =	sst s10  }
0x35: {  	s10 =	sld [smem:$0x3FB6];
	_ =	sdelay $0x3  }
0x36: {  	p1 =	seq.s32 s10, $0x1;
	s10 =	sld [smem:$0x3FB7];
	_ =	sdelay $0x3  }
0x37: {  	[smem:$0x3FB7] =	sst s10  }
0x38: {  	s10 =	sld [smem:$0x3FB8]  }
0x39: {  	_ = 	snop;
	(pc) =	sbr.ind lr, $3  }
0x3a: {  	_ = 	snop  }
0x3b: {  	_ = 	snop  }
0x3c: {  	p2 =	seq.s32 s10, $0x1;
	s10 =	sld [smem:$0x3FB7]  }
0x3d: {  	_ =	shalt  }
0x3e: {  	_ =	shalt  }
0x3f: {  	_ =	shalt  }
0x40: {  	_ =	shalt  }
0x41: {  	_ =	shalt  }
0x42: {  	_ =	shalt  }
0x43: {  	_ =	shalt  }
0x44: {  	_ =	shalt  }
0x45: {  	_ =	shalt  }
0x46: {  	_ =	shalt  }
0x47: {  	_ =	shalt  }
0x48: {  	_ =	shalt  }
0x49: {  	_ =	shalt  }
0x4a: {  	_ =	shalt  }
0x4b: {  	_ =	shalt  }
0x4c: {  	_ =	shalt  }
0x4d: {  	_ =	shalt  }
0x4e: {  	_ =	shalt  }
0x4f: {  	_ =	shalt  }
0x50: {  	_ =	shalt  }
0x51: {  	_ =	shalt  }
0x52: {  	_ =	shalt  }
0x53: {  	_ =	shalt  }
0x54: {  	_ =	shalt  }
0x55: {  	_ =	shalt  }
0x56: {  	_ =	shalt  }
0x57: {  	_ =	shalt  }
0x58: {  	_ =	shalt  }
0x59: {  	_ =	shalt  }
0x5a: {  	_ =	shalt  }
0x5b: {  	_ =	shalt  }
0x5c: {  	_ =	shalt  }
0x5d: {  	_ =	shalt  }
0x5e: {  	_ =	shalt  }
0x5f: {  	_ =	shalt  }
0x60: {  	_ =	shalt  }
0x61: {  	_ =	shalt  }
0x62: {  	_ =	shalt  }
0x63: {  	_ =	shalt  }
0x64: {  	_ =	shalt  }
0x65: {  	_ =	shalt  }
0x66: {  	_ =	shalt  }
0x67: {  	_ =	shalt  }
0x68: {  	_ =	shalt  }
0x69: {  	_ =	shalt  }
0x6a: {  	_ =	shalt  }
0x6b: {  	_ =	shalt  }
0x6c: {  	_ =	shalt  }
0x6d: {  	_ =	shalt  }
0x6e: {  	_ =	shalt  }
0x6f: {  	_ =	shalt  }
0x70: {  	_ =	shalt  }
0x71: {  	_ =	shalt  }
0x72: {  	_ =	shalt  }
0x73: {  	_ =	shalt  }
0x74: {  	_ =	shalt  }
0x75: {  	_ =	shalt  }
0x76: {  	_ =	shalt  }
0x77: {  	_ =	shalt  }
0x78: {  	_ =	shalt  }
0x79: {  	_ =	shalt  }
0x7a: {  	_ =	shalt  }
0x7b: {  	_ =	shalt  }
0x7c: {  	_ =	shalt  }
0x7d: {  	_ =	shalt  }
0x7e: {  	_ =	shalt  }
0x7f: {  	_ =	shalt  }
0x80: {  	_ =	shalt  }
0x81: {  	_ =	shalt  }
0x82: {  	_ =	shalt  }
0x83: {  	_ =	shalt  }
0x84: {  	_ =	shalt  }
0x85: {  	_ =	shalt  }
0x86: {  	_ =	shalt  }
0x87: {  	_ =	shalt  }
.Lfunc_end0:
.L_simem_size_0:
called_computation_lowered:
.L_overlay_start_0:
0x88: {  	s2 =	sld [smem:$0x3FD9]  }
0x89: {  	s3 =	sld [smem:$0x3FFE];
	_ =	sdelay $0x1  }
0x8a: {  	s1 =	srdreg.scid  }
0x8b: {  	s0 =	sand.u32 $0x1, s1  }
0x8c: {  	s17 =	sshll.u32 s0, $0xA;
	s2 =	sadd.s32 s3, s2  }
0x8d: {  	s2 =	sadd.s32 s2, s17  }
0x8e: {  	[smem:$0x3FC3] =	sst s2  }
0x8f: {  	_ = 	snop  }
0x90: {  	s2 =	sld [smem:$0x3FC5];
	(tm) =	ssettm $0x1  }
0x91: {  	s18 =	sld [smem:$0x3FFB];
	_ =	sdelay $0x3  }
0x92: {  	_ =	strace s18  }
0x93: {  	s3 =	sld [smem:$0x3FFC];
	_ =	sdelay $0x3  }
0x94: {  	_ =	strace s3  }
0x95: {  	s3 =	sld [smem:$0x3FFD];
	_ =	sdelay $0x3  }
0x96: {  	_ =	strace s3  }
0x97: {  	_ =	strace $0x8FFFFFFF  }
0x98: {  	s19 =	sld [smem:$0x3FDB];
	_ =	sdelay $0x1  }
0x99: {  	s4 =	simm.s32 $_scs_section_size  }
0x9a: {  	s5 =	simm.s32 $_size__tile_overlayer_lowered;
	s6 =	simm.s32 $_tile_overlayer_lowered  }
0x9b: {  	s22 =	simm.s32 $0x1BFF;
	s21 =	sshll.u32 s6, $0x1;
	s3 =	sadd.s32 s4, s19  }
0x9c: {  	s7 =	simm.s32 $0x0;
	s20 =	sshll.u32 s5, $0x1;
	s5 =	sadd.s32 s21, s3  }
0x9d: {  	[timem:s7], [sflag:s22] =	dma.local [hbm:s5], s20  }
0x9e: {  	_ =	swait.ge [sflag:s22], s20  }
0x9f: {  	s4 =	ssub.s32 $0x0, s20;
	[sflag:s22] =	ssyncset.done $0x0  }
0xa0: {  	[sflag:s22] =	ssyncadd.s32 s4;
	_ =	sdelay $0x1  }
0xa1: {  	s23 =	simm.s32 $0x1B8B  }
0xa2: {  	_ =	swait.ge [sflag:s23], $0x1  }
0xa3: {  	[sflag:s23] =	ssyncset.done $0x0  }
0xa4: {  	s25 =	simm.s32 $0x1B8E;
	s24 =	sld [smem:$0x3FFE];
	[sflag:s23] =	ssyncadd.s32 $0xFFFFFFFF  }
0xa5: {  	s26 =	simm.s32 $execute0_lowered;
	[smem:$0x3FD2] =	sst s25  }
0xa6: {  	s5 =	sshll.u32 s26, $0x1;
	_ =	strace $0x80000046;
	[dreg:$0x1] =	wrdreg $0xFFFFFFFF  }
0xa7: {  	s28 =	simm.s32 $_size_execute0_lowered;
	s3 =	sadd.s32 s3, s5;
	[dreg:$0x0] =	wrdreg $0x0  }
0xa8: {  	s5 =	sshll.u32 s28, $0x1;
	[dreg:$0x2] =	wrdreg s3  }
0xa9: {  	[dreg:$0x3] =	wrdreg s5  }
0xaa: {  	[dreg:$0x4] =	wrdreg $0xC0  }
0xab: {  	_ =	task [dreg:s7], $0x5FFFF  }
0xac: {  	[dreg:$0x1] =	wrdreg $0xFFFFFFFF  }
0xad: {  	[dreg:$0x0] =	wrdreg $0x60  }
0xae: {  	[dreg:$0x2] =	wrdreg s2  }
0xaf: {  	[dreg:$0x3] =	wrdreg s24  }
0xb0: {  	[dreg:$0x4] =	wrdreg $0x9  }
0xb1: {  	_ =	task.clear_ibuf [dreg:s7], $0x5FFFF;
	_ =	strace $0x90000046  }
0xb2: {  	s29 =	simm.s32 $0x9;
	_ =	strace $0x80000048  }
0xb3: {  	_ =	swait.ge [sflag:s29], $0x1  }
0xb4: {  	[sflag:s29] =	ssyncadd.s32 $0xFFFFFFFF  }
0xb5: {  	_ =	strace $0x90000048  }
0xb6: {  	_ =	sfence  }
0xb7: {  	s30 =	sld [smem:$0x0];
	_ =	sdelay $0x2  }
0xb8: {  	s31 =	sshll.u32 s1, $0xD;
	s1 =	sshrl.u32 s1, $0x2  }
0xb9: {  	s3 =	sand.u32 $0x4000, s31;
	s1 =	sadd.s32 s1, s30  }
0xba: {  	s0 =	sor.u32 s3, s0;
	s1 =	sshll.u32 s1, $0x11  }
0xbb: {  	s0 =	sor.u32 s1, s0  }
0xbc: {  	s0 =	sadd.s32 $0x8F2B, s0  }
0xbd: {  	[sflag:s0] =	ssyncadd.remote.s32 $0x1  }
0xbe: {  	_ =	sfence.sel $0xFFFF  }
0xbf: {  	[dreg:$0x0] =	wrdreg $0xFFFFFFFF;
	(pc) =	sbr.abs _section_cstart, $3  }
0xc0: {  	[dreg:$0x1] =	wrdreg $0xFFFFFFFF  }
0xc1: {  	_ =	task.clear_ibuf [dreg:s7], $0x2FFFF;
	_ =	strace $0x9FFFFFFF  }
0xc2: {  	(tm) =	ssettm $0x7FFFFFFF  }
0xc3: {  	_ =	shalt  }
tec
execute0_lowered:
.L_overlay_start_1:
0x0: {  	(tag) =	ssettag $0x1  }
0x1: {  	v0 =	vlaneseq.u32;
	v2 =	vimm.s32 $0xFEDCBA9  }
0x2: {  	vm13 =	vcmask $0x300;
	v3 =	vimm.s32 $0x0;
	vm12 =	vcmask $0x704  }
0x3: {  	v4 =	vimm.s32 $0x87654321;
	vm11 =	vcmask $0xB08;
	vm10 =	vcmask $0xF0C  }
0x4: {  	vm9 =	vcmask $0x1310;
	vm8 =	vcmask $0x1714;
	vm7 =	vcmask $0x1B18  }
0x5: {  	vm6 =	vcmask $0x2320;
	vm5 =	vcmask $0x2724;
	vm3 =	vcmask $0x2B28  }
0x6: {  	vm0 =	vcmask $0x2F2C;
	vm2 =	vcmask $0x3330;
	vm1 =	vcmask $0x3734  }
0x7: {  	v6 =	vimm.s32 $0x98765432;
	vm4 =	vcmask $0x3B38;
	v8 =	vimm.s32 $0xA9876543  }
0x8: {  	v10 =	vimm.s32 $0xBA987654;
	v12 =	vimm.s32 $0xCBA98765;
	v28 =	vimm.s32 $0xEDCBA987  }
0x9: {  	v30 =	vimm.s32 $0x76543210;
	v2 =	vunpack.c.l.s4.s8 v2;
	v3 =	vsel vm13, $0x80, v3  }
0xa: {  	v1 =	vand.u32 $0x7, v0;
	v4 =	vunpack.c.l.s4.s8 v4;
	v3 =	vsel vm12, $0x100, v3  }
0xb: {  	v6 =	vunpack.c.l.s4.s8 v6;
	v3 =	vsel vm11, $0x180, v3;
	v16 =	vunpack.c.0.s8.s32 v2  }
0xc: {  	v17 =	vunpack.c.0.s8.s32 v4;
	v4 =	vimm.s32 $0x80;
	v2 =	vsel vm10, $0x200, v3  }
0xd: {  	v8 =	vunpack.c.l.s4.s8 v8;
	v4 =	vsel vm13, $0x100, v4;
	v2 =	vsel vm9, $0x280, v2  }
0xe: {  	v10 =	vunpack.c.l.s4.s8 v10;
	v4 =	vsel vm12, $0x180, v4;
	v2 =	vsel vm8, $0x300, v2  }
0xf: {  	v28 =	vunpack.c.l.s4.s8 v28;
	v4 =	vsel vm11, $0x200, v4;
	v2 =	vsel vm7, $0x380, v2  }
0x10: {  	v30 =	vunpack.c.l.s4.s8 v30;
	v4 =	vsel vm10, $0x280, v4;
	v2 =	vsel vm6, $0x80, v2  }
0x11: {  	v1 =	vmul.u32 $0x80, v1;
	v4 =	vsel vm9, $0x300, v4;
	v2 =	vsel vm5, $0x100, v2  }
0x12: {  	v3 =	vcombine.low v17, v16;
	v4 =	vsel vm8, $0x380, v4;
	v2 =	vsel vm3, $0x180, v2  }
0x13: {  	v19 =	vunpack.c.0.s8.s32 v6;
	v4 =	vsel vm7, $0x0, v4;
	v5 =	vsel vm0, $0x200, v2  }
0x14: {  	v2 =	vand.u32 $0xF, v3;
	v3 =	vsel vm2, $0x280, v5;
	v5 =	vimm.s32 $0x10FEDCBA  }
0x15: {  	v21 =	vunpack.c.0.s8.s32 v8;
	v4 =	vsel vm6, $0x100, v4;
	v5 =	vunpack.c.l.s4.s8 v5  }
0x16: {  	v23 =	vunpack.c.0.s8.s32 v10;
	v28 =	vunpack.c.0.s8.s32 v28;
	v4 =	vsel vm5, $0x180, v4  }
0x17: {  	v4 =	vsel vm3, $0x200, v4;
	v18 =	vunpack.c.0.s8.s32 v5;
	v5 =	vimm.s32 $0x100  }
0x18: {  	v17 =	vcombine.low v16, v17;
	v7 =	vsel vm0, $0x280, v4;
	v5 =	vsel vm13, $0x180, v5  }
0x19: {  	v6 =	vcombine.low v19, v18;
	v4 =	vsel vm12, $0x200, v5;
	v5 =	vimm.s32 $0x210FEDCB  }
0x1a: {  	v30 =	vunpack.c.0.s8.s32 v30;
	v4 =	vsel vm11, $0x280, v4;
	v5 =	vunpack.c.l.s4.s8 v5  }
0x1b: {  	v17 =	vand.u32 $0xF, v17;
	v9 =	vsel vm10, $0x300, v4;
	v4 =	vand.u32 $0xF, v6  }
0x1c: {  	v6 =	vsel vm2, $0x300, v7;
	v7 =	vsel vm9, $0x380, v9;
	v20 =	vunpack.c.0.s8.s32 v5  }
0x1d: {  	v3 =	vsel vm1, $0x300, v3;
	v6 =	vsel vm1, $0x380, v6;
	v5 =	vsel vm8, $0x0, v7  }
0x1e: {  	v7 =	vimm.s32 $0x180;
	v5 =	vsel vm7, $0x80, v5;
	v8 =	vcombine.low v21, v20  }
0x1f: {  	v7 =	vsel vm13, $0x200, v7;
	v9 =	vsel vm6, $0x180, v5;
	v5 =	vsel vm4, $0x0, v6  }
0x20: {  	v7 =	vsel vm12, $0x280, v7;
	v9 =	vsel vm5, $0x200, v9;
	v6 =	vand.u32 $0xF, v8  }
0x21: {  	v7 =	vsel vm11, $0x300, v7;
	v8 =	vsel vm3, $0x280, v9;
	v9 =	vimm.s32 $0x3210FEDC  }
0x22: {  	v18 =	vcombine.low v18, v19;
	v7 =	vsel vm10, $0x380, v7;
	v9 =	vunpack.c.l.s4.s8 v9  }
0x23: {  	v19 =	vcombine.low v20, v21;
	v8 =	vsel vm0, $0x300, v8;
	v7 =	vsel vm9, $0x0, v7  }
0x24: {  	v7 =	vsel vm8, $0x80, v7;
	v22 =	vunpack.c.0.s8.s32 v9;
	v9 =	vimm.s32 $0x200  }
0x25: {  	v8 =	vsel vm2, $0x380, v8;
	v7 =	vsel vm7, $0x100, v7;
	v9 =	vsel vm13, $0x280, v9  }
0x26: {  	v8 =	vsel vm1, $0x0, v8;
	v7 =	vsel vm6, $0x200, v7;
	v9 =	vsel vm12, $0x300, v9  }
0x27: {  	v7 =	vsel vm5, $0x280, v7;
	v10 =	vcombine.low v23, v22;
	v9 =	vsel vm11, $0x380, v9  }
0x28: {  	v11 =	vsel vm3, $0x300, v7;
	v7 =	vsel vm4, $0x80, v8;
	v9 =	vsel vm10, $0x0, v9  }
0x29: {  	v11 =	vsel vm0, $0x380, v11;
	v8 =	vand.u32 $0xF, v10;
	v9 =	vsel vm9, $0x80, v9  }
0x2a: {  	v10 =	vsel vm2, $0x0, v11;
	v11 =	vimm.s32 $0x43210FED;
	v9 =	vsel vm8, $0x100, v9  }
0x2b: {  	v10 =	vsel vm1, $0x80, v10;
	v11 =	vunpack.c.l.s4.s8 v11;
	v13 =	vsel vm7, $0x180, v9  }
0x2c: {  	v9 =	vsel vm4, $0x100, v10;
	v10 =	vunpack.c.l.s4.s8 v12;
	v12 =	vsel vm6, $0x280, v13  }
0x2d: {  	v24 =	vunpack.c.0.s8.s32 v11;
	v11 =	vsel vm5, $0x300, v12;
	v12 =	vimm.s32 $0x280  }
0x2e: {  	v25 =	vunpack.c.0.s8.s32 v10;
	v10 =	vsel vm3, $0x380, v11;
	v11 =	vsel vm13, $0x300, v12  }
0x2f: {  	v13 =	vimm.s32 $0xDCBA9876;
	v12 =	vimm.s32 $0x543210FE;
	v11 =	vsel vm12, $0x380, v11  }
0x30: {  	v13 =	vunpack.c.l.s4.s8 v13;
	v12 =	vunpack.c.l.s4.s8 v12;
	v11 =	vsel vm11, $0x0, v11  }
0x31: {  	s0 =	rddreg [dreg:$0x0];
	v14 =	vcombine.low v25, v24;
	v15 =	vsel vm0, $0x0, v10;
	v10 =	vsel vm10, $0x80, v11  }
0x32: {  	s1 =	rddreg [dreg:$0x1];
	s3 =	srdreg.scid;
	s2 =	simm.s32 $0x0;
	v27 =	vunpack.c.0.s8.s32 v13;
	v26 =	vunpack.c.0.s8.s32 v12;
	v11 =	vsel vm9, $0x100, v10  }
0x33: {  	s4 =	stileid.u32;
	s14 =	simm.s32 $0x8000;
	s17 =	simm.s32 $0x2;
	v12 =	vsel vm2, $0x80, v15;
	v10 =	vand.u32 $0xF, v14;
	v11 =	vsel vm8, $0x180, v11  }
0x34: {  	s18 =	simm.s32 $0x4;
	s3 =	sand.u32 $0x1, s3;
	[smem:$0x7FF] =	sst s2;
	v12 =	vsel vm1, $0x100, v12;
	v13 =	vcombine.low v27, v26;
	v14 =	vsel vm7, $0x200, v11  }
0x35: {  	s7 =	sshll.u32 s4, $0x1;
	s4 =	sadd.s32 $0xC00, s1;
	s10 =	sadd.s32 $0x2DC780, s0;
	v15 =	vimm.s32 $0x300;
	v11 =	vsel vm4, $0x180, v12;
	v14 =	vsel vm6, $0x300, v14  }
0x36: {  	s13 =	sadd.s32 $0x3D0A00, s0;
	s15 =	sadd.s32 $0x4C4C80, s0;
	s5 =	ssub.s32 $0x2, s3;
	v12 =	vand.u32 $0xF, v13;
	v13 =	vsel vm5, $0x380, v14;
	v14 =	vsel vm13, $0x380, v15  }
0x37: {  	s16 =	sadd.s32 $0x5B8F00, s0;
	s19 =	sadd.s32 $0x6AD180, s0;
	s6 =	sshrl.u32 s5, $0x1;
	v3 =	vsel vm4, $0x380, v3;
	v20 =	vcombine.low v22, v23;
	v14 =	vsel vm12, $0x0, v14  }
0x38: {  	s21 =	sadd.s32 $0x4000, s0;
	s20 =	ssub.s32 s5, s6;
	s5 =	sor.u32 s3, s7;
	v18 =	vand.u32 $0xF, v18;
	v19 =	vand.u32 $0xF, v19;
	v14 =	vsel vm11, $0x80, v14  }
0x39: {  	_ =	strace $0x80000047;
	s3 =	sshll.u32 s5, $0x8;
	s1 =	smax.u32 s20, $0x1;
	v20 =	vand.u32 $0xF, v20;
	v21 =	vcombine.low v24, v25;
	v14 =	vsel vm10, $0x100, v14  }
0x3a: {  	s6 =	sadd.s32 $0xF4280, s0;
	s8 =	sadd.s32 s0, s3;
	[dreg:$0xb] =	wrdreg s1;
	v22 =	vcombine.low v26, v27;
	v15 =	vimm.s32 $0x6543210F;
	v14 =	vsel vm9, $0x180, v14  }
0x3b: {  	s7 =	sadd.s32 $0x1E8500, s0;
	s22 =	sadd.s32 s3, s6;
	[dreg:$0x3] =	wrdreg s8;
	v21 =	vand.u32 $0xF, v21;
	v15 =	vunpack.c.l.s4.s8 v15;
	v14 =	vsel vm8, $0x200, v14  }
0x3c: {  	s28 =	sadd.s32 $0x5BCF00, s0;
	s23 =	sadd.s32 s3, s7;
	[dreg:$0x4] =	wrdreg s22;
	v22 =	vand.u32 $0xF, v22;
	v13 =	vsel vm3, $0x0, v13;
	v14 =	vsel vm7, $0x280, v14  }
0x3d: {  	s29 =	sadd.s32 $0xF8280, s0;
	s24 =	sadd.s32 s3, s10;
	[dreg:$0x5] =	wrdreg s23;
	v29 =	vunpack.c.0.s8.s32 v15;
	v15 =	vimm.s32 $0xFEDCBA98;
	v14 =	vsel vm6, $0x380, v14  }
0x3e: {  	s30 =	sadd.s32 $0x6B1180, s0;
	s25 =	sadd.s32 s3, s13;
	[dreg:$0x6] =	wrdreg s24;
	v13 =	vsel vm0, $0x80, v13;
	v15 =	vunpack.c.l.s4.s8 v15;
	v14 =	vsel vm5, $0x0, v14  }
0x3f: {  	p0 =	sgt.u32 s5, $0x2;
	s26 =	sadd.s32 s3, s15;
	[dreg:$0x7] =	wrdreg s25;
	v13 =	vsel vm2, $0x100, v13;
	v31 =	vcombine.low v28, v29;
	v32 =	vsel vm3, $0x80, v14  }
0x40: {  	s20 =	simm.s32 $0x4000;
	s31 =	sadd.s32 s3, s16;
	[dreg:$0x8] =	wrdreg s26;
	v13 =	vsel vm1, $0x180, v13;
	v15 =	vunpack.c.0.s8.s32 v15;
	v63 =	vsel vm0, $0x100, v32  }
0x41: {  	s3 =	sadd.s32 s3, s19;
	[dreg:$0x9] =	wrdreg s31;
	s22 =	sadd.s32 $0x1EC500, s0;
	v23 =	vcombine.low v29, v28;
	v14 =	vand.u32 $0xF, v31;
	v31 =	vsel vm2, $0x180, v63  }
0x42: {  	[dreg:$0xa] =	wrdreg s3;
	s23 =	sadd.s32 $0x2E0780, s0;
	s24 =	sadd.s32 $0x3D4A00, s0;
	v13 =	vsel vm4, $0x200, v13;
	v15 =	vand.u32 $0xF, v15;
	v16 =	vsel vm1, $0x200, v31  }
0x43: {  	s26 =	sadd.s32 $0x4C8C80, s0;
	s25 =	simm.s32 $0xC000;
	s8 =	simm.s32 $0x0;
	v23 =	vand.u32 $0xF, v23;
	v15 =	vcombine.low v15, v30;
	v16 =	vsel vm4, $0x280, v16  }
.LBB2_1:
0x44: {  	[dreg:$0xc] =	wrdreg s8  }
0x45: {  	s1 =	rddreg [dreg:$0x3]  }
0x46: {  	[tilespmem:s2], [sflag:$0x1] =	stream.linear.gather [hbm4b:s1+s2], $0x800, $0x38;
	[tilespmem:$0x10000] =	vst v63  }
0x47: {  	s31 =	rddreg [dreg:$0x4];
	s3 =	simm.s32 $0x800  }
0x48: {  	[tilespmem:s3], [sflag:$0x1] =	stream.linear.gather [hbm4b:s31+s2], $0x800, $0x38;
	[tilespmem:$0x10000] =	vst v63  }
0x49: {  	s8 =	simm.s32 $0x1000;
	s3 =	rddreg [dreg:$0x5]  }
0x4a: {  	[tilespmem:s8], [sflag:$0x1] =	stream.linear.gather [hbm4b:s3+s2], $0x800, $0x38;
	[tilespmem:$0x10000] =	vst v63  }
0x4b: {  	s9 =	rddreg [dreg:$0x6];
	s11 =	simm.s32 $0x1800  }
0x4c: {  	[tilespmem:s11], [sflag:$0x1] =	stream.linear.gather [hbm4b:s9+s2], $0x800, $0x38;
	[tilespmem:$0x10000] =	vst v63  }
0x4d: {  	s12 =	rddreg [dreg:$0x7];
	s31 =	simm.s32 $0x2000  }
0x4e: {  	[tilespmem:s31], [sflag:$0x1] =	stream.linear.gather [hbm4b:s12+s2], $0x800, $0x38;
	[tilespmem:$0x10000] =	vst v63  }
0x4f: {  	s3 =	rddreg [dreg:$0x8];
	s8 =	simm.s32 $0x2800  }
0x50: {  	[tilespmem:s8], [sflag:$0x1] =	stream.linear.gather [hbm4b:s3+s2], $0x800, $0x38;
	[tilespmem:$0x10000] =	vst v63  }
0x51: {  	s9 =	rddreg [dreg:$0x9];
	s11 =	simm.s32 $0x3000  }
0x52: {  	[tilespmem:s11], [sflag:$0x1] =	stream.linear.gather [hbm4b:s9+s2], $0x800, $0x38;
	[tilespmem:$0x10000] =	vst v63  }
0x53: {  	s1 =	simm.s32 $0x0;
	s12 =	rddreg [dreg:$0xa];
	s31 =	simm.s32 $0x3800  }
0x54: {  	[tilespmem:s31], [sflag:$0x1] =	stream.linear.gather [hbm4b:s12+s2], $0x800, $0x38;
	[tilespmem:$0x10000] =	vst v63  }
.LBB2_2:
0x55: {  	s3 =	sshll.u32 s1, $0x6  }
0x56: {  	s8 =	sor.u32 s5, s3  }
0x57: {  	s3 =	sor.u32 $0x20, s8  }
0x58: {  	p1 =	sgt.u32 s3, $0xF42  }
0x59: {  	s3 =	sshll.u32 @!p1 s3, $0x8  }
0x5a: {  	s3 =	smin.u32 @!p1 s3, $0xF4180  }
0x5b: {  	s11 =	simm.s32 @!p1 $0x0;
	s12 =	simm.s32 @!p1 $0x4000;
	s9 =	sadd.s32 @!p1 s0, s3  }
0x5c: {  	[tilespmem:s12], [sflag:$0x2] =	stream.linear.gather @!p1 [hbm4b:s9+s11], $0x800, $0x38;
	[tilespmem:$0x10000] =	vst v63  }
0x5d: {  	s9 =	sadd.s32 @!p1 s3, s6;
	s12 =	simm.s32 @!p1 $0x4800  }
0x5e: {  	[tilespmem:s12], [sflag:$0x2] =	stream.linear.gather @!p1 [hbm4b:s9+s11], $0x800, $0x38;
	[tilespmem:$0x10000] =	vst v63  }
0x5f: {  	s9 =	sadd.s32 @!p1 s3, s7;
	s12 =	simm.s32 @!p1 $0x5000  }
0x60: {  	[tilespmem:s12], [sflag:$0x2] =	stream.linear.gather @!p1 [hbm4b:s9+s11], $0x800, $0x38;
	[tilespmem:$0x10000] =	vst v63  }
0x61: {  	s9 =	sadd.s32 @!p1 s3, s10;
	s12 =	simm.s32 @!p1 $0x5800  }
0x62: {  	[tilespmem:s12], [sflag:$0x2] =	stream.linear.gather @!p1 [hbm4b:s9+s11], $0x800, $0x38;
	[tilespmem:$0x10000] =	vst v63  }
0x63: {  	s9 =	sadd.s32 @!p1 s3, s13;
	s12 =	simm.s32 @!p1 $0x6000  }
0x64: {  	[tilespmem:s12], [sflag:$0x2] =	stream.linear.gather @!p1 [hbm4b:s9+s11], $0x800, $0x38;
	[tilespmem:$0x10000] =	vst v63  }
0x65: {  	s9 =	sadd.s32 @!p1 s3, s15;
	s12 =	simm.s32 @!p1 $0x6800  }
0x66: {  	[tilespmem:s12], [sflag:$0x2] =	stream.linear.gather @!p1 [hbm4b:s9+s11], $0x800, $0x38;
	[tilespmem:$0x10000] =	vst v63  }
0x67: {  	s9 =	sadd.s32 @!p1 s3, s16;
	s12 =	simm.s32 @!p1 $0x7000  }
0x68: {  	[tilespmem:s12], [sflag:$0x2] =	stream.linear.gather @!p1 [hbm4b:s9+s11], $0x800, $0x38;
	[tilespmem:$0x10000] =	vst v63  }
0x69: {  	p2 =	sgt.u32 s8, $0xF42;
	s9 =	sadd.s32 @!p1 s3, s19;
	s12 =	simm.s32 @!p1 $0x7800  }
0x6a: {  	[tilespmem:s12], [sflag:$0x2] =	stream.linear.gather @!p1 [hbm4b:s9+s11], $0x800, $0x38;
	[tilespmem:$0x10000] =	vst v63  }
0x6b: {  	s12 =	simm.s32 @!p2 $0x1  }
0x6c: {  	_ =	swait.ge @!p2 [sflag:s12], $0x800  }
0x6d: {  	[sflag:s12] =	ssyncset.done @!p2 $0x0  }
0x6e: {  	[sflag:s12] =	ssyncadd.s32 @!p2 $0xFFFFF800  }
0x6f: {  	_ =	swait.ge @!p2 [sflag:s12], $0x800  }
0x70: {  	[sflag:s12] =	ssyncset.done @!p2 $0x0  }
0x71: {  	[sflag:s12] =	ssyncadd.s32 @!p2 $0xFFFFF800  }
0x72: {  	_ =	swait.ge @!p2 [sflag:s12], $0x800  }
0x73: {  	[sflag:s12] =	ssyncset.done @!p2 $0x0  }
0x74: {  	[sflag:s12] =	ssyncadd.s32 @!p2 $0xFFFFF800  }
0x75: {  	_ =	swait.ge @!p2 [sflag:s12], $0x800  }
0x76: {  	[sflag:s12] =	ssyncset.done @!p2 $0x0  }
0x77: {  	[sflag:s12] =	ssyncadd.s32 @!p2 $0xFFFFF800  }
0x78: {  	_ =	swait.ge @!p2 [sflag:s12], $0x800  }
0x79: {  	[sflag:s12] =	ssyncset.done @!p2 $0x0  }
0x7a: {  	[sflag:s12] =	ssyncadd.s32 @!p2 $0xFFFFF800  }
0x7b: {  	s9 =	simm.s32 $0x0;
	_ =	swait.ge @!p2 [sflag:s12], $0x800  }
0x7c: {  	s31 =	sand.u32 $0xF0, s9;
	[sflag:s12] =	ssyncset.done @!p2 $0x0  }
0x7d: {  	v24 =	vmov s31;
	[sflag:s12] =	ssyncadd.s32 @!p2 $0xFFFFF800  }
0x7e: {  	s11 =	sand.u32 $0x30, s9;
	v25 =	vor.u32 s31, v0;
	v24 =	vshll.u32 v24, $0x3;
	_ =	swait.ge @!p2 [sflag:s12], $0x800  }
0x7f: {  	v26 =	vor.u32 s11, v0;
	v27 =	vand.u32 $0x7F, v25;
	v24 =	vand.u32 $0x400, v24;
	[sflag:s12] =	ssyncset.done @!p2 $0x0  }
0x80: {  	v28 =	vshll.u32 v26, $0x8;
	v27 =	vor.u32 v24, v27;
	[sflag:s12] =	ssyncadd.s32 @!p2 $0xFFFFF800  }
0x81: {  	s31 =	sadd.s32 $0xFFFFFFC0, s8;
	v24 =	vand.u32 $0x3800, v28;
	v28 =	vor.u32 v1, v27;
	_ =	swait.ge @!p2 [sflag:s12], $0x800  }
0x82: {  	p3 =	sgt.u32 s31, $0xF42;
	v29 =	vor.u32 v24, v28;
	[sflag:s12] =	ssyncset.done @!p2 $0x0  }
0x83: {  	[sflag:s12] =	ssyncadd.s32 @!p2 $0xFFFFF800;
	s12 =	simm.s32 @!p3 $0x3  }
0x84: {  	_ =	swait.ge @!p3 [sflag:s12], $0x4000  }
0x85: {  	v30 =	vor.u32 s11, v2;
	[sflag:s12] =	ssyncset.done @!p3 $0x0  }
0x86: {  	v24 =	vshll.u32 v25, $0x6;
	v25 =	vshll.u32 v30, $0x8;
	[sflag:s12] =	ssyncadd.s32 @!p3 $0xFFFFC000  }
0x87: {  	v31 =	vor.u32 v3, v27;
	v26 =	vor.u32 v26, v24;
	v25 =	vand.u32 $0x3800, v25;
	v29 =	vld.idx.msk [tilespmem:v29+s2+$0x0], $0xffff  }
0x88: {  	v25 =	vor.u32 v25, v31;
	_ =	sdelay $0x2  }
0x89: {  	v32 =	vor.u32 s11, v4  }
0x8a: {  	[tilespmem:v26+s14+$0x0] =	vst.idx.msk $0xffff, v29;
	v26 =	vshll.u32 v32, $0x8  }
0x8b: {  	v29 =	vor.u32 v30, v24;
	v30 =	vor.u32 v5, v27;
	v25 =	vld.idx.msk [tilespmem:v25+s2+$0x0], $0xffff;
	v26 =	vand.u32 $0x3800, v26  }
0x8c: {  	v26 =	vor.u32 v26, v30;
	_ =	sdelay $0x2  }
0x8d: {  	v33 =	vor.u32 s11, v6  }
0x8e: {  	[tilespmem:v29+s14+$0x0] =	vst.idx.msk $0xffff, v25;
	v25 =	vshll.u32 v33, $0x8  }
0x8f: {  	v59 =	vor.u32 v7, v27;
	v29 =	vor.u32 v32, v24;
	v26 =	vld.idx.msk [tilespmem:v26+s2+$0x0], $0xffff;
	v25 =	vand.u32 $0x3800, v25  }
0x90: {  	v25 =	vor.u32 v25, v59;
	_ =	sdelay $0x2  }
0x91: {  	v34 =	vor.u32 s11, v8  }
0x92: {  	[tilespmem:v29+s14+$0x0] =	vst.idx.msk $0xffff, v26;
	v26 =	vshll.u32 v34, $0x8  }
0x93: {  	v60 =	vor.u32 v9, v27;
	v29 =	vor.u32 v33, v24;
	v25 =	vld.idx.msk [tilespmem:v25+s2+$0x0], $0xffff;
	v26 =	vand.u32 $0x3800, v26  }
0x94: {  	v26 =	vor.u32 v26, v60;
	_ =	sdelay $0x2  }
0x95: {  	v35 =	vor.u32 s11, v10  }
0x96: {  	[tilespmem:v29+s14+$0x0] =	vst.idx.msk $0xffff, v25;
	v25 =	vshll.u32 v35, $0x8  }
0x97: {  	v61 =	vor.u32 v11, v27;
	v29 =	vor.u32 v34, v24;
	v26 =	vld.idx.msk [tilespmem:v26+s2+$0x0], $0xffff;
	v25 =	vand.u32 $0x3800, v25  }
0x98: {  	v25 =	vor.u32 v25, v61;
	_ =	sdelay $0x2  }
0x99: {  	v36 =	vor.u32 s11, v12  }
0x9a: {  	[tilespmem:v29+s14+$0x0] =	vst.idx.msk $0xffff, v26;
	v26 =	vshll.u32 v36, $0x8  }
0x9b: {  	v62 =	vor.u32 v13, v27;
	v29 =	vor.u32 v35, v24;
	v25 =	vld.idx.msk [tilespmem:v25+s2+$0x0], $0xffff;
	v26 =	vand.u32 $0x3800, v26  }
0x9c: {  	v26 =	vor.u32 v26, v62;
	_ =	sdelay $0x2  }
0x9d: {  	v37 =	vor.u32 s11, v14  }
0x9e: {  	[tilespmem:v29+s14+$0x0] =	vst.idx.msk $0xffff, v25;
	v25 =	vshll.u32 v37, $0x8  }
0x9f: {  	v27 =	vor.u32 v16, v27;
	v29 =	vor.u32 v36, v24;
	v26 =	vld.idx.msk [tilespmem:v26+s2+$0x0], $0xffff;
	v25 =	vand.u32 $0x3800, v25  }
0xa0: {  	v25 =	vor.u32 v25, v27;
	_ =	sdelay $0x2  }
0xa1: {  	v63 =	vor.u32 s11, v15  }
0xa2: {  	[tilespmem:v29+s14+$0x0] =	vst.idx.msk $0xffff, v26;
	v26 =	vshll.u32 v63, $0x8  }
0xa3: {  	v29 =	vor.u32 v37, v24;
	v25 =	vld.idx.msk [tilespmem:v25+s2+$0x0], $0xffff;
	v26 =	vand.u32 $0x3800, v26  }
0xa4: {  	v26 =	vor.u32 v26, v28;
	_ =	sdelay $0x2  }
0xa5: {  	v28 =	vor.u32 s11, v17  }
0xa6: {  	[tilespmem:v29+s14+$0x0] =	vst.idx.msk $0xffff, v25;
	v25 =	vshll.u32 v28, $0x8  }
0xa7: {  	v29 =	vor.u32 v63, v24;
	v26 =	vld.idx.msk [tilespmem:v26+s2+$0x0], $0xffff;
	v25 =	vand.u32 $0x3800, v25  }
0xa8: {  	v25 =	vor.u32 v25, v31;
	_ =	sdelay $0x2  }
0xa9: {  	v31 =	vor.u32 s11, v18  }
0xaa: {  	[tilespmem:v29+s14+$0x0] =	vst.idx.msk $0xffff, v26;
	v26 =	vshll.u32 v31, $0x8  }
0xab: {  	v28 =	vor.u32 v28, v24;
	v25 =	vld.idx.msk [tilespmem:v25+s2+$0x0], $0xffff;
	v26 =	vand.u32 $0x3800, v26  }
0xac: {  	v26 =	vor.u32 v26, v30;
	_ =	sdelay $0x2  }
0xad: {  	v29 =	vor.u32 s11, v19  }
0xae: {  	[tilespmem:v28+s14+$0x0] =	vst.idx.msk $0xffff, v25;
	v25 =	vshll.u32 v29, $0x8  }
0xaf: {  	v28 =	vor.u32 v31, v24;
	v26 =	vld.idx.msk [tilespmem:v26+s2+$0x0], $0xffff;
	v25 =	vand.u32 $0x3800, v25  }
0xb0: {  	v25 =	vor.u32 v25, v59;
	_ =	sdelay $0x2  }
0xb1: {  	v30 =	vor.u32 s11, v20  }
0xb2: {  	[tilespmem:v28+s14+$0x0] =	vst.idx.msk $0xffff, v26;
	v26 =	vshll.u32 v30, $0x8  }
0xb3: {  	v28 =	vor.u32 v29, v24;
	v25 =	vld.idx.msk [tilespmem:v25+s2+$0x0], $0xffff;
	v26 =	vand.u32 $0x3800, v26  }
0xb4: {  	v26 =	vor.u32 v26, v60;
	_ =	sdelay $0x2  }
0xb5: {  	v29 =	vor.u32 s11, v21  }
0xb6: {  	[tilespmem:v28+s14+$0x0] =	vst.idx.msk $0xffff, v25;
	v25 =	vshll.u32 v29, $0x8  }
0xb7: {  	v28 =	vor.u32 v30, v24;
	v26 =	vld.idx.msk [tilespmem:v26+s2+$0x0], $0xffff;
	v25 =	vand.u32 $0x3800, v25  }
0xb8: {  	v25 =	vor.u32 v25, v61;
	_ =	sdelay $0x2  }
0xb9: {  	v30 =	vor.u32 s11, v22  }
0xba: {  	[tilespmem:v28+s14+$0x0] =	vst.idx.msk $0xffff, v26;
	v26 =	vshll.u32 v30, $0x8  }
0xbb: {  	v29 =	vor.u32 v29, v24;
	v28 =	vld.idx.msk [tilespmem:v25+s2+$0x0], $0xffff;
	v25 =	vand.u32 $0x3800, v26  }
0xbc: {  	v26 =	vor.u32 v25, v62;
	_ =	sdelay $0x2  }
0xbd: {  	v25 =	vor.u32 s11, v23  }
0xbe: {  	v31 =	vshll.u32 v25, $0x8;
	[tilespmem:v29+s14+$0x0] =	vst.idx.msk $0xffff, v28  }
0xbf: {  	v29 =	vand.u32 $0x3800, v31;
	v28 =	vor.u32 v30, v24;
	v26 =	vld.idx.msk [tilespmem:v26+s2+$0x0], $0xffff  }
0xc0: {  	s31 =	simm.s32 $0x4;
	v27 =	vor.u32 v29, v27  }
0xc1: {  	s12 =	sand.u32 $0xF0, s31;
	s11 =	simm.s32 $0x8  }
.LBB2_3:
0xc2: {  	p3 =	sne.s32 s11, $0xFC;
	v29 =	vmov s12;
	s9 =	sadd.s32 $0x10, s9  }
0xc3: {  	v30 =	vor.u32 s12, v0;
	s12 =	sand.u32 $0x30, s9;
	v29 =	vshll.u32 v29, $0x3  }
0xc4: {  	v32 =	vand.u32 $0x7F, v30;
	v31 =	vor.u32 s12, v0;
	v29 =	vand.u32 $0x400, v29;
	[tilespmem:v28+s14+$0x0] =	vst.idx.msk $0xffff, v26  }
0xc5: {  	v26 =	vshll.u32 v31, $0x8;
	v28 =	vor.u32 v29, v32;
	v27 =	vld.idx.msk [tilespmem:v27+s2+$0x0], $0xffff  }
0xc6: {  	v24 =	vor.u32 v25, v24;
	v26 =	vand.u32 $0x3800, v26;
	v29 =	vor.u32 v1, v28  }
0xc7: {  	v25 =	vor.u32 v26, v29;
	_ =	sdelay $0x3  }
0xc8: {  	v26 =	vor.u32 s12, v2;
	[tilespmem:v24+s14+$0x0] =	vst.idx.msk $0xffff, v27  }
0xc9: {  	v24 =	vshll.u32 v30, $0x6;
	v27 =	vshll.u32 v26, $0x8;
	v25 =	vld.idx.msk [tilespmem:v25+s2+$0x0], $0xffff  }
0xca: {  	v30 =	vor.u32 v31, v24;
	v27 =	vand.u32 $0x3800, v27;
	v31 =	vor.u32 v3, v28  }
0xcb: {  	v27 =	vor.u32 v27, v31;
	_ =	sdelay $0x3  }
0xcc: {  	[tilespmem:v30+s14+$0x0] =	vst.idx.msk $0xffff, v25;
	v25 =	vor.u32 s12, v4  }
0xcd: {  	v27 =	vld.idx.msk [tilespmem:v27+s2+$0x0], $0xffff;
	v30 =	vshll.u32 v25, $0x8  }
0xce: {  	v32 =	vor.u32 v5, v28;
	v26 =	vor.u32 v26, v24;
	v30 =	vand.u32 $0x3800, v30  }
0xcf: {  	v30 =	vor.u32 v30, v32;
	_ =	sdelay $0x3  }
0xd0: {  	[tilespmem:v26+s14+$0x0] =	vst.idx.msk $0xffff, v27;
	v26 =	vor.u32 s12, v6  }
0xd1: {  	v27 =	vld.idx.msk [tilespmem:v30+s2+$0x0], $0xffff;
	v30 =	vshll.u32 v26, $0x8  }
0xd2: {  	v33 =	vor.u32 v7, v28;
	v25 =	vor.u32 v25, v24;
	v30 =	vand.u32 $0x3800, v30  }
0xd3: {  	v30 =	vor.u32 v30, v33;
	_ =	sdelay $0x3  }
0xd4: {  	[tilespmem:v25+s14+$0x0] =	vst.idx.msk $0xffff, v27;
	v25 =	vor.u32 s12, v8  }
0xd5: {  	v27 =	vld.idx.msk [tilespmem:v30+s2+$0x0], $0xffff;
	v30 =	vshll.u32 v25, $0x8  }
0xd6: {  	v34 =	vor.u32 v9, v28;
	v26 =	vor.u32 v26, v24;
	v30 =	vand.u32 $0x3800, v30  }
0xd7: {  	v30 =	vor.u32 v30, v34;
	_ =	sdelay $0x3  }
0xd8: {  	[tilespmem:v26+s14+$0x0] =	vst.idx.msk $0xffff, v27;
	v26 =	vor.u32 s12, v10  }
0xd9: {  	v27 =	vld.idx.msk [tilespmem:v30+s2+$0x0], $0xffff;
	v30 =	vshll.u32 v26, $0x8  }
0xda: {  	v35 =	vor.u32 v11, v28;
	v25 =	vor.u32 v25, v24;
	v30 =	vand.u32 $0x3800, v30  }
0xdb: {  	v30 =	vor.u32 v30, v35;
	_ =	sdelay $0x3  }
0xdc: {  	[tilespmem:v25+s14+$0x0] =	vst.idx.msk $0xffff, v27;
	v25 =	vor.u32 s12, v12  }
0xdd: {  	v27 =	vld.idx.msk [tilespmem:v30+s2+$0x0], $0xffff;
	v30 =	vshll.u32 v25, $0x8  }
0xde: {  	v36 =	vor.u32 v13, v28;
	v26 =	vor.u32 v26, v24;
	v30 =	vand.u32 $0x3800, v30  }
0xdf: {  	v30 =	vor.u32 v30, v36;
	_ =	sdelay $0x3  }
0xe0: {  	[tilespmem:v26+s14+$0x0] =	vst.idx.msk $0xffff, v27;
	v26 =	vor.u32 s12, v14  }
0xe1: {  	v27 =	vld.idx.msk [tilespmem:v30+s2+$0x0], $0xffff;
	v30 =	vshll.u32 v26, $0x8  }
0xe2: {  	v37 =	vor.u32 v16, v28;
	v25 =	vor.u32 v25, v24;
	v30 =	vand.u32 $0x3800, v30  }
0xe3: {  	v28 =	vor.u32 v30, v37;
	_ =	sdelay $0x3  }
0xe4: {  	[tilespmem:v25+s14+$0x0] =	vst.idx.msk $0xffff, v27;
	v25 =	vor.u32 s12, v15  }
0xe5: {  	v27 =	vld.idx.msk [tilespmem:v28+s2+$0x0], $0xffff;
	v28 =	vshll.u32 v25, $0x8  }
0xe6: {  	v26 =	vor.u32 v26, v24;
	v28 =	vand.u32 $0x3800, v28  }
0xe7: {  	v28 =	vor.u32 v28, v29;
	_ =	sdelay $0x3  }
0xe8: {  	[tilespmem:v26+s14+$0x0] =	vst.idx.msk $0xffff, v27;
	v26 =	vor.u32 s12, v17  }
0xe9: {  	v27 =	vld.idx.msk [tilespmem:v28+s2+$0x0], $0xffff;
	v28 =	vshll.u32 v26, $0x8  }
0xea: {  	v25 =	vor.u32 v25, v24;
	v28 =	vand.u32 $0x3800, v28  }
0xeb: {  	v28 =	vor.u32 v28, v31;
	_ =	sdelay $0x3  }
0xec: {  	[tilespmem:v25+s14+$0x0] =	vst.idx.msk $0xffff, v27;
	v25 =	vor.u32 s12, v18  }
0xed: {  	v27 =	vld.idx.msk [tilespmem:v28+s2+$0x0], $0xffff;
	v28 =	vshll.u32 v25, $0x8  }
0xee: {  	v26 =	vor.u32 v26, v24;
	v28 =	vand.u32 $0x3800, v28  }
0xef: {  	v28 =	vor.u32 v28, v32;
	_ =	sdelay $0x3  }
0xf0: {  	[tilespmem:v26+s14+$0x0] =	vst.idx.msk $0xffff, v27;
	v26 =	vor.u32 s12, v19  }
0xf1: {  	v27 =	vld.idx.msk [tilespmem:v28+s2+$0x0], $0xffff;
	v28 =	vshll.u32 v26, $0x8  }
0xf2: {  	v25 =	vor.u32 v25, v24;
	v28 =	vand.u32 $0x3800, v28  }
0xf3: {  	v28 =	vor.u32 v28, v33;
	_ =	sdelay $0x3  }
0xf4: {  	[tilespmem:v25+s14+$0x0] =	vst.idx.msk $0xffff, v27;
	v25 =	vor.u32 s12, v20  }
0xf5: {  	v27 =	vld.idx.msk [tilespmem:v28+s2+$0x0], $0xffff;
	v28 =	vshll.u32 v25, $0x8  }
0xf6: {  	v26 =	vor.u32 v26, v24;
	v28 =	vand.u32 $0x3800, v28  }
0xf7: {  	v28 =	vor.u32 v28, v34;
	_ =	sdelay $0x3  }
0xf8: {  	[tilespmem:v26+s14+$0x0] =	vst.idx.msk $0xffff, v27;
	v26 =	vor.u32 s12, v21  }
0xf9: {  	v27 =	vld.idx.msk [tilespmem:v28+s2+$0x0], $0xffff;
	v28 =	vshll.u32 v26, $0x8  }
0xfa: {  	v25 =	vor.u32 v25, v24;
	v28 =	vand.u32 $0x3800, v28  }
0xfb: {  	v28 =	vor.u32 v28, v35;
	_ =	sdelay $0x3  }
0xfc: {  	[tilespmem:v25+s14+$0x0] =	vst.idx.msk $0xffff, v27;
	v27 =	vor.u32 s12, v22  }
0xfd: {  	v25 =	vld.idx.msk [tilespmem:v28+s2+$0x0], $0xffff;
	v28 =	vshll.u32 v27, $0x8  }
0xfe: {  	v26 =	vor.u32 v26, v24;
	v28 =	vand.u32 $0x3800, v28  }
0xff: {  	v28 =	vor.u32 v28, v36;
	_ =	sdelay $0x3  }
.Ltmp0:
0x100: {  	[tilespmem:v26+s14+$0x0] =	vst.idx.msk $0xffff, v25;
	v25 =	vor.u32 s12, v23;
	(pc) =	sbr.rel @p3 .LBB2_3-.Ltmp0, $4  }
0x101: {  	v26 =	vld.idx.msk [tilespmem:v28+s2+$0x0], $0xffff;
	v29 =	vshll.u32 v25, $0x8  }
0x102: {  	v28 =	vor.u32 v27, v24;
	v27 =	vand.u32 $0x3800, v29  }
0x103: {  	v27 =	vor.u32 v27, v37  }
0x104: {  	s12 =	sand.u32 $0xF0, s11;
	s11 =	sadd.s32 $0x4, s11  }
0x105: {  	_ = 	snop  }
0x106: {  	v29 =	vmov s12;
	s9 =	sadd.s32 $0x10, s9  }
0x107: {  	v30 =	vor.u32 s12, v0;
	s9 =	sand.u32 $0x30, s9;
	v29 =	vshll.u32 v29, $0x3  }
0x108: {  	v32 =	vand.u32 $0x7F, v30;
	v31 =	vor.u32 s9, v0;
	v29 =	vand.u32 $0x400, v29  }
0x109: {  	[tilespmem:v28+s14+$0x0] =	vst.idx.msk $0xffff, v26;
	v41 =	vshll.u32 v31, $0x8;
	v42 =	vor.u32 v29, v32  }
0x10a: {  	v24 =	vor.u32 v25, v24;
	v27 =	vld.idx.msk [tilespmem:v27+s2+$0x0], $0xffff;
	v26 =	vand.u32 $0x3800, v41;
	v29 =	vor.u32 v1, v42  }
0x10b: {  	v43 =	vor.u32 v26, v29;
	_ =	sdelay $0x2  }
0x10c: {  	v44 =	vor.u32 s9, v2  }
0x10d: {  	v45 =	vshll.u32 v44, $0x8;
	[tilespmem:v24+s14+$0x0] =	vst.idx.msk $0xffff, v27;
	v24 =	vshll.u32 v30, $0x6  }
0x10e: {  	v46 =	vor.u32 v3, v42;
	v27 =	vand.u32 $0x3800, v45;
	v30 =	vor.u32 v31, v24;
	v25 =	vld.idx.msk [tilespmem:v43+s2+$0x0], $0xffff  }
0x10f: {  	v27 =	vor.u32 v27, v46;
	_ =	sdelay $0x2  }
0x110: {  	v47 =	vor.u32 s9, v4  }
0x111: {  	v48 =	vshll.u32 v47, $0x8;
	[tilespmem:v30+s14+$0x0] =	vst.idx.msk $0xffff, v25  }
0x112: {  	v49 =	vor.u32 v5, v42;
	v26 =	vor.u32 v44, v24;
	v25 =	vand.u32 $0x3800, v48;
	v27 =	vld.idx.msk [tilespmem:v27+s2+$0x0], $0xffff  }
0x113: {  	v25 =	vor.u32 v25, v49;
	_ =	sdelay $0x2  }
0x114: {  	v33 =	vor.u32 s9, v6  }
0x115: {  	v50 =	vshll.u32 v33, $0x8;
	[tilespmem:v26+s14+$0x0] =	vst.idx.msk $0xffff, v27  }
0x116: {  	v52 =	vor.u32 v7, v42;
	v51 =	vor.u32 v47, v24;
	v26 =	vand.u32 $0x3800, v50;
	v25 =	vld.idx.msk [tilespmem:v25+s2+$0x0], $0xffff  }
0x117: {  	v26 =	vor.u32 v26, v52;
	_ =	sdelay $0x2  }
0x118: {  	v34 =	vor.u32 s9, v8  }
0x119: {  	v53 =	vshll.u32 v34, $0x8;
	[tilespmem:v51+s14+$0x0] =	vst.idx.msk $0xffff, v25  }
0x11a: {  	v55 =	vor.u32 v9, v42;
	v54 =	vor.u32 v33, v24;
	v25 =	vand.u32 $0x3800, v53;
	v26 =	vld.idx.msk [tilespmem:v26+s2+$0x0], $0xffff  }
0x11b: {  	v25 =	vor.u32 v25, v55;
	_ =	sdelay $0x2  }
0x11c: {  	v35 =	vor.u32 s9, v10  }
0x11d: {  	v56 =	vshll.u32 v35, $0x8;
	[tilespmem:v54+s14+$0x0] =	vst.idx.msk $0xffff, v26  }
0x11e: {  	v58 =	vor.u32 v11, v42;
	v57 =	vor.u32 v34, v24;
	v26 =	vand.u32 $0x3800, v56;
	v25 =	vld.idx.msk [tilespmem:v25+s2+$0x0], $0xffff  }
0x11f: {  	v26 =	vor.u32 v26, v58;
	_ =	sdelay $0x2  }
0x120: {  	v36 =	vor.u32 s9, v12  }
0x121: {  	v59 =	vshll.u32 v36, $0x8;
	[tilespmem:v57+s14+$0x0] =	vst.idx.msk $0xffff, v25  }
0x122: {  	v61 =	vor.u32 v13, v42;
	v60 =	vor.u32 v35, v24;
	v25 =	vand.u32 $0x3800, v59;
	v26 =	vld.idx.msk [tilespmem:v26+s2+$0x0], $0xffff  }
0x123: {  	v25 =	vor.u32 v25, v61;
	_ =	sdelay $0x2  }
0x124: {  	v37 =	vor.u32 s9, v14  }
0x125: {  	v62 =	vshll.u32 v37, $0x8;
	[tilespmem:v60+s14+$0x0] =	vst.idx.msk $0xffff, v26  }
0x126: {  	v28 =	vor.u32 v16, v42;
	v63 =	vor.u32 v36, v24;
	v26 =	vand.u32 $0x3800, v62;
	v25 =	vld.idx.msk [tilespmem:v25+s2+$0x0], $0xffff  }
0x127: {  	v26 =	vor.u32 v26, v28;
	_ =	sdelay $0x2  }
0x128: {  	v40 =	vor.u32 s9, v15  }
0x129: {  	v41 =	vshll.u32 v40, $0x8;
	[tilespmem:v63+s14+$0x0] =	vst.idx.msk $0xffff, v25  }
0x12a: {  	v42 =	vor.u32 v37, v24;
	v25 =	vand.u32 $0x3800, v41;
	v26 =	vld.idx.msk [tilespmem:v26+s2+$0x0], $0xffff  }
0x12b: {  	v25 =	vor.u32 v25, v29;
	_ =	sdelay $0x2  }
0x12c: {  	v43 =	vor.u32 s9, v17  }
0x12d: {  	v44 =	vshll.u32 v43, $0x8;
	[tilespmem:v42+s14+$0x0] =	vst.idx.msk $0xffff, v26  }
0x12e: {  	v45 =	vor.u32 v40, v24;
	v26 =	vand.u32 $0x3800, v44;
	v25 =	vld.idx.msk [tilespmem:v25+s2+$0x0], $0xffff  }
0x12f: {  	v26 =	vor.u32 v26, v46;
	_ =	sdelay $0x2  }
0x130: {  	v46 =	vor.u32 s9, v18  }
0x131: {  	v47 =	vshll.u32 v46, $0x8;
	[tilespmem:v45+s14+$0x0] =	vst.idx.msk $0xffff, v25  }
0x132: {  	v48 =	vor.u32 v43, v24;
	v25 =	vand.u32 $0x3800, v47;
	v26 =	vld.idx.msk [tilespmem:v26+s2+$0x0], $0xffff  }
0x133: {  	v25 =	vor.u32 v25, v49;
	_ =	sdelay $0x2  }
0x134: {  	v49 =	vor.u32 s9, v19  }
0x135: {  	v50 =	vshll.u32 v49, $0x8;
	[tilespmem:v48+s14+$0x0] =	vst.idx.msk $0xffff, v26  }
0x136: {  	v51 =	vor.u32 v46, v24;
	v26 =	vand.u32 $0x3800, v50;
	v25 =	vld.idx.msk [tilespmem:v25+s2+$0x0], $0xffff  }
0x137: {  	v26 =	vor.u32 v26, v52;
	_ =	sdelay $0x2  }
0x138: {  	v52 =	vor.u32 s9, v20  }
0x139: {  	v53 =	vshll.u32 v52, $0x8;
	[tilespmem:v51+s14+$0x0] =	vst.idx.msk $0xffff, v25  }
0x13a: {  	v54 =	vor.u32 v49, v24;
	v25 =	vand.u32 $0x3800, v53;
	v26 =	vld.idx.msk [tilespmem:v26+s2+$0x0], $0xffff  }
0x13b: {  	v25 =	vor.u32 v25, v55;
	_ =	sdelay $0x2  }
0x13c: {  	v55 =	vor.u32 s9, v21  }
0x13d: {  	v56 =	vshll.u32 v55, $0x8;
	[tilespmem:v54+s14+$0x0] =	vst.idx.msk $0xffff, v26  }
0x13e: {  	v57 =	vor.u32 v52, v24;
	v26 =	vand.u32 $0x3800, v56;
	v25 =	vld.idx.msk [tilespmem:v25+s2+$0x0], $0xffff  }
0x13f: {  	v26 =	vor.u32 v26, v58;
	_ =	sdelay $0x2  }
0x140: {  	v58 =	vor.u32 s9, v22  }
0x141: {  	v59 =	vshll.u32 v58, $0x8;
	[tilespmem:v57+s14+$0x0] =	vst.idx.msk $0xffff, v25  }
0x142: {  	v60 =	vor.u32 v55, v24;
	v25 =	vand.u32 $0x3800, v59;
	v26 =	vld.idx.msk [tilespmem:v26+s2+$0x0], $0xffff  }
0x143: {  	v25 =	vor.u32 v25, v61;
	_ =	sdelay $0x2  }
0x144: {  	v61 =	vor.u32 s9, v23  }
0x145: {  	v62 =	vshll.u32 v61, $0x8;
	[tilespmem:v60+s14+$0x0] =	vst.idx.msk $0xffff, v26  }
0x146: {  	v63 =	vor.u32 v58, v24;
	v26 =	vand.u32 $0x3800, v62;
	v25 =	vld.idx.msk [tilespmem:v25+s2+$0x0], $0xffff  }
0x147: {  	v26 =	vor.u32 v26, v28;
	_ =	sdelay $0x3  }
0x148: {  	[tilespmem:v63+s14+$0x0] =	vst.idx.msk $0xffff, v25  }
0x149: {  	v24 =	vor.u32 v61, v24;
	v25 =	vld.idx.msk [tilespmem:v26+s2+$0x0], $0xffff  }
.Ltmp1:
0x14a: {  	_ = 	snop;
	(pc) =	sbr.rel @p2 .LBB2_9-.Ltmp1, $2  }
0x14b: {  	_ =	sdelay $0x2  }
0x14c: {  	[tilespmem:v24+s14+$0x0] =	vst.idx.msk $0xffff, v25  }
0x14d: {  	p2 =	sgt.u32 s8, $0xF02  }
.Ltmp2:
0x14e: {  	s9 =	sshll.u32 s8, $0x8;
	(pc) =	sbr.rel @p2 .LBB2_7-.Ltmp2, $4  }
0x14f: {  	s11 =	smin.u32 s9, $0xF4180  }
0x150: {  	s11 =	sshll.u32 s11, $0x3  }
0x151: {  	s11 =	sadd.s32 s4, s11  }
0x152: {  	[hbm4b:s11+s2] =	stream.linear.scatter [tilespmem:s14], [sflag:$0x3], $0x4000, $0x38;
	[tilespmem:$0x10000] =	vst v63  }
0x153: {  	s9 =	smin.u32 s9, $0xF0180  }
0x154: {  	s11 =	sadd.s32 s9, s21  }
0x155: {  	[tilespmem:s2], [sflag:$0x1] =	stream.linear.gather [hbm4b:s11+s2], $0x800, $0x38;
	[tilespmem:$0x10000] =	vst v63  }
0x156: {  	s12 =	simm.s32 $0x800;
	s31 =	sadd.s32 s9, s29  }
0x157: {  	[tilespmem:s12], [sflag:$0x1] =	stream.linear.gather [hbm4b:s31+s2], $0x800, $0x38;
	[tilespmem:$0x10000] =	vst v63  }
0x158: {  	s12 =	sadd.s32 s9, s22;
	s31 =	simm.s32 $0x1000  }
0x159: {  	[tilespmem:s31], [sflag:$0x1] =	stream.linear.gather [hbm4b:s12+s2], $0x800, $0x38;
	[tilespmem:$0x10000] =	vst v63  }
0x15a: {  	s12 =	sadd.s32 s9, s23;
	s31 =	simm.s32 $0x1800  }
0x15b: {  	[tilespmem:s31], [sflag:$0x1] =	stream.linear.gather [hbm4b:s12+s2], $0x800, $0x38;
	[tilespmem:$0x10000] =	vst v63  }
0x15c: {  	s12 =	sadd.s32 s9, s24;
	s31 =	simm.s32 $0x2000  }
0x15d: {  	[tilespmem:s31], [sflag:$0x1] =	stream.linear.gather [hbm4b:s12+s2], $0x800, $0x38;
	[tilespmem:$0x10000] =	vst v63  }
0x15e: {  	s12 =	sadd.s32 s9, s26;
	s31 =	simm.s32 $0x2800  }
0x15f: {  	[tilespmem:s31], [sflag:$0x1] =	stream.linear.gather [hbm4b:s12+s2], $0x800, $0x38;
	[tilespmem:$0x10000] =	vst v63  }
.Ltmp3:
0x160: {  	_ = 	snop;
	(pc) =	sbr.rel .LBB2_8-.Ltmp3, $4  }
0x161: {  	s12 =	sadd.s32 s9, s28;
	s31 =	simm.s32 $0x3000  }
0x162: {  	[tilespmem:s31], [sflag:$0x1] =	stream.linear.gather [hbm4b:s12+s2], $0x800, $0x38;
	[tilespmem:$0x10000] =	vst v63  }
0x163: {  	s9 =	sadd.s32 s9, s30;
	s31 =	simm.s32 $0x3800  }
0x164: {  	[tilespmem:s31], [sflag:$0x1] =	stream.linear.gather [hbm4b:s9+s2], $0x800, $0x38;
	[tilespmem:$0x10000] =	vst v63  }
.LBB2_7:
.Ltmp4:
0x165: {  	(pc) =	sbr.rel @p1 .LBB2_10-.Ltmp4, $1  }
0x166: {  	_ =	sdelay $0x3  }
.LBB2_8:
0x167: {  	_ =	swait.ge [sflag:s17], $0x800  }
0x168: {  	[sflag:s17] =	ssyncset.done $0x0  }
0x169: {  	[sflag:s17] =	ssyncadd.s32 $0xFFFFF800  }
0x16a: {  	_ =	swait.ge [sflag:s17], $0x800  }
0x16b: {  	[sflag:s17] =	ssyncset.done $0x0  }
0x16c: {  	[sflag:s17] =	ssyncadd.s32 $0xFFFFF800  }
0x16d: {  	_ =	swait.ge [sflag:s17], $0x800  }
0x16e: {  	[sflag:s17] =	ssyncset.done $0x0  }
0x16f: {  	[sflag:s17] =	ssyncadd.s32 $0xFFFFF800  }
0x170: {  	_ =	swait.ge [sflag:s17], $0x800  }
0x171: {  	[sflag:s17] =	ssyncset.done $0x0  }
0x172: {  	[sflag:s17] =	ssyncadd.s32 $0xFFFFF800  }
0x173: {  	_ =	swait.ge [sflag:s17], $0x800  }
0x174: {  	[sflag:s17] =	ssyncset.done $0x0  }
0x175: {  	[sflag:s17] =	ssyncadd.s32 $0xFFFFF800  }
0x176: {  	_ =	swait.ge [sflag:s17], $0x800  }
0x177: {  	[sflag:s17] =	ssyncset.done $0x0  }
0x178: {  	[sflag:s17] =	ssyncadd.s32 $0xFFFFF800  }
0x179: {  	_ =	swait.ge [sflag:s17], $0x800  }
0x17a: {  	[sflag:s17] =	ssyncset.done $0x0  }
0x17b: {  	[sflag:s17] =	ssyncadd.s32 $0xFFFFF800  }
0x17c: {  	_ =	swait.ge [sflag:s17], $0x800  }
0x17d: {  	[sflag:s17] =	ssyncset.done $0x0  }
0x17e: {  	[sflag:s17] =	ssyncadd.s32 $0xFFFFF800  }
.LBB2_9:
0x17f: {  	s8 =	sadd.s32 $0xFFFFFFE0, s8  }
0x180: {  	p2 =	sgt.u32 s8, $0xF42  }
.Ltmp5:
0x181: {  	_ = 	snop;
	(pc) =	sbr.rel @p2 .LBB2_11-.Ltmp5, $1  }
0x182: {  	_ =	sdelay $0x3  }
.LBB2_10:
0x183: {  	_ =	swait.ge [sflag:s18], $0x4000  }
0x184: {  	[sflag:s18] =	ssyncset.done $0x0  }
0x185: {  	[sflag:s18] =	ssyncadd.s32 $0xFFFFC000  }
.LBB2_11:
0x186: {  	s8 =	simm.s32 $0x0  }
0x187: {  	s9 =	sand.u32 $0xF0, s8  }
0x188: {  	v24 =	vmov s9  }
0x189: {  	s12 =	sand.u32 $0x30, s8;
	v25 =	vor.u32 s9, v0;
	v24 =	vshll.u32 v24, $0x3  }
0x18a: {  	v26 =	vor.u32 s12, v0;
	v27 =	vand.u32 $0x7F, v25;
	v24 =	vand.u32 $0x400, v24  }
0x18b: {  	v28 =	vshll.u32 v26, $0x8;
	v27 =	vor.u32 v24, v27  }
0x18c: {  	v24 =	vand.u32 $0x3800, v28;
	v28 =	vor.u32 v1, v27  }
0x18d: {  	v29 =	vor.u32 v24, v28;
	_ =	sdelay $0x2  }
0x18e: {  	v30 =	vor.u32 s12, v2  }
0x18f: {  	v24 =	vshll.u32 v25, $0x6;
	v25 =	vshll.u32 v30, $0x8  }
0x190: {  	v31 =	vor.u32 v3, v27;
	v26 =	vor.u32 v26, v24;
	v25 =	vand.u32 $0x3800, v25;
	v29 =	vld.idx.msk [tilespmem:v29+s20+$0x0], $0xffff  }
0x191: {  	v25 =	vor.u32 v25, v31;
	_ =	sdelay $0x2  }
0x192: {  	v32 =	vor.u32 s12, v4  }
0x193: {  	[tilespmem:v26+s25+$0x0] =	vst.idx.msk $0xffff, v29;
	v26 =	vshll.u32 v32, $0x8  }
0x194: {  	v29 =	vor.u32 v30, v24;
	v30 =	vor.u32 v5, v27;
	v25 =	vld.idx.msk [tilespmem:v25+s20+$0x0], $0xffff;
	v26 =	vand.u32 $0x3800, v26  }
0x195: {  	v26 =	vor.u32 v26, v30;
	_ =	sdelay $0x2  }
0x196: {  	v33 =	vor.u32 s12, v6  }
0x197: {  	[tilespmem:v29+s25+$0x0] =	vst.idx.msk $0xffff, v25;
	v25 =	vshll.u32 v33, $0x8  }
0x198: {  	v59 =	vor.u32 v7, v27;
	v29 =	vor.u32 v32, v24;
	v26 =	vld.idx.msk [tilespmem:v26+s20+$0x0], $0xffff;
	v25 =	vand.u32 $0x3800, v25  }
0x199: {  	v25 =	vor.u32 v25, v59;
	_ =	sdelay $0x2  }
0x19a: {  	v34 =	vor.u32 s12, v8  }
0x19b: {  	[tilespmem:v29+s25+$0x0] =	vst.idx.msk $0xffff, v26;
	v26 =	vshll.u32 v34, $0x8  }
0x19c: {  	v60 =	vor.u32 v9, v27;
	v29 =	vor.u32 v33, v24;
	v25 =	vld.idx.msk [tilespmem:v25+s20+$0x0], $0xffff;
	v26 =	vand.u32 $0x3800, v26  }
0x19d: {  	v26 =	vor.u32 v26, v60;
	_ =	sdelay $0x2  }
0x19e: {  	v35 =	vor.u32 s12, v10  }
0x19f: {  	[tilespmem:v29+s25+$0x0] =	vst.idx.msk $0xffff, v25;
	v25 =	vshll.u32 v35, $0x8  }
0x1a0: {  	v61 =	vor.u32 v11, v27;
	v29 =	vor.u32 v34, v24;
	v26 =	vld.idx.msk [tilespmem:v26+s20+$0x0], $0xffff;
	v25 =	vand.u32 $0x3800, v25  }
0x1a1: {  	v25 =	vor.u32 v25, v61;
	_ =	sdelay $0x2  }
0x1a2: {  	v36 =	vor.u32 s12, v12  }
0x1a3: {  	[tilespmem:v29+s25+$0x0] =	vst.idx.msk $0xffff, v26;
	v26 =	vshll.u32 v36, $0x8  }
0x1a4: {  	v62 =	vor.u32 v13, v27;
	v29 =	vor.u32 v35, v24;
	v25 =	vld.idx.msk [tilespmem:v25+s20+$0x0], $0xffff;
	v26 =	vand.u32 $0x3800, v26  }
0x1a5: {  	v26 =	vor.u32 v26, v62;
	_ =	sdelay $0x2  }
0x1a6: {  	v37 =	vor.u32 s12, v14  }
0x1a7: {  	[tilespmem:v29+s25+$0x0] =	vst.idx.msk $0xffff, v25;
	v25 =	vshll.u32 v37, $0x8  }
0x1a8: {  	v27 =	vor.u32 v16, v27;
	v29 =	vor.u32 v36, v24;
	v26 =	vld.idx.msk [tilespmem:v26+s20+$0x0], $0xffff;
	v25 =	vand.u32 $0x3800, v25  }
0x1a9: {  	v25 =	vor.u32 v25, v27;
	_ =	sdelay $0x2  }
0x1aa: {  	v63 =	vor.u32 s12, v15  }
0x1ab: {  	[tilespmem:v29+s25+$0x0] =	vst.idx.msk $0xffff, v26;
	v26 =	vshll.u32 v63, $0x8  }
0x1ac: {  	v29 =	vor.u32 v37, v24;
	v25 =	vld.idx.msk [tilespmem:v25+s20+$0x0], $0xffff;
	v26 =	vand.u32 $0x3800, v26  }
0x1ad: {  	v26 =	vor.u32 v26, v28;
	_ =	sdelay $0x2  }
0x1ae: {  	v28 =	vor.u32 s12, v17  }
0x1af: {  	[tilespmem:v29+s25+$0x0] =	vst.idx.msk $0xffff, v25;
	v25 =	vshll.u32 v28, $0x8  }
0x1b0: {  	v29 =	vor.u32 v63, v24;
	v26 =	vld.idx.msk [tilespmem:v26+s20+$0x0], $0xffff;
	v25 =	vand.u32 $0x3800, v25  }
0x1b1: {  	v25 =	vor.u32 v25, v31;
	_ =	sdelay $0x2  }
0x1b2: {  	v31 =	vor.u32 s12, v18  }
0x1b3: {  	[tilespmem:v29+s25+$0x0] =	vst.idx.msk $0xffff, v26;
	v26 =	vshll.u32 v31, $0x8  }
0x1b4: {  	v28 =	vor.u32 v28, v24;
	v25 =	vld.idx.msk [tilespmem:v25+s20+$0x0], $0xffff;
	v26 =	vand.u32 $0x3800, v26  }
0x1b5: {  	v26 =	vor.u32 v26, v30;
	_ =	sdelay $0x2  }
0x1b6: {  	v29 =	vor.u32 s12, v19  }
0x1b7: {  	[tilespmem:v28+s25+$0x0] =	vst.idx.msk $0xffff, v25;
	v25 =	vshll.u32 v29, $0x8  }
0x1b8: {  	v28 =	vor.u32 v31, v24;
	v26 =	vld.idx.msk [tilespmem:v26+s20+$0x0], $0xffff;
	v25 =	vand.u32 $0x3800, v25  }
0x1b9: {  	v25 =	vor.u32 v25, v59;
	_ =	sdelay $0x2  }
0x1ba: {  	v30 =	vor.u32 s12, v20  }
0x1bb: {  	[tilespmem:v28+s25+$0x0] =	vst.idx.msk $0xffff, v26;
	v26 =	vshll.u32 v30, $0x8  }
0x1bc: {  	v28 =	vor.u32 v29, v24;
	v25 =	vld.idx.msk [tilespmem:v25+s20+$0x0], $0xffff;
	v26 =	vand.u32 $0x3800, v26  }
0x1bd: {  	v26 =	vor.u32 v26, v60;
	_ =	sdelay $0x2  }
0x1be: {  	v29 =	vor.u32 s12, v21  }
0x1bf: {  	[tilespmem:v28+s25+$0x0] =	vst.idx.msk $0xffff, v25;
	v25 =	vshll.u32 v29, $0x8  }
0x1c0: {  	v28 =	vor.u32 v30, v24;
	v26 =	vld.idx.msk [tilespmem:v26+s20+$0x0], $0xffff;
	v25 =	vand.u32 $0x3800, v25  }
0x1c1: {  	v25 =	vor.u32 v25, v61;
	_ =	sdelay $0x2  }
0x1c2: {  	v30 =	vor.u32 s12, v22  }
0x1c3: {  	[tilespmem:v28+s25+$0x0] =	vst.idx.msk $0xffff, v26;
	v26 =	vshll.u32 v30, $0x8  }
0x1c4: {  	v29 =	vor.u32 v29, v24;
	v28 =	vld.idx.msk [tilespmem:v25+s20+$0x0], $0xffff;
	v25 =	vand.u32 $0x3800, v26  }
0x1c5: {  	v26 =	vor.u32 v25, v62;
	_ =	sdelay $0x2  }
0x1c6: {  	v25 =	vor.u32 s12, v23  }
0x1c7: {  	v31 =	vshll.u32 v25, $0x8;
	[tilespmem:v29+s25+$0x0] =	vst.idx.msk $0xffff, v28  }
0x1c8: {  	v29 =	vand.u32 $0x3800, v31;
	v28 =	vor.u32 v30, v24;
	v26 =	vld.idx.msk [tilespmem:v26+s20+$0x0], $0xffff  }
0x1c9: {  	s31 =	simm.s32 $0x4;
	v27 =	vor.u32 v29, v27  }
0x1ca: {  	s11 =	sand.u32 $0xF0, s31;
	s9 =	simm.s32 $0x8  }
.LBB2_12:
0x1cb: {  	p2 =	sne.s32 s9, $0xFC;
	v29 =	vmov s11;
	s8 =	sadd.s32 $0x10, s8  }
0x1cc: {  	v30 =	vor.u32 s11, v0;
	s11 =	sand.u32 $0x30, s8;
	v29 =	vshll.u32 v29, $0x3  }
0x1cd: {  	v32 =	vand.u32 $0x7F, v30;
	v31 =	vor.u32 s11, v0;
	v29 =	vand.u32 $0x400, v29;
	[tilespmem:v28+s25+$0x0] =	vst.idx.msk $0xffff, v26  }
0x1ce: {  	v26 =	vshll.u32 v31, $0x8;
	v28 =	vor.u32 v29, v32;
	v27 =	vld.idx.msk [tilespmem:v27+s20+$0x0], $0xffff  }
0x1cf: {  	v24 =	vor.u32 v25, v24;
	v26 =	vand.u32 $0x3800, v26;
	v29 =	vor.u32 v1, v28  }
0x1d0: {  	v25 =	vor.u32 v26, v29;
	_ =	sdelay $0x3  }
0x1d1: {  	v26 =	vor.u32 s11, v2;
	[tilespmem:v24+s25+$0x0] =	vst.idx.msk $0xffff, v27  }
0x1d2: {  	v24 =	vshll.u32 v30, $0x6;
	v27 =	vshll.u32 v26, $0x8;
	v25 =	vld.idx.msk [tilespmem:v25+s20+$0x0], $0xffff  }
0x1d3: {  	v30 =	vor.u32 v31, v24;
	v27 =	vand.u32 $0x3800, v27;
	v31 =	vor.u32 v3, v28  }
0x1d4: {  	v27 =	vor.u32 v27, v31;
	_ =	sdelay $0x3  }
0x1d5: {  	[tilespmem:v30+s25+$0x0] =	vst.idx.msk $0xffff, v25;
	v25 =	vor.u32 s11, v4  }
0x1d6: {  	v27 =	vld.idx.msk [tilespmem:v27+s20+$0x0], $0xffff;
	v30 =	vshll.u32 v25, $0x8  }
0x1d7: {  	v32 =	vor.u32 v5, v28;
	v26 =	vor.u32 v26, v24;
	v30 =	vand.u32 $0x3800, v30  }
0x1d8: {  	v30 =	vor.u32 v30, v32;
	_ =	sdelay $0x3  }
0x1d9: {  	[tilespmem:v26+s25+$0x0] =	vst.idx.msk $0xffff, v27;
	v26 =	vor.u32 s11, v6  }
0x1da: {  	v27 =	vld.idx.msk [tilespmem:v30+s20+$0x0], $0xffff;
	v30 =	vshll.u32 v26, $0x8  }
0x1db: {  	v33 =	vor.u32 v7, v28;
	v25 =	vor.u32 v25, v24;
	v30 =	vand.u32 $0x3800, v30  }
0x1dc: {  	v30 =	vor.u32 v30, v33;
	_ =	sdelay $0x3  }
0x1dd: {  	[tilespmem:v25+s25+$0x0] =	vst.idx.msk $0xffff, v27;
	v25 =	vor.u32 s11, v8  }
0x1de: {  	v27 =	vld.idx.msk [tilespmem:v30+s20+$0x0], $0xffff;
	v30 =	vshll.u32 v25, $0x8  }
0x1df: {  	v34 =	vor.u32 v9, v28;
	v26 =	vor.u32 v26, v24;
	v30 =	vand.u32 $0x3800, v30  }
0x1e0: {  	v30 =	vor.u32 v30, v34;
	_ =	sdelay $0x3  }
0x1e1: {  	[tilespmem:v26+s25+$0x0] =	vst.idx.msk $0xffff, v27;
	v26 =	vor.u32 s11, v10  }
0x1e2: {  	v27 =	vld.idx.msk [tilespmem:v30+s20+$0x0], $0xffff;
	v30 =	vshll.u32 v26, $0x8  }
0x1e3: {  	v35 =	vor.u32 v11, v28;
	v25 =	vor.u32 v25, v24;
	v30 =	vand.u32 $0x3800, v30  }
0x1e4: {  	v30 =	vor.u32 v30, v35;
	_ =	sdelay $0x3  }
0x1e5: {  	[tilespmem:v25+s25+$0x0] =	vst.idx.msk $0xffff, v27;
	v25 =	vor.u32 s11, v12  }
0x1e6: {  	v27 =	vld.idx.msk [tilespmem:v30+s20+$0x0], $0xffff;
	v30 =	vshll.u32 v25, $0x8  }
0x1e7: {  	v36 =	vor.u32 v13, v28;
	v26 =	vor.u32 v26, v24;
	v30 =	vand.u32 $0x3800, v30  }
0x1e8: {  	v30 =	vor.u32 v30, v36;
	_ =	sdelay $0x3  }
0x1e9: {  	[tilespmem:v26+s25+$0x0] =	vst.idx.msk $0xffff, v27;
	v26 =	vor.u32 s11, v14  }
0x1ea: {  	v27 =	vld.idx.msk [tilespmem:v30+s20+$0x0], $0xffff;
	v30 =	vshll.u32 v26, $0x8  }
0x1eb: {  	v37 =	vor.u32 v16, v28;
	v25 =	vor.u32 v25, v24;
	v30 =	vand.u32 $0x3800, v30  }
0x1ec: {  	v28 =	vor.u32 v30, v37;
	_ =	sdelay $0x3  }
0x1ed: {  	[tilespmem:v25+s25+$0x0] =	vst.idx.msk $0xffff, v27;
	v25 =	vor.u32 s11, v15  }
0x1ee: {  	v27 =	vld.idx.msk [tilespmem:v28+s20+$0x0], $0xffff;
	v28 =	vshll.u32 v25, $0x8  }
0x1ef: {  	v26 =	vor.u32 v26, v24;
	v28 =	vand.u32 $0x3800, v28  }
0x1f0: {  	v28 =	vor.u32 v28, v29;
	_ =	sdelay $0x3  }
0x1f1: {  	[tilespmem:v26+s25+$0x0] =	vst.idx.msk $0xffff, v27;
	v26 =	vor.u32 s11, v17  }
0x1f2: {  	v27 =	vld.idx.msk [tilespmem:v28+s20+$0x0], $0xffff;
	v28 =	vshll.u32 v26, $0x8  }
0x1f3: {  	v25 =	vor.u32 v25, v24;
	v28 =	vand.u32 $0x3800, v28  }
0x1f4: {  	v28 =	vor.u32 v28, v31;
	_ =	sdelay $0x3  }
0x1f5: {  	[tilespmem:v25+s25+$0x0] =	vst.idx.msk $0xffff, v27;
	v25 =	vor.u32 s11, v18  }
0x1f6: {  	v27 =	vld.idx.msk [tilespmem:v28+s20+$0x0], $0xffff;
	v28 =	vshll.u32 v25, $0x8  }
0x1f7: {  	v26 =	vor.u32 v26, v24;
	v28 =	vand.u32 $0x3800, v28  }
0x1f8: {  	v28 =	vor.u32 v28, v32;
	_ =	sdelay $0x3  }
0x1f9: {  	[tilespmem:v26+s25+$0x0] =	vst.idx.msk $0xffff, v27;
	v26 =	vor.u32 s11, v19  }
0x1fa: {  	v27 =	vld.idx.msk [tilespmem:v28+s20+$0x0], $0xffff;
	v28 =	vshll.u32 v26, $0x8  }
0x1fb: {  	v25 =	vor.u32 v25, v24;
	v28 =	vand.u32 $0x3800, v28  }
0x1fc: {  	v28 =	vor.u32 v28, v33;
	_ =	sdelay $0x3  }
0x1fd: {  	[tilespmem:v25+s25+$0x0] =	vst.idx.msk $0xffff, v27;
	v25 =	vor.u32 s11, v20  }
0x1fe: {  	v27 =	vld.idx.msk [tilespmem:v28+s20+$0x0], $0xffff;
	v28 =	vshll.u32 v25, $0x8  }
0x1ff: {  	v26 =	vor.u32 v26, v24;
	v28 =	vand.u32 $0x3800, v28  }
0x200: {  	v28 =	vor.u32 v28, v34;
	_ =	sdelay $0x3  }
0x201: {  	[tilespmem:v26+s25+$0x0] =	vst.idx.msk $0xffff, v27;
	v26 =	vor.u32 s11, v21  }
0x202: {  	v27 =	vld.idx.msk [tilespmem:v28+s20+$0x0], $0xffff;
	v28 =	vshll.u32 v26, $0x8  }
0x203: {  	v25 =	vor.u32 v25, v24;
	v28 =	vand.u32 $0x3800, v28  }
0x204: {  	v28 =	vor.u32 v28, v35;
	_ =	sdelay $0x3  }
0x205: {  	[tilespmem:v25+s25+$0x0] =	vst.idx.msk $0xffff, v27;
	v27 =	vor.u32 s11, v22  }
0x206: {  	v25 =	vld.idx.msk [tilespmem:v28+s20+$0x0], $0xffff;
	v28 =	vshll.u32 v27, $0x8  }
0x207: {  	v26 =	vor.u32 v26, v24;
	v28 =	vand.u32 $0x3800, v28  }
0x208: {  	v28 =	vor.u32 v28, v36;
	_ =	sdelay $0x3  }
.Ltmp6:
0x209: {  	[tilespmem:v26+s25+$0x0] =	vst.idx.msk $0xffff, v25;
	v25 =	vor.u32 s11, v23;
	(pc) =	sbr.rel @p2 .LBB2_12-.Ltmp6, $4  }
0x20a: {  	v26 =	vld.idx.msk [tilespmem:v28+s20+$0x0], $0xffff;
	v29 =	vshll.u32 v25, $0x8  }
0x20b: {  	v28 =	vor.u32 v27, v24;
	v27 =	vand.u32 $0x3800, v29  }
0x20c: {  	v27 =	vor.u32 v27, v37  }
0x20d: {  	s11 =	sand.u32 $0xF0, s9;
	s9 =	sadd.s32 $0x4, s9  }
0x20e: {  	_ = 	snop  }
0x20f: {  	v29 =	vmov s11;
	s8 =	sadd.s32 $0x10, s8  }
0x210: {  	v30 =	vor.u32 s11, v0;
	s8 =	sand.u32 $0x30, s8;
	v29 =	vshll.u32 v29, $0x3  }
0x211: {  	v32 =	vand.u32 $0x7F, v30;
	v31 =	vor.u32 s8, v0;
	v29 =	vand.u32 $0x400, v29  }
0x212: {  	[tilespmem:v28+s25+$0x0] =	vst.idx.msk $0xffff, v26;
	v41 =	vshll.u32 v31, $0x8;
	v42 =	vor.u32 v29, v32  }
0x213: {  	v24 =	vor.u32 v25, v24;
	v27 =	vld.idx.msk [tilespmem:v27+s20+$0x0], $0xffff;
	v26 =	vand.u32 $0x3800, v41;
	v29 =	vor.u32 v1, v42  }
0x214: {  	v43 =	vor.u32 v26, v29;
	_ =	sdelay $0x2  }
0x215: {  	v44 =	vor.u32 s8, v2  }
0x216: {  	v45 =	vshll.u32 v44, $0x8;
	[tilespmem:v24+s25+$0x0] =	vst.idx.msk $0xffff, v27;
	v24 =	vshll.u32 v30, $0x6  }
0x217: {  	v46 =	vor.u32 v3, v42;
	v27 =	vand.u32 $0x3800, v45;
	v30 =	vor.u32 v31, v24;
	v25 =	vld.idx.msk [tilespmem:v43+s20+$0x0], $0xffff  }
0x218: {  	v27 =	vor.u32 v27, v46;
	_ =	sdelay $0x2  }
0x219: {  	v47 =	vor.u32 s8, v4  }
0x21a: {  	v48 =	vshll.u32 v47, $0x8;
	[tilespmem:v30+s25+$0x0] =	vst.idx.msk $0xffff, v25  }
0x21b: {  	v49 =	vor.u32 v5, v42;
	v26 =	vor.u32 v44, v24;
	v25 =	vand.u32 $0x3800, v48;
	v27 =	vld.idx.msk [tilespmem:v27+s20+$0x0], $0xffff  }
0x21c: {  	v25 =	vor.u32 v25, v49;
	_ =	sdelay $0x2  }
0x21d: {  	v33 =	vor.u32 s8, v6  }
0x21e: {  	v50 =	vshll.u32 v33, $0x8;
	[tilespmem:v26+s25+$0x0] =	vst.idx.msk $0xffff, v27  }
0x21f: {  	v52 =	vor.u32 v7, v42;
	v51 =	vor.u32 v47, v24;
	v26 =	vand.u32 $0x3800, v50;
	v25 =	vld.idx.msk [tilespmem:v25+s20+$0x0], $0xffff  }
0x220: {  	v26 =	vor.u32 v26, v52;
	_ =	sdelay $0x2  }
0x221: {  	v34 =	vor.u32 s8, v8  }
0x222: {  	v53 =	vshll.u32 v34, $0x8;
	[tilespmem:v51+s25+$0x0] =	vst.idx.msk $0xffff, v25  }
0x223: {  	v55 =	vor.u32 v9, v42;
	v54 =	vor.u32 v33, v24;
	v25 =	vand.u32 $0x3800, v53;
	v26 =	vld.idx.msk [tilespmem:v26+s20+$0x0], $0xffff  }
0x224: {  	v25 =	vor.u32 v25, v55;
	_ =	sdelay $0x2  }
0x225: {  	v35 =	vor.u32 s8, v10  }
0x226: {  	v56 =	vshll.u32 v35, $0x8;
	[tilespmem:v54+s25+$0x0] =	vst.idx.msk $0xffff, v26  }
0x227: {  	v58 =	vor.u32 v11, v42;
	v57 =	vor.u32 v34, v24;
	v26 =	vand.u32 $0x3800, v56;
	v25 =	vld.idx.msk [tilespmem:v25+s20+$0x0], $0xffff  }
0x228: {  	v26 =	vor.u32 v26, v58;
	_ =	sdelay $0x2  }
0x229: {  	v36 =	vor.u32 s8, v12  }
0x22a: {  	v59 =	vshll.u32 v36, $0x8;
	[tilespmem:v57+s25+$0x0] =	vst.idx.msk $0xffff, v25  }
0x22b: {  	v61 =	vor.u32 v13, v42;
	v60 =	vor.u32 v35, v24;
	v25 =	vand.u32 $0x3800, v59;
	v26 =	vld.idx.msk [tilespmem:v26+s20+$0x0], $0xffff  }
0x22c: {  	v25 =	vor.u32 v25, v61;
	_ =	sdelay $0x2  }
0x22d: {  	v37 =	vor.u32 s8, v14  }
0x22e: {  	v62 =	vshll.u32 v37, $0x8;
	[tilespmem:v60+s25+$0x0] =	vst.idx.msk $0xffff, v26  }
0x22f: {  	v28 =	vor.u32 v16, v42;
	v63 =	vor.u32 v36, v24;
	v26 =	vand.u32 $0x3800, v62;
	v25 =	vld.idx.msk [tilespmem:v25+s20+$0x0], $0xffff  }
0x230: {  	v26 =	vor.u32 v26, v28;
	_ =	sdelay $0x2  }
0x231: {  	v40 =	vor.u32 s8, v15  }
0x232: {  	v41 =	vshll.u32 v40, $0x8;
	[tilespmem:v63+s25+$0x0] =	vst.idx.msk $0xffff, v25  }
0x233: {  	v42 =	vor.u32 v37, v24;
	v25 =	vand.u32 $0x3800, v41;
	v26 =	vld.idx.msk [tilespmem:v26+s20+$0x0], $0xffff  }
0x234: {  	v25 =	vor.u32 v25, v29;
	_ =	sdelay $0x2  }
0x235: {  	v43 =	vor.u32 s8, v17  }
0x236: {  	v44 =	vshll.u32 v43, $0x8;
	[tilespmem:v42+s25+$0x0] =	vst.idx.msk $0xffff, v26  }
0x237: {  	v45 =	vor.u32 v40, v24;
	v26 =	vand.u32 $0x3800, v44;
	v25 =	vld.idx.msk [tilespmem:v25+s20+$0x0], $0xffff  }
0x238: {  	v26 =	vor.u32 v26, v46;
	_ =	sdelay $0x2  }
0x239: {  	v46 =	vor.u32 s8, v18  }
0x23a: {  	v47 =	vshll.u32 v46, $0x8;
	[tilespmem:v45+s25+$0x0] =	vst.idx.msk $0xffff, v25  }
0x23b: {  	v48 =	vor.u32 v43, v24;
	v25 =	vand.u32 $0x3800, v47;
	v26 =	vld.idx.msk [tilespmem:v26+s20+$0x0], $0xffff  }
0x23c: {  	v25 =	vor.u32 v25, v49;
	_ =	sdelay $0x2  }
0x23d: {  	v49 =	vor.u32 s8, v19  }
0x23e: {  	v50 =	vshll.u32 v49, $0x8;
	[tilespmem:v48+s25+$0x0] =	vst.idx.msk $0xffff, v26  }
0x23f: {  	v51 =	vor.u32 v46, v24;
	v26 =	vand.u32 $0x3800, v50;
	v25 =	vld.idx.msk [tilespmem:v25+s20+$0x0], $0xffff  }
0x240: {  	v26 =	vor.u32 v26, v52;
	_ =	sdelay $0x2  }
0x241: {  	v52 =	vor.u32 s8, v20  }
0x242: {  	v53 =	vshll.u32 v52, $0x8;
	[tilespmem:v51+s25+$0x0] =	vst.idx.msk $0xffff, v25  }
0x243: {  	v54 =	vor.u32 v49, v24;
	v25 =	vand.u32 $0x3800, v53;
	v26 =	vld.idx.msk [tilespmem:v26+s20+$0x0], $0xffff  }
0x244: {  	v25 =	vor.u32 v25, v55;
	_ =	sdelay $0x2  }
0x245: {  	v55 =	vor.u32 s8, v21  }
0x246: {  	v56 =	vshll.u32 v55, $0x8;
	[tilespmem:v54+s25+$0x0] =	vst.idx.msk $0xffff, v26  }
0x247: {  	v57 =	vor.u32 v52, v24;
	v26 =	vand.u32 $0x3800, v56;
	v25 =	vld.idx.msk [tilespmem:v25+s20+$0x0], $0xffff  }
0x248: {  	v26 =	vor.u32 v26, v58;
	_ =	sdelay $0x2  }
0x249: {  	v58 =	vor.u32 s8, v22  }
0x24a: {  	v59 =	vshll.u32 v58, $0x8;
	[tilespmem:v57+s25+$0x0] =	vst.idx.msk $0xffff, v25  }
0x24b: {  	v60 =	vor.u32 v55, v24;
	v25 =	vand.u32 $0x3800, v59;
	v26 =	vld.idx.msk [tilespmem:v26+s20+$0x0], $0xffff  }
0x24c: {  	v25 =	vor.u32 v25, v61;
	_ =	sdelay $0x2  }
0x24d: {  	v61 =	vor.u32 s8, v23  }
0x24e: {  	v62 =	vshll.u32 v61, $0x8;
	[tilespmem:v60+s25+$0x0] =	vst.idx.msk $0xffff, v26  }
0x24f: {  	v63 =	vor.u32 v58, v24;
	v26 =	vand.u32 $0x3800, v62;
	v25 =	vld.idx.msk [tilespmem:v25+s20+$0x0], $0xffff  }
0x250: {  	v26 =	vor.u32 v26, v28;
	_ =	sdelay $0x3  }
0x251: {  	[tilespmem:v63+s25+$0x0] =	vst.idx.msk $0xffff, v25  }
0x252: {  	v24 =	vor.u32 v61, v24;
	v25 =	vld.idx.msk [tilespmem:v26+s20+$0x0], $0xffff;
	_ =	sdelay $0x3  }
0x253: {  	s3 =	sshll.u32 @!p1 s3, $0x3;
	s9 =	simm.s32 @!p1 $0xC000  }
0x254: {  	s1 =	sadd.s32 $0x1, s1;
	s3 =	sadd.s32 @!p1 s4, s3;
	s8 =	simm.s32 @!p1 $0x0;
	[tilespmem:v24+s25+$0x0] =	vst.idx.msk $0xffff, v25  }
0x255: {  	[hbm4b:s3+s8] =	stream.linear.scatter @!p1 [tilespmem:s9], [sflag:$0x4], $0x4000, $0x38;
	[tilespmem:$0x10000] =	vst v63  }
0x256: {  	p1 =	sne.s32 s1, $0x3E  }
.Ltmp7:
0x257: {  	_ = 	snop;
	(pc) =	sbr.rel @p1 .LBB2_2-.Ltmp7, $1  }
0x258: {  	_ =	sdelay $0x3  }
0x259: {  	s1 =	simm.s32 @!p0 $0x3  }
0x25a: {  	_ =	swait.ge @!p0 [sflag:s1], $0x4000  }
0x25b: {  	s8 =	rddreg [dreg:$0xc]  }
0x25c: {  	s3 =	rddreg [dreg:$0xb];
	s8 =	sadd.s32 $0x1, s8  }
0x25d: {  	p1 =	sne.s32 s8, s3  }
.Ltmp8:
0x25e: {  	_ = 	snop;
	(pc) =	sbr.rel @p1 .LBB2_1-.Ltmp8, $3  }
0x25f: {  	_ =	sdelay $0x1  }
0x260: {  	[sflag:s1] =	ssyncset.done @!p0 $0x0  }
0x261: {  	[sflag:s1] =	ssyncadd.s32 @!p0 $0xFFFFC000  }
0x262: {  	_ =	sfence.sel $0x180000  }
0x263: {  	[bflag:$0x0] =	sbarrier.arrive $0xFFFF  }
0x264: {  	_ =	strace $0x90000047  }
0x265: {  	s0 =	stileid.u32;
	[bflag:$0x2] =	sbarrier.arrive $0xFFFF  }
0x266: {  	p0 =	sne.s32 s0, $0x0;
	s0 =	rddreg [dreg:$0x2]  }
0x267: {  	s0 =	sadd.s32 @!p0 $0x100000, s0  }
0x268: {  	[sflag:s0] =	ssyncadd.tile.s32 @!p0 $0x1;
	_ =	shalt  }
.Lfunc_end2:
_tile_overlayer_lowered:
.L_overlay_start_2:
0x269: {  	(tag) =	ssettag $0x2  }
0x26a: {  	s0 =	rddreg [dreg:$0x0];
	s2 =	stileid.u32  }
0x26b: {  	s1 =	rddreg [dreg:$0x1];
	p0 =	sne.s32 s2, $0x0  }
0x26c: {  	s3 =	rddreg [dreg:$0x2];
	[bflag:$0x3] =	sbarrier.arrive $0xFFFF;
	s2 =	simm.s32 @!p0 $0x1C05  }
0x26d: {  	[timem:s3], [sflag:s2] =	dma.local @!p0 [hbm:s0], s1  }
0x26e: {  	s0 =	simm.s32 @!p0 $0x5  }
0x26f: {  	_ =	swait.ge @!p0 [sflag:s0], s1  }
0x270: {  	s1 =	ssub.s32 @!p0 $0x0, s1;
	[sflag:s0] =	ssyncset.done @!p0 $0x0  }
0x271: {  	[sflag:s0] =	ssyncadd.s32 @!p0 s1  }
0x272: {  	[bflag:$0x3] =	sbarrier.arrive $0xFFFF  }
0x273: {  	_ =	shalt  }

// kernel: kernel.9.cloned.1.call-start
scs
__scs_entry_jumppad:
0x0: {  	(pc) =	sbr.rel $0x88, $3  }
0x1: {  	(tag) =	ssettag $0x0;
	lr =	simm.s32 $0x1  }
0x2: {  	[smem:$0x3F9C] =	sst lr;
	_ =	strace $0xD0000000  }
0x3: {  	_ = 	snop  }
0x4: {  	_ = 	snop  }
0x5: {  	_ = 	snop  }
0x6: {  	_ = 	snop  }
0x7: {  	_ = 	snop  }
__scs_overlays_trampoline_lowered:
0x8: {  	[smem:$0x3FAB] =	sst s0  }
0x9: {  	[smem:$0x3FAC] =	sst s1  }
0xa: {  	[smem:$0x3FAD] =	sst s2  }
0xb: {  	[smem:$0x3FAE] =	sst s3  }
0xc: {  	[smem:$0x3FAF] =	sst s4  }
0xd: {  	[smem:$0x3FB0] =	sst s5  }
0xe: {  	[smem:$0x3FB1] =	sst s6  }
0xf: {  	[smem:$0x3FB2] =	sst s7  }
0x10: {  	[smem:$0x3FB3] =	sst s8  }
0x11: {  	[smem:$0x3FB4] =	sst s9;
	s0 =	simm.s32 @!p0 $0x0  }
0x12: {  	s1 =	sld [smem:$0x3F9A];
	s0 =	simm.s32 @p0 $0x1  }
0x13: {  	[smem:$0x3FB5] =	sst s0;
	s0 =	simm.s32 @!p1 $0x0  }
0x14: {  	s2 =	sld [smem:$0x3F99];
	s0 =	simm.s32 @p1 $0x1  }
0x15: {  	[smem:$0x3FB6] =	sst s0;
	s0 =	simm.s32 @!p2 $0x0  }
0x16: {  	s3 =	sld [smem:$0x3FDB];
	s0 =	simm.s32 @p2 $0x1  }
0x17: {  	s4 =	simm.s32 $0x1BF5;
	[smem:$0x3FB8] =	sst s0  }
0x18: {  	s0 =	sld [smem:$0x3F9B];
	_ =	swait.ge [sflag:s4], $0x0  }
0x19: {  	s7 =	sld [smem:$0x3F9C]  }
0x1a: {  	s8 =	sadd.s32 $0xFFFFE003, lr  }
0x1b: {  	s9 =	sadd.s32 $0xFFFFFEF7, lr;
	s5 =	simm.s32 $0xFFFFFFFF;
	p2 =	slt.u32 s8, $0xFFFFF086  }
0x1c: {  	p1 =	slt.u32 s9, $0xF7A;
	s5 =	simm.s32 @!p2 $0x0  }
0x1d: {  	s5 =	simm.s32 @p1 $0x1;
	p0 =	seq.s32 s7, s2  }
0x1e: {  	s7 =	smul.u32 @!p0 $0xF7A, s2;
	p2 =	seq.s32 @!p0 s5, $0x0  }
0x1f: {  	s9 =	smul.u32 $0xF7A, s1;
	s8 =	simm.s32 @!p0 $0x1BF5;
	p2 =	por !p2, p0  }
0x20: {  	[sflag:s8] =	ssyncset.s32 @!p0 $0xFFFFF086;
	s6 =	sadd.s32 @!p0 s3, s7;
	s7 =	simm.s32 @!p0 $0x108  }
0x21: {  	s3 =	sadd.s32 s3, s9;
	s6 =	sadd.s32 @!p0 $0x88, s6;
	s7 =	simm.s32 @p2 $0x1082  }
0x22: {  	[simem:s7], [sflag:s8] =	dma.local @!p0 [hbm:s6], $0xF7A  }
0x23: {  	s9 =	sor.u32 $0xD0000000, s2;
	s6 =	simm.s32 $0x108;
	_ =	swait.ge @!p0 [sflag:s8], $0x0  }
0x24: {  	s3 =	sadd.s32 $0x88, s3;
	s6 =	simm.s32 @!p1 $0x1082;
	[sflag:s4] =	ssyncset.s32 $0xFFFFF086  }
0x25: {  	[simem:s6], [sflag:s4] =	dma.local [hbm:s3], $0xF7A  }
0x26: {  	[smem:$0x3F9C] =	sst s1;
	(tag) =	ssettag s2;
	_ =	strace s9  }
0x27: {  	s1 =	sld [smem:$0x3FAC]  }
0x28: {  	s2 =	sld [smem:$0x3FAD]  }
0x29: {  	s4 =	sld [smem:$0x3FAF]  }
0x2a: {  	p0 =	seq.s32 s5, $0x0;
	s5 =	sld [smem:$0x3FB0]  }
0x2b: {  	s6 =	sld [smem:$0x3FB1]  }
0x2c: {  	s7 =	sld [smem:$0x3FB2]  }
0x2d: {  	s3 =	simm.s32 $0x108;
	s8 =	sld [smem:$0x3FB3]  }
0x2e: {  	s3 =	simm.s32 @!p0 $0x1082;
	s9 =	sld [smem:$0x3FB4]  }
0x2f: {  	lr =	sadd.s32 s0, s3;
	s0 =	sld [smem:$0x3FAB]  }
0x30: {  	s3 =	sld [smem:$0x3FAE]  }
0x31: {  	[smem:$0x3FB7] =	sst s10  }
0x32: {  	s10 =	sld [smem:$0x3FB5];
	_ =	sdelay $0x3  }
0x33: {  	p0 =	seq.s32 s10, $0x1;
	s10 =	sld [smem:$0x3FB7];
	_ =	sdelay $0x3  }
0x34: {  	[smem:$0x3FB7] =	sst s10  }
0x35: {  	s10 =	sld [smem:$0x3FB6];
	_ =	sdelay $0x3  }
0x36: {  	p1 =	seq.s32 s10, $0x1;
	s10 =	sld [smem:$0x3FB7];
	_ =	sdelay $0x3  }
0x37: {  	[smem:$0x3FB7] =	sst s10  }
0x38: {  	s10 =	sld [smem:$0x3FB8]  }
0x39: {  	_ = 	snop;
	(pc) =	sbr.ind lr, $3  }
0x3a: {  	_ = 	snop  }
0x3b: {  	_ = 	snop  }
0x3c: {  	p2 =	seq.s32 s10, $0x1;
	s10 =	sld [smem:$0x3FB7]  }
0x3d: {  	_ =	shalt  }
0x3e: {  	_ =	shalt  }
0x3f: {  	_ =	shalt  }
0x40: {  	_ =	shalt  }
0x41: {  	_ =	shalt  }
0x42: {  	_ =	shalt  }
0x43: {  	_ =	shalt  }
0x44: {  	_ =	shalt  }
0x45: {  	_ =	shalt  }
0x46: {  	_ =	shalt  }
0x47: {  	_ =	shalt  }
0x48: {  	_ =	shalt  }
0x49: {  	_ =	shalt  }
0x4a: {  	_ =	shalt  }
0x4b: {  	_ =	shalt  }
0x4c: {  	_ =	shalt  }
0x4d: {  	_ =	shalt  }
0x4e: {  	_ =	shalt  }
0x4f: {  	_ =	shalt  }
0x50: {  	_ =	shalt  }
0x51: {  	_ =	shalt  }
0x52: {  	_ =	shalt  }
0x53: {  	_ =	shalt  }
0x54: {  	_ =	shalt  }
0x55: {  	_ =	shalt  }
0x56: {  	_ =	shalt  }
0x57: {  	_ =	shalt  }
0x58: {  	_ =	shalt  }
0x59: {  	_ =	shalt  }
0x5a: {  	_ =	shalt  }
0x5b: {  	_ =	shalt  }
0x5c: {  	_ =	shalt  }
0x5d: {  	_ =	shalt  }
0x5e: {  	_ =	shalt  }
0x5f: {  	_ =	shalt  }
0x60: {  	_ =	shalt  }
0x61: {  	_ =	shalt  }
0x62: {  	_ =	shalt  }
0x63: {  	_ =	shalt  }
0x64: {  	_ =	shalt  }
0x65: {  	_ =	shalt  }
0x66: {  	_ =	shalt  }
0x67: {  	_ =	shalt  }
0x68: {  	_ =	shalt  }
0x69: {  	_ =	shalt  }
0x6a: {  	_ =	shalt  }
0x6b: {  	_ =	shalt  }
0x6c: {  	_ =	shalt  }
0x6d: {  	_ =	shalt  }
0x6e: {  	_ =	shalt  }
0x6f: {  	_ =	shalt  }
0x70: {  	_ =	shalt  }
0x71: {  	_ =	shalt  }
0x72: {  	_ =	shalt  }
0x73: {  	_ =	shalt  }
0x74: {  	_ =	shalt  }
0x75: {  	_ =	shalt  }
0x76: {  	_ =	shalt  }
0x77: {  	_ =	shalt  }
0x78: {  	_ =	shalt  }
0x79: {  	_ =	shalt  }
0x7a: {  	_ =	shalt  }
0x7b: {  	_ =	shalt  }
0x7c: {  	_ =	shalt  }
0x7d: {  	_ =	shalt  }
0x7e: {  	_ =	shalt  }
0x7f: {  	_ =	shalt  }
0x80: {  	_ =	shalt  }
0x81: {  	_ =	shalt  }
0x82: {  	_ =	shalt  }
0x83: {  	_ =	shalt  }
0x84: {  	_ =	shalt  }
0x85: {  	_ =	shalt  }
0x86: {  	_ =	shalt  }
0x87: {  	_ =	shalt  }
.Lfunc_end0:
.L_simem_size_0:
called_computation.1_lowered:
.L_overlay_start_0:
0x88: {  	s2 =	sld [smem:$0x3FD9]  }
0x89: {  	s3 =	sld [smem:$0x3FFE];
	_ =	sdelay $0x1  }
0x8a: {  	s1 =	srdreg.scid  }
0x8b: {  	s0 =	sand.u32 $0x1, s1  }
0x8c: {  	s17 =	sshll.u32 s0, $0xA;
	s2 =	sadd.s32 s3, s2  }
0x8d: {  	s2 =	sadd.s32 s2, s17  }
0x8e: {  	[smem:$0x3FC3] =	sst s2  }
0x8f: {  	_ = 	snop  }
0x90: {  	s2 =	sld [smem:$0x3FC9]  }
0x91: {  	s18 =	sld [smem:$0x3FC8];
	(tm) =	ssettm $0x1  }
0x92: {  	s4 =	sld [smem:$0x3FFB];
	_ =	sdelay $0x3  }
0x93: {  	_ =	strace s4  }
0x94: {  	s4 =	sld [smem:$0x3FFC];
	_ =	sdelay $0x3  }
0x95: {  	_ =	strace s4  }
0x96: {  	s4 =	sld [smem:$0x3FFD];
	_ =	sdelay $0x3  }
0x97: {  	_ =	strace s4  }
0x98: {  	_ =	strace $0x8FFFFFFF  }
0x99: {  	s19 =	sld [smem:$0x3FDB];
	_ =	sdelay $0x1  }
0x9a: {  	s5 =	simm.s32 $_scs_section_size  }
0x9b: {  	s6 =	simm.s32 $_size__tile_overlayer_lowered;
	s7 =	simm.s32 $_tile_overlayer_lowered  }
0x9c: {  	s22 =	simm.s32 $0x1BFF;
	s21 =	sshll.u32 s7, $0x1;
	s4 =	sadd.s32 s5, s19  }
0x9d: {  	s8 =	simm.s32 $0x0;
	s20 =	sshll.u32 s6, $0x1;
	s6 =	sadd.s32 s21, s4  }
0x9e: {  	[timem:s8], [sflag:s22] =	dma.local [hbm:s6], s20  }
0x9f: {  	_ =	swait.ge [sflag:s22], s20  }
0xa0: {  	s5 =	ssub.s32 $0x0, s20;
	[sflag:s22] =	ssyncset.done $0x0  }
0xa1: {  	[sflag:s22] =	ssyncadd.s32 s5;
	_ =	sdelay $0x1  }
0xa2: {  	s23 =	simm.s32 $0x1B8B  }
0xa3: {  	_ =	swait.ge [sflag:s23], $0x1  }
0xa4: {  	[sflag:s23] =	ssyncset.done $0x0  }
0xa5: {  	s25 =	simm.s32 $0x1B8E;
	s24 =	sld [smem:$0x3FFE];
	[sflag:s23] =	ssyncadd.s32 $0xFFFFFFFF  }
0xa6: {  	s26 =	simm.s32 $execute0_lowered;
	[smem:$0x3FD2] =	sst s25  }
0xa7: {  	s6 =	sshll.u32 s26, $0x1;
	_ =	strace $0x80000049;
	[dreg:$0x1] =	wrdreg $0xFFFFFFFF  }
0xa8: {  	s28 =	simm.s32 $_size_execute0_lowered;
	s4 =	sadd.s32 s4, s6;
	[dreg:$0x0] =	wrdreg $0x0  }
0xa9: {  	s6 =	sshll.u32 s28, $0x1;
	[dreg:$0x2] =	wrdreg s4  }
0xaa: {  	[dreg:$0x3] =	wrdreg s6  }
0xab: {  	[dreg:$0x4] =	wrdreg $0xC0  }
0xac: {  	_ =	task [dreg:s8], $0x5FFFF  }
0xad: {  	[dreg:$0x1] =	wrdreg $0xFFFFFFFF  }
0xae: {  	[dreg:$0x0] =	wrdreg $0x60  }
0xaf: {  	[dreg:$0x2] =	wrdreg s2  }
0xb0: {  	[dreg:$0x3] =	wrdreg s18  }
0xb1: {  	[dreg:$0x4] =	wrdreg s24  }
0xb2: {  	[dreg:$0x5] =	wrdreg $0x9  }
0xb3: {  	_ =	task.clear_ibuf [dreg:s8], $0x6FFFF;
	_ =	strace $0x90000049  }
0xb4: {  	s29 =	simm.s32 $0x9;
	_ =	strace $0x8000004B  }
0xb5: {  	_ =	swait.ge [sflag:s29], $0x1  }
0xb6: {  	[sflag:s29] =	ssyncadd.s32 $0xFFFFFFFF  }
0xb7: {  	_ =	strace $0x9000004B  }
0xb8: {  	_ =	sfence  }
0xb9: {  	s30 =	sld [smem:$0x0];
	_ =	sdelay $0x2  }
0xba: {  	s31 =	sshll.u32 s1, $0xD;
	s1 =	sshrl.u32 s1, $0x2  }
0xbb: {  	s3 =	sand.u32 $0x4000, s31;
	s1 =	sadd.s32 s1, s30  }
0xbc: {  	s0 =	sor.u32 s3, s0;
	s1 =	sshll.u32 s1, $0x11  }
0xbd: {  	s0 =	sor.u32 s1, s0  }
0xbe: {  	s0 =	sadd.s32 $0x8F2B, s0  }
0xbf: {  	[sflag:s0] =	ssyncadd.remote.s32 $0x1  }
0xc0: {  	_ =	sfence.sel $0xFFFF  }
0xc1: {  	[dreg:$0x0] =	wrdreg $0xFFFFFFFF;
	(pc) =	sbr.abs _section_cstart, $3  }
0xc2: {  	[dreg:$0x1] =	wrdreg $0xFFFFFFFF  }
0xc3: {  	_ =	task.clear_ibuf [dreg:s8], $0x2FFFF;
	_ =	strace $0x9FFFFFFF  }
0xc4: {  	(tm) =	ssettm $0x7FFFFFFF  }
0xc5: {  	_ =	shalt  }
tec
execute0_lowered:
.L_overlay_start_1:
0x0: {  	(tag) =	ssettag $0x1  }
0x1: {  	v0 =	vimm.s32 $0xFEDCBA9;
	v1 =	vimm.s32 $0x87654321  }
0x2: {  	v2 =	vimm.s32 $0x10FEDCBA;
	v3 =	vimm.s32 $0x98765432;
	v4 =	vimm.s32 $0x210FEDCB  }
0x3: {  	v5 =	vimm.s32 $0xA9876543;
	v6 =	vimm.s32 $0x3210FEDC;
	v7 =	vimm.s32 $0xBA987654  }
0x4: {  	v11 =	vimm.s32 $0x43210FED;
	v12 =	vimm.s32 $0xCBA98765;
	v48 =	vimm.s32 $0x543210FE  }
0x5: {  	v49 =	vimm.s32 $0xDCBA9876;
	v13 =	vimm.s32 $0x6543210F;
	v14 =	vimm.s32 $0xEDCBA987  }
0x6: {  	v15 =	vimm.s32 $0xFEDCBA98;
	v16 =	vimm.s32 $0x76543210;
	v0 =	vunpack.c.l.s4.s8 v0  }
0x7: {  	v1 =	vunpack.c.l.s4.s8 v1;
	v2 =	vunpack.c.l.s4.s8 v2;
	v3 =	vunpack.c.l.s4.s8 v3  }
0x8: {  	v4 =	vunpack.c.l.s4.s8 v4;
	v5 =	vunpack.c.l.s4.s8 v5;
	v6 =	vunpack.c.l.s4.s8 v6  }
0x9: {  	v7 =	vunpack.c.l.s4.s8 v7;
	v11 =	vunpack.c.l.s4.s8 v11;
	v13 =	vunpack.c.l.s4.s8 v13  }
0xa: {  	v14 =	vunpack.c.l.s4.s8 v14;
	v15 =	vunpack.c.l.s4.s8 v15;
	v16 =	vunpack.c.l.s4.s8 v16  }
0xb: {  	v0 =	vunpack.c.0.s8.s32 v0;
	v1 =	vunpack.c.0.s8.s32 v1;
	v2 =	vunpack.c.0.s8.s32 v2  }
0xc: {  	v3 =	vunpack.c.0.s8.s32 v3;
	v4 =	vunpack.c.0.s8.s32 v4;
	v5 =	vunpack.c.0.s8.s32 v5  }
0xd: {  	v6 =	vunpack.c.0.s8.s32 v6;
	v7 =	vunpack.c.0.s8.s32 v7;
	v8 =	vcombine.low v1, v0  }
0xe: {  	v13 =	vunpack.c.0.s8.s32 v13;
	v14 =	vunpack.c.0.s8.s32 v14;
	v9 =	vcombine.low v3, v2  }
0xf: {  	v15 =	vunpack.c.0.s8.s32 v15;
	v10 =	vcombine.low v5, v4;
	v8 =	vand.u32 $0xF, v8  }
0x10: {  	s1 =	rddreg [dreg:$0x0];
	s2 =	srdreg.scid;
	v16 =	vunpack.c.0.s8.s32 v16;
	v46 =	vcombine.low v7, v6;
	v43 =	vand.u32 $0xF, v9;
	[tilespmem:$0x1FF10] =	vst v8  }
0x11: {  	s7 =	rddreg [dreg:$0x1];
	v44 =	vunpack.c.l.s4.s8 v12;
	s5 =	sand.u32 $0x1, s2;
	s2 =	simm.s32 $0x0;
	v15 =	vand.u32 $0xF, v15;
	v45 =	vand.u32 $0xF, v10;
	[tilespmem:$0x1FF20] =	vst v43  }
0x12: {  	[smem:$0x7FF] =	sst s2;
	v18 =	vcombine.low v14, v13;
	v51 =	vcombine.low v15, v16;
	v9 =	vand.u32 $0xF, v46;
	[tilespmem:$0x1FF30] =	vst v45  }
0x13: {  	s6 =	rddreg [dreg:$0x2];
	v12 =	vunpack.c.l.s4.s8 v49;
	v47 =	vunpack.c.0.s8.s32 v11;
	v0 =	vcombine.low v0, v1;
	_ =	strace $0x8000004A;
	[tilespmem:$0x1FF40] =	vst v9  }
0x14: {  	s0 =	stileid.u32;
	s12 =	simm.s32 $0x200;
	v11 =	vunpack.c.l.s4.s8 v48;
	v53 =	vcombine.low v2, v3;
	v55 =	vand.u32 $0xF, v18;
	[tilespmem:$0x1FF60] =	vst v51  }
0x15: {  	s13 =	simm.s32 $0x400;
	s14 =	simm.s32 $0x20;
	s15 =	simm.s32 $0x2C00;
	v12 =	vunpack.c.0.s8.s32 v12;
	v54 =	vcombine.low v4, v5;
	v0 =	vand.u32 $0xF, v0;
	[tilespmem:$0x1FF80] =	vst v55  }
0x16: {  	s16 =	simm.s32 $0x3C00;
	s17 =	simm.s32 $0x80;
	s18 =	simm.s32 $0x4400;
	v11 =	vunpack.c.0.s8.s32 v11;
	v56 =	vcombine.low v6, v7;
	v1 =	vand.u32 $0xF, v53;
	[tilespmem:$0x1FF90] =	vst v0  }
0x17: {  	s19 =	simm.s32 $0x6400;
	s20 =	simm.s32 $0x8400;
	s21 =	simm.s32 $0xA400;
	v59 =	vcombine.low v13, v14;
	v60 =	vand.u32 $0xF, v54;
	[tilespmem:$0x1FFA0] =	vst v1  }
0x18: {  	s22 =	simm.s32 $0xC400;
	s23 =	simm.s32 $0x1;
	s24 =	simm.s32 $0xE400;
	v17 =	vcombine.low v12, v11;
	v61 =	vand.u32 $0xF, v56;
	v8 =	vunpack.c.0.s8.s32 v44;
	[tilespmem:$0x1FFB0] =	vst v60  }
0x19: {  	s25 =	simm.s32 $0x0;
	s30 =	sshll.u32 s0, $0x1;
	s4 =	sadd.s32 $0xC00, s6;
	v58 =	vcombine.low v11, v12;
	v63 =	vand.u32 $0xF, v59;
	[tilespmem:$0x1FFC0] =	vst v61  }
0x1a: {  	s9 =	sor.u32 s5, s30;
	s10 =	ssub.s32 $0x2, s5;
	s5 =	sadd.s32 $0x16EE800, s6;
	v52 =	vand.u32 $0xF, v17;
	[tilespmem:$0x1FFF0] =	vst v63;
	v50 =	vcombine.low v8, v47  }
0x1b: {  	s3 =	smul.u32 $0x500, s9;
	s31 =	sshrl.u32 s10, $0x1;
	s11 =	sshll.u32 s9, $0x6;
	v0 =	vand.u32 $0xF, v58;
	[tilespmem:$0x1FF70] =	vst v52;
	v57 =	vcombine.low v47, v8  }
0x1c: {  	s9 =	smul.u32 $0x2A00, s9;
	s10 =	ssub.s32 s10, s31;
	s7 =	sadd.s32 s7, s11;
	[tilespmem:$0x1FFE0] =	vst v0;
	v9 =	vand.u32 $0xF, v50  }
0x1d: {  	s8 =	sadd.s32 s3, s6;
	s3 =	sadd.s32 $0x7AC000, s6;
	s6 =	sadd.s32 s1, s11;
	v62 =	vand.u32 $0xF, v57;
	[tilespmem:$0x1FF50] =	vst v9  }
0x1e: {  	s10 =	smax.u32 s10, $0x1;
	s11 =	simm.s32 $0x2;
	s8 =	sadd.s32 $0x7A2000, s8;
	[tilespmem:$0x1FFD0] =	vst v62  }
.LBB2_1:
0x1f: {  	[tilespmem:s2], [sflag:$0x2] =	stream.linear.gather [hbm4b:s6+s2], $0x200, $0x38;
	[tilespmem:$0xE6A0] =	vst v63  }
0x20: {  	_ =	swait.ge [sflag:s11], $0x200  }
0x21: {  	[sflag:s11] =	ssyncset.done $0x0  }
0x22: {  	[sflag:s11] =	ssyncadd.s32 $0xFFFFFE00  }
0x23: {  	[tilespmem:s12], [sflag:$0x2] =	stream.linear.gather [hbm4b:s7+s2], $0x200, $0x38;
	[tilespmem:$0xE6A0] =	vst v63  }
0x24: {  	_ =	swait.ge [sflag:s11], $0x200  }
0x25: {  	[sflag:s11] =	ssyncset.done $0x0  }
0x26: {  	[sflag:s11] =	ssyncadd.s32 $0xFFFFFE00  }
0x27: {  	[tilespmem:s13], [sflag:$0x2] =	stream.linear.gather [hbm4b:s8+s2], $0x2800, $0x38;
	[tilespmem:$0xE6A0] =	vst v63  }
0x28: {  	_ =	swait.ge [sflag:s11], $0x2800  }
0x29: {  	[sflag:s11] =	ssyncset.done $0x0  }
0x2a: {  	s26 =	simm.s32 $0x0;
	[sflag:s11] =	ssyncadd.s32 $0xFFFFD800  }
.LBB2_2:
0x2b: {  	s1 =	sshll.u32 s26, $0x5;
	s28 =	smul.u32 $0xA00, s26  }
0x2c: {  	[tilespmem:s15], [sflag:$0x1] =	stream.indirect.gather [hbm4b:s3+s14], $0x80, s1, s14, $0xb8;
	[tilespmem:$0xE6A0] =	vst v63  }
0x2d: {  	s1 =	sadd.s32 $0x200, s1;
	s31 =	sshra.s32 s28, $0x2  }
0x2e: {  	[tilespmem:s16], [sflag:$0x1] =	stream.indirect.gather [hbm4b:s4+s14], $0x40, s1, s14, $0xb8;
	[tilespmem:$0xE6A0] =	vst v63  }
0x2f: {  	s28 =	sadd.s32 $0x400, s31  }
0x30: {  	[tilespmem:s18], [sflag:$0x1] =	stream.indirect.gather [hbm4b:s4+s17], $0x40, s28, s17, $0xb8;
	[tilespmem:$0xE6A0] =	vst v63  }
0x31: {  	s28 =	sadd.s32 $0x480, s31  }
0x32: {  	[tilespmem:s19], [sflag:$0x1] =	stream.indirect.gather [hbm4b:s4+s17], $0x40, s28, s17, $0xb8;
	[tilespmem:$0xE6A0] =	vst v63  }
0x33: {  	s28 =	sadd.s32 $0x500, s31  }
0x34: {  	[tilespmem:s20], [sflag:$0x1] =	stream.indirect.gather [hbm4b:s4+s17], $0x40, s28, s17, $0xb8;
	[tilespmem:$0xE6A0] =	vst v63  }
0x35: {  	s28 =	sadd.s32 $0x580, s31  }
0x36: {  	[tilespmem:s21], [sflag:$0x1] =	stream.indirect.gather [hbm4b:s4+s17], $0x40, s28, s17, $0xb8;
	[tilespmem:$0xE6A0] =	vst v63  }
0x37: {  	s1 =	sadd.s32 $0x600, s31  }
0x38: {  	[tilespmem:s22], [sflag:$0x1] =	stream.indirect.gather [hbm4b:s4+s17], $0x40, s1, s17, $0xb8;
	[tilespmem:$0xE6A0] =	vst v63  }
0x39: {  	_ =	swait.ge [sflag:s23], $0x1000  }
0x3a: {  	[sflag:s23] =	ssyncset.done $0x0  }
0x3b: {  	[sflag:s23] =	ssyncadd.s32 $0xFFFFF000  }
0x3c: {  	_ =	swait.ge [sflag:s23], $0x800  }
0x3d: {  	[sflag:s23] =	ssyncset.done $0x0  }
0x3e: {  	[sflag:s23] =	ssyncadd.s32 $0xFFFFF800  }
0x3f: {  	_ =	swait.ge [sflag:s23], $0x2000  }
0x40: {  	[sflag:s23] =	ssyncset.done $0x0  }
0x41: {  	[sflag:s23] =	ssyncadd.s32 $0xFFFFE000  }
0x42: {  	_ =	swait.ge [sflag:s23], $0x2000  }
0x43: {  	[sflag:s23] =	ssyncset.done $0x0  }
0x44: {  	[sflag:s23] =	ssyncadd.s32 $0xFFFFE000  }
0x45: {  	_ =	swait.ge [sflag:s23], $0x2000  }
0x46: {  	[sflag:s23] =	ssyncset.done $0x0  }
0x47: {  	[sflag:s23] =	ssyncadd.s32 $0xFFFFE000  }
0x48: {  	_ =	swait.ge [sflag:s23], $0x2000  }
0x49: {  	[sflag:s23] =	ssyncset.done $0x0  }
0x4a: {  	[sflag:s23] =	ssyncadd.s32 $0xFFFFE000  }
0x4b: {  	_ =	swait.ge [sflag:s23], $0x2000  }
0x4c: {  	[sflag:s23] =	ssyncset.done $0x0  }
0x4d: {  	v0 =	vimm.f32 $0.0e+00;
	[sflag:s23] =	ssyncadd.s32 $0xFFFFE000  }
0x4e: {  	[tilespmem:$0xE420] =	vst v0  }
0x4f: {  	[tilespmem:$0xE430] =	vst v0  }
0x50: {  	[tilespmem:$0xE440] =	vst v0  }
0x51: {  	[tilespmem:$0xE450] =	vst v0  }
0x52: {  	[tilespmem:$0xE460] =	vst v0  }
0x53: {  	[tilespmem:$0xE470] =	vst v0  }
0x54: {  	[tilespmem:$0xE480] =	vst v0  }
0x55: {  	[tilespmem:$0xE490] =	vst v0  }
0x56: {  	[tilespmem:$0xE4A0] =	vst v0  }
0x57: {  	[tilespmem:$0xE4B0] =	vst v0  }
0x58: {  	[tilespmem:$0xE4C0] =	vst v0  }
0x59: {  	[tilespmem:$0xE4D0] =	vst v0  }
0x5a: {  	[tilespmem:$0xE4E0] =	vst v0  }
0x5b: {  	[tilespmem:$0xE4F0] =	vst v0  }
0x5c: {  	[tilespmem:$0xE500] =	vst v0  }
0x5d: {  	[tilespmem:$0xE510] =	vst v0  }
0x5e: {  	[tilespmem:$0xE520] =	vst v0  }
0x5f: {  	[tilespmem:$0xE530] =	vst v0  }
0x60: {  	[tilespmem:$0xE540] =	vst v0  }
0x61: {  	[tilespmem:$0xE550] =	vst v0  }
0x62: {  	[tilespmem:$0xE560] =	vst v0  }
0x63: {  	[tilespmem:$0xE570] =	vst v0  }
0x64: {  	[tilespmem:$0xE580] =	vst v0  }
0x65: {  	[tilespmem:$0xE590] =	vst v0  }
0x66: {  	[tilespmem:$0xE5A0] =	vst v0  }
0x67: {  	[tilespmem:$0xE5B0] =	vst v0  }
0x68: {  	[tilespmem:$0xE5C0] =	vst v0  }
0x69: {  	[tilespmem:$0xE5D0] =	vst v0  }
0x6a: {  	[tilespmem:$0xE5E0] =	vst v0  }
0x6b: {  	[tilespmem:$0xE5F0] =	vst v0  }
0x6c: {  	[tilespmem:$0xE600] =	vst v0  }
0x6d: {  	[tilespmem:$0xE610] =	vst v0  }
0x6e: {  	[tilespmem:$0xE620] =	vst v0  }
0x6f: {  	[tilespmem:$0xE630] =	vst v0  }
0x70: {  	[tilespmem:$0xE640] =	vst v0  }
0x71: {  	[tilespmem:$0xE650] =	vst v0  }
0x72: {  	[tilespmem:$0xE660] =	vst v0  }
0x73: {  	[tilespmem:$0xE670] =	vst v0  }
0x74: {  	[tilespmem:$0xE680] =	vst v0  }
0x75: {  	p1 =	por $0x1, $0x1;
	s28 =	simm.s32 $0x0;
	[tilespmem:$0xE690] =	vst v0  }
.LBB2_3:
0x76: {  	v2 =	vlaneseq.u32;
	v41 =	vld [tilespmem:$0x1FF10]  }
0x77: {  	v42 =	vld [tilespmem:$0x1FF20];
	v0 =	vor.u32 s28, v2  }
0x78: {  	v43 =	vld [tilespmem:$0x1FF30];
	v1 =	vshll.u32 v0, $0x7  }
0x79: {  	v44 =	vld [tilespmem:$0x1FF40];
	v17 =	vmul.u32 $0x14, v0;
	v0 =	vshll.u32 v0, $0x6;
	v3 =	vor.u32 v2, v1  }
0x7a: {  	v45 =	vld [tilespmem:$0x1FF50];
	v53 =	vor.u32 v2, v0;
	[tilespmem:$0x1FD60] =	vst v3  }
0x7b: {  	v9 =	vld [tilespmem:$0x1FF70];
	[tilespmem:$0x1FE60] =	vst v53;
	v4 =	vor.u32 v41, v1  }
0x7c: {  	v52 =	vld [tilespmem:$0x1FFC0];
	v5 =	vor.u32 v42, v1;
	[tilespmem:$0x1FD70] =	vst v4  }
0x7d: {  	v10 =	vld [tilespmem:$0x1FF80];
	v6 =	vor.u32 v43, v1;
	[tilespmem:$0x1FD80] =	vst v5  }
0x7e: {  	v48 =	vld [tilespmem:$0x1FF60];
	v7 =	vor.u32 v44, v1;
	[tilespmem:$0x1FD90] =	vst v6  }
0x7f: {  	v49 =	vld [tilespmem:$0x1FF90];
	v8 =	vor.u32 v45, v1;
	[tilespmem:$0x1FDA0] =	vst v7  }
0x80: {  	v50 =	vld [tilespmem:$0x1FFA0];
	v46 =	vor.u32 v9, v1;
	[tilespmem:$0x1FDB0] =	vst v8  }
0x81: {  	v51 =	vld [tilespmem:$0x1FFB0];
	v15 =	vor.u32 v52, v1;
	[tilespmem:$0x1FDC0] =	vst v46  }
0x82: {  	v47 =	vor.u32 v10, v1;
	[tilespmem:$0x1FE20] =	vst v15;
	v15 =	vld [tilespmem:$0x1FFD0]  }
0x83: {  	v11 =	vor.u32 v48, v1;
	[tilespmem:$0x1FDD0] =	vst v47  }
0x84: {  	v12 =	vor.u32 v49, v1;
	[tilespmem:$0x1FDE0] =	vst v11  }
0x85: {  	v13 =	vor.u32 v50, v1;
	[tilespmem:$0x1FDF0] =	vst v12  }
0x86: {  	v14 =	vor.u32 v51, v1;
	[tilespmem:$0x1FE00] =	vst v13  }
0x87: {  	[tilespmem:$0x1FE10] =	vst v14;
	v16 =	vor.u32 v15, v1  }
0x88: {  	v54 =	vor.u32 v41, v0;
	[tilespmem:$0x1FE30] =	vst v16;
	v16 =	vld [tilespmem:$0x1FFE0]  }
0x89: {  	v55 =	vor.u32 v42, v0;
	[tilespmem:$0x1FE70] =	vst v54  }
0x8a: {  	v56 =	vor.u32 v43, v0;
	[tilespmem:$0x1FE80] =	vst v55  }
0x8b: {  	v57 =	vor.u32 v44, v0;
	[tilespmem:$0x1FE90] =	vst v56  }
0x8c: {  	v58 =	vor.u32 v45, v0;
	[tilespmem:$0x1FEA0] =	vst v57  }
0x8d: {  	[tilespmem:$0x1FEB0] =	vst v58;
	v18 =	vor.u32 v16, v1  }
0x8e: {  	v59 =	vor.u32 v9, v0;
	[tilespmem:$0x1FE40] =	vst v18;
	v18 =	vld [tilespmem:$0x1FFF0]  }
0x8f: {  	v60 =	vor.u32 v10, v0;
	[tilespmem:$0x1FEC0] =	vst v59  }
0x90: {  	v61 =	vor.u32 v48, v0;
	[tilespmem:$0x1FED0] =	vst v60  }
0x91: {  	v62 =	vor.u32 v49, v0;
	[tilespmem:$0x1FEE0] =	vst v61  }
0x92: {  	s1 =	sshll.u32 s28, $0x2;
	v63 =	vor.u32 v50, v0;
	v45 =	vor.u32 v51, v0;
	[tilespmem:$0x1FEF0] =	vst v62  }
0x93: {  	s1 =	sshra.s32 s1, $0x2;
	[tilespmem:$0x1FF00] =	vst v63;
	v46 =	vor.u32 v52, v0;
	v59 =	vimm.f32 $0.0e+00;
	v1 =	vor.u32 v18, v1  }
0x94: {  	p0 =	por p1, p1;
	s30 =	simm.s32 $0x0;
	s29 =	sadd.s32 $0xE420, s1;
	v47 =	vor.u32 v15, v0;
	v48 =	vor.u32 v16, v0;
	v49 =	vor.u32 v18, v0;
	[tilespmem:$0x1FE50] =	vst v1  }
.LBB2_4:
0x95: {  	v2 =	vld [tilespmem:$0x1FD80];
	_ =	sdelay $0x3  }
0x96: {  	s31 =	sshll.u32 s30, $0x4;
	v0 =	vld [tilespmem:$0x1FD60]  }
0x97: {  	v3 =	vor.u32 s31, v2;
	v2 =	vld [tilespmem:$0x1FD90];
	_ =	sdelay $0x4  }
0x98: {  	v0 =	vor.u32 s31, v0;
	v4 =	vor.u32 s31, v2;
	v2 =	vld [tilespmem:$0x1FDA0];
	_ =	sdelay $0x4  }
0x99: {  	v5 =	vor.u32 s31, v2;
	v2 =	vld.idx.msk [tilespmem:v0+s15+$0x0], $0xffff  }
0x9a: {  	v0 =	vld [tilespmem:$0x1FDB0];
	_ =	sdelay $0x4  }
0x9b: {  	v6 =	vor.u32 s31, v0;
	v0 =	vld [tilespmem:$0x1FDC0];
	_ =	sdelay $0x2  }
0x9c: {  	v1 =	vld [tilespmem:$0x1FD70];
	_ =	sdelay $0x1  }
0x9d: {  	v7 =	vor.u32 s31, v0;
	v0 =	vld.idx.msk [tilespmem:v3+s15+$0x0], $0xffff  }
0x9e: {  	v3 =	vld [tilespmem:$0x1FDD0]  }
0x9f: {  	s1 =	simm.s32 $0x0;
	v43 =	vld [tilespmem:$0x1FEF0]  }
0xa0: {  	v1 =	vor.u32 s31, v1;
	v63 =	vld.idx.msk [tilespmem:v4+s15+$0x0], $0xffff;
	v4 =	vadd.s32 s1, v17  }
0xa1: {  	v20 =	vshll.u32 v4, $0x6;
	v4 =	vld [tilespmem:$0x1FF10]  }
0xa2: {  	v62 =	vld.idx.msk [tilespmem:v5+s15+$0x0], $0xffff  }
0xa3: {  	v8 =	vor.u32 s31, v3;
	v3 =	vld [tilespmem:$0x1FDE0]  }
0xa4: {  	v5 =	vld [tilespmem:$0x1FE00]  }
0xa5: {  	v1 =	vld.idx.msk [tilespmem:v1+s15+$0x0], $0xffff  }
0xa6: {  	v60 =	vld.idx.msk [tilespmem:v6+s15+$0x0], $0xffff  }
0xa7: {  	v4 =	vor.u32 s31, v4;
	v6 =	vld [tilespmem:$0x1FE10]  }
0xa8: {  	v12 =	vor.u32 v20, v4;
	v9 =	vor.u32 s31, v3;
	v3 =	vld [tilespmem:$0x1FDF0]  }
0xa9: {  	v55 =	vld.idx.msk [tilespmem:v8+s15+$0x0], $0xffff;
	v8 =	vor.u32 s31, v5  }
0xaa: {  	v5 =	vld [tilespmem:$0x1FF20]  }
0xab: {  	v58 =	vld.idx.msk [tilespmem:v7+s15+$0x0], $0xffff  }
0xac: {  	v7 =	vld [tilespmem:$0x1FE20]  }
0xad: {  	v12 =	vld.idx.msk [tilespmem:v12+s18+$0x0], $0xffff;
	v10 =	vor.u32 s31, v3  }
0xae: {  	v51 =	vld.idx.msk [tilespmem:v8+s15+$0x0], $0xffff  }
0xaf: {  	v5 =	vor.u32 s31, v5;
	v8 =	vld [tilespmem:$0x1FE30]  }
0xb0: {  	v3 =	vlaneseq.u32;
	v52 =	vld.idx.msk [tilespmem:v9+s15+$0x0], $0xffff;
	v9 =	vor.u32 v20, v5  }
0xb1: {  	v14 =	vor.u32 s31, v7;
	v7 =	vld [tilespmem:$0x1FF40];
	v3 =	vor.u32 s31, v3  }
0xb2: {  	v11 =	vor.u32 v20, v3;
	v50 =	vld.idx.msk [tilespmem:v10+s15+$0x0], $0xffff  }
0xb3: {  	v10 =	vor.u32 s31, v6;
	v6 =	vld [tilespmem:$0x1FF30]  }
0xb4: {  	v16 =	vor.u32 s31, v8;
	v8 =	vld [tilespmem:$0x1FF50]  }
0xb5: {  	v18 =	vld.idx.msk [tilespmem:v9+s18+$0x0], $0xffff  }
0xb6: {  	v7 =	vor.u32 s31, v7;
	v9 =	vld [tilespmem:$0x1FE40]  }
0xb7: {  	v15 =	vor.u32 v20, v7;
	v11 =	vld.idx.msk [tilespmem:v11+s18+$0x0], $0xffff  }
0xb8: {  	v54 =	vld.idx.msk [tilespmem:v14+s15+$0x0], $0xffff  }
0xb9: {  	v53 =	vld.idx.msk [tilespmem:v10+s15+$0x0], $0xffff  }
0xba: {  	v6 =	vor.u32 s31, v6;
	v10 =	vld [tilespmem:$0x1FE50]  }
0xbb: {  	v8 =	vor.u32 s31, v8;
	v13 =	vor.u32 v20, v6;
	v21 =	vor.u32 s31, v9;
	v9 =	vld [tilespmem:$0x1FF70]  }
0xbc: {  	v12 =	vmul.f32 v12, v1;
	v15 =	vld.idx.msk [tilespmem:v15+s18+$0x0], $0xffff;
	v19 =	vor.u32 v20, v8;
	v11 =	vmul.f32 v11, v2  }
0xbd: {  	v56 =	vld.idx.msk [tilespmem:v16+s15+$0x0], $0xffff  }
0xbe: {  	v12 =	vadd.f32 v12, v11;
	v11 =	vld [tilespmem:$0x1FE60]  }
0xbf: {  	v22 =	vor.u32 s31, v10;
	v10 =	vld [tilespmem:$0x1FF80]  }
0xc0: {  	v9 =	vor.u32 s31, v9;
	v13 =	vld.idx.msk [tilespmem:v13+s18+$0x0], $0xffff  }
0xc1: {  	v18 =	vmul.f32 v18, v0;
	v19 =	vld.idx.msk [tilespmem:v19+s18+$0x0], $0xffff;
	v14 =	vor.u32 v20, v9  }
0xc2: {  	v57 =	vld.idx.msk [tilespmem:v21+s15+$0x0], $0xffff  }
0xc3: {  	v18 =	vadd.f32 v18, v12;
	v12 =	vld [tilespmem:$0x1FE70]  }
0xc4: {  	v23 =	vor.u32 s31, v11;
	v11 =	vld [tilespmem:$0x1FF60]  }
0xc5: {  	v10 =	vor.u32 s31, v10;
	v61 =	vld.idx.msk [tilespmem:v22+s15+$0x0], $0xffff;
	v13 =	vmul.f32 v13, v63  }
0xc6: {  	v16 =	vor.u32 v20, v10;
	v26 =	vld.idx.msk [tilespmem:v14+s18+$0x0], $0xffff  }
0xc7: {  	v15 =	vmul.f32 v15, v62;
	v14 =	vadd.f32 v13, v18;
	v13 =	vld [tilespmem:$0x1FE80]  }
0xc8: {  	v25 =	vor.u32 s31, v12;
	v12 =	vld [tilespmem:$0x1FF90]  }
0xc9: {  	v11 =	vor.u32 s31, v11;
	v15 =	vadd.f32 v15, v14;
	v14 =	vld [tilespmem:$0x1FE90]  }
0xca: {  	v19 =	vmul.f32 v19, v60;
	v24 =	vld.idx.msk [tilespmem:v23+s16+$0x0], $0xffff;
	v21 =	vor.u32 v20, v11  }
0xcb: {  	v16 =	vld.idx.msk [tilespmem:v16+s18+$0x0], $0xffff  }
0xcc: {  	v19 =	vadd.f32 v19, v15;
	v15 =	vld [tilespmem:$0x1FEA0];
	v18 =	vor.u32 s31, v13  }
0xcd: {  	v13 =	vld [tilespmem:$0x1FFA0]  }
0xce: {  	v27 =	vor.u32 s31, v14;
	v14 =	vld [tilespmem:$0x1FFB0]  }
0xcf: {  	v12 =	vor.u32 s31, v12;
	v21 =	vld.idx.msk [tilespmem:v21+s18+$0x0], $0xffff  }
0xd0: {  	v25 =	vld.idx.msk [tilespmem:v25+s16+$0x0], $0xffff;
	v22 =	vor.u32 v20, v12;
	v29 =	vmul.f32 v26, v58  }
0xd1: {  	v26 =	vld.idx.msk [tilespmem:v18+s16+$0x0], $0xffff  }
0xd2: {  	v13 =	vor.u32 s31, v13;
	v18 =	vadd.f32 v29, v19;
	v19 =	vmul.f32 v16, v55;
	v16 =	vld [tilespmem:$0x1FEB0]  }
0xd3: {  	v30 =	vor.u32 s31, v15;
	v15 =	vld [tilespmem:$0x1FFC0];
	v23 =	vor.u32 v20, v13  }
0xd4: {  	v14 =	vor.u32 s31, v14;
	v18 =	vadd.f32 v19, v18;
	v21 =	vmul.f32 v21, v52;
	v19 =	vld [tilespmem:$0x1FEC0]  }
0xd5: {  	v22 =	vld.idx.msk [tilespmem:v22+s18+$0x0], $0xffff;
	v28 =	vor.u32 v20, v14  }
0xd6: {  	v21 =	vadd.f32 v21, v18;
	v18 =	vld [tilespmem:$0x1FED0]  }
0xd7: {  	v33 =	vor.u32 s31, v16;
	v16 =	vld [tilespmem:$0x1FFD0]  }
0xd8: {  	v23 =	vld.idx.msk [tilespmem:v23+s18+$0x0], $0xffff  }
0xd9: {  	v34 =	vor.u32 s31, v19;
	v19 =	vld [tilespmem:$0x1FFE0]  }
0xda: {  	v15 =	vor.u32 s31, v15;
	v28 =	vld.idx.msk [tilespmem:v28+s18+$0x0], $0xffff  }
0xdb: {  	v22 =	vmul.f32 v22, v50;
	v32 =	vor.u32 v20, v15;
	v35 =	vor.u32 s31, v18;
	v18 =	vld [tilespmem:$0x1FFF0]  }
0xdc: {  	v29 =	vld.idx.msk [tilespmem:v27+s16+$0x0], $0xffff;
	v16 =	vor.u32 s31, v16  }
0xdd: {  	v31 =	vld.idx.msk [tilespmem:v30+s16+$0x0], $0xffff;
	v21 =	vadd.f32 v22, v21;
	v27 =	vor.u32 v20, v16;
	v22 =	vmul.f32 v23, v51  }
0xde: {  	v23 =	vld [tilespmem:$0x1FEE0];
	v19 =	vor.u32 s31, v19  }
0xdf: {  	v30 =	vor.u32 v20, v19;
	v21 =	vadd.f32 v22, v21;
	v22 =	vmul.f32 v28, v53;
	v28 =	vld [tilespmem:$0x1FF00]  }
0xe0: {  	v36 =	vld.idx.msk [tilespmem:v32+s18+$0x0], $0xffff;
	v18 =	vor.u32 s31, v18  }
0xe1: {  	v32 =	vld.idx.msk [tilespmem:v33+s16+$0x0], $0xffff;
	v20 =	vor.u32 v20, v18  }
0xe2: {  	v37 =	vor.u32 s31, v43;
	v27 =	vld.idx.msk [tilespmem:v27+s18+$0x0], $0xffff  }
0xe3: {  	v33 =	vld.idx.msk [tilespmem:v34+s16+$0x0], $0xffff;
	v23 =	vor.u32 s31, v23  }
0xe4: {  	v28 =	vor.u32 s31, v28;
	v38 =	vld.idx.msk [tilespmem:v30+s18+$0x0], $0xffff  }
0xe5: {  	v39 =	vor.u32 s31, v45;
	v34 =	vld.idx.msk [tilespmem:v35+s16+$0x0], $0xffff;
	v21 =	vadd.f32 v22, v21;
	v22 =	vmul.f32 v36, v54  }
0xe6: {  	v36 =	vor.u32 s31, v46;
	v20 =	vld.idx.msk [tilespmem:v20+s18+$0x0], $0xffff  }
0xe7: {  	v44 =	vor.u32 s31, v48;
	v21 =	vadd.f32 v22, v21;
	v30 =	vld.idx.msk [tilespmem:v37+s16+$0x0], $0xffff;
	v22 =	vmul.f32 v27, v56  }
0xe8: {  	v40 =	vor.u32 s31, v49;
	s1 =	simm.s32 $0x1;
	v35 =	vld.idx.msk [tilespmem:v23+s16+$0x0], $0xffff;
	v23 =	vor.u32 s31, v47  }
0xe9: {  	v41 =	vadd.s32 s1, v17;
	v27 =	vld.idx.msk [tilespmem:v28+s16+$0x0], $0xffff;
	v21 =	vadd.f32 v22, v21;
	v38 =	vmul.f32 v38, v57  }
0xea: {  	v28 =	vld.idx.msk [tilespmem:v39+s16+$0x0], $0xffff;
	v39 =	vshll.u32 v41, $0x6  }
0xeb: {  	v22 =	vld.idx.msk [tilespmem:v36+s16+$0x0], $0xffff;
	v36 =	vor.u32 v39, v3;
	v38 =	vadd.f32 v38, v21;
	v20 =	vmul.f32 v20, v61  }
0xec: {  	v41 =	vor.u32 v39, v4;
	v21 =	vld.idx.msk [tilespmem:v44+s16+$0x0], $0xffff  }
0xed: {  	v23 =	vld.idx.msk [tilespmem:v23+s16+$0x0], $0xffff;
	v43 =	vadd.f32 v20, v38  }
0xee: {  	v44 =	vor.u32 v39, v5;
	v20 =	vld.idx.msk [tilespmem:v40+s16+$0x0], $0xffff  }
0xef: {  	[tilespmem:s29+$0x0] =	vst.add.f32.msk $0xffff, v43  }
0xf0: {  	v37 =	vor.u32 v39, v6;
	v36 =	vld.idx.msk [tilespmem:v36+s18+$0x0], $0xffff  }
0xf1: {  	v40 =	vld.idx.msk [tilespmem:v41+s18+$0x0], $0xffff  }
0xf2: {  	v41 =	vor.u32 v39, v7  }
0xf3: {  	v38 =	vld.idx.msk [tilespmem:v44+s18+$0x0], $0xffff  }
0xf4: {  	v42 =	vor.u32 v39, v8  }
0xf5: {  	v37 =	vld.idx.msk [tilespmem:v37+s18+$0x0], $0xffff  }
0xf6: {  	v43 =	vor.u32 v39, v9;
	v36 =	vmul.f32 v36, v2;
	v40 =	vmul.f32 v40, v1  }
0xf7: {  	v41 =	vld.idx.msk [tilespmem:v41+s18+$0x0], $0xffff  }
0xf8: {  	v38 =	vmul.f32 v38, v0;
	v36 =	vadd.f32 v40, v36;
	v40 =	vor.u32 v39, v10  }
0xf9: {  	v42 =	vld.idx.msk [tilespmem:v42+s18+$0x0], $0xffff  }
0xfa: {  	v37 =	vmul.f32 v37, v63;
	v36 =	vadd.f32 v38, v36;
	v38 =	vor.u32 v39, v11  }
0xfb: {  	v43 =	vld.idx.msk [tilespmem:v43+s18+$0x0], $0xffff  }
0xfc: {  	v41 =	vmul.f32 v41, v62;
	v36 =	vadd.f32 v37, v36;
	v37 =	vor.u32 v39, v12  }
0xfd: {  	v40 =	vld.idx.msk [tilespmem:v40+s18+$0x0], $0xffff  }
0xfe: {  	v42 =	vmul.f32 v42, v60;
	v36 =	vadd.f32 v41, v36;
	v41 =	vor.u32 v39, v13  }
0xff: {  	v38 =	vld.idx.msk [tilespmem:v38+s18+$0x0], $0xffff  }
0x100: {  	v43 =	vmul.f32 v43, v58;
	v36 =	vadd.f32 v42, v36;
	v42 =	vor.u32 v39, v14  }
0x101: {  	v37 =	vld.idx.msk [tilespmem:v37+s18+$0x0], $0xffff  }
0x102: {  	v36 =	vadd.f32 v43, v36;
	v43 =	vor.u32 v39, v15;
	v40 =	vmul.f32 v40, v55  }
0x103: {  	v41 =	vld.idx.msk [tilespmem:v41+s18+$0x0], $0xffff  }
0x104: {  	v36 =	vadd.f32 v40, v36;
	v40 =	vor.u32 v39, v16;
	v38 =	vmul.f32 v38, v52  }
0x105: {  	v42 =	vld.idx.msk [tilespmem:v42+s18+$0x0], $0xffff  }
0x106: {  	v36 =	vadd.f32 v38, v36;
	v37 =	vmul.f32 v37, v50  }
0x107: {  	v43 =	vld.idx.msk [tilespmem:v43+s18+$0x0], $0xffff  }
0x108: {  	v36 =	vadd.f32 v37, v36;
	v44 =	vmul.f32 v41, v51  }
0x109: {  	v38 =	vor.u32 v39, v19;
	v40 =	vld.idx.msk [tilespmem:v40+s18+$0x0], $0xffff  }
0x10a: {  	v36 =	vadd.f32 v44, v36;
	v44 =	vmul.f32 v42, v53  }
0x10b: {  	v39 =	vor.u32 v39, v18  }
0x10c: {  	v36 =	vadd.f32 v44, v36;
	v43 =	vmul.f32 v43, v54;
	_ =	sdelay $0x1  }
0x10d: {  	v41 =	vld.idx.msk [tilespmem:v38+s18+$0x0], $0xffff;
	v36 =	vadd.f32 v43, v36;
	v37 =	vmul.f32 v40, v56;
	_ =	sdelay $0x1  }
0x10e: {  	v38 =	vadd.f32 v37, v36;
	v37 =	vld.idx.msk [tilespmem:v39+s18+$0x0], $0xffff;
	_ =	sdelay $0x1  }
0x10f: {  	s1 =	simm.s32 $0x2  }
0x110: {  	v44 =	vadd.s32 s1, v17;
	v39 =	vmul.f32 v41, v57  }
0x111: {  	s31 =	smov.u32 s29;
	s1 =	simm.s32 $0x3;
	v36 =	vshll.u32 v44, $0x6  }
.LBB2_5:
0x112: {  	p1 =	sne.s32 s1, $0x13;
	v40 =	vor.u32 v36, v3;
	v38 =	vadd.f32 v39, v38;
	v37 =	vmul.f32 v37, v61  }
0x113: {  	v39 =	vor.u32 v36, v4  }
0x114: {  	v37 =	vadd.f32 v37, v38  }
0x115: {  	s31 =	sadd.s32 $0x20, s31;
	v38 =	vor.u32 v36, v5  }
0x116: {  	[tilespmem:s31+$0x0] =	vst.add.f32.msk $0xffff, v37  }
0x117: {  	v37 =	vld.idx.msk [tilespmem:v40+s18+$0x0], $0xffff;
	v40 =	vor.u32 v36, v6  }
0x118: {  	v39 =	vld.idx.msk [tilespmem:v39+s18+$0x0], $0xffff  }
0x119: {  	v41 =	vor.u32 v36, v7  }
0x11a: {  	v38 =	vld.idx.msk [tilespmem:v38+s18+$0x0], $0xffff  }
0x11b: {  	v42 =	vor.u32 v36, v8  }
0x11c: {  	v40 =	vld.idx.msk [tilespmem:v40+s18+$0x0], $0xffff  }
0x11d: {  	v43 =	vor.u32 v36, v9  }
0x11e: {  	v37 =	vmul.f32 v37, v2;
	v39 =	vmul.f32 v39, v1;
	v41 =	vld.idx.msk [tilespmem:v41+s18+$0x0], $0xffff  }
0x11f: {  	v44 =	vor.u32 v36, v10  }
0x120: {  	v37 =	vadd.f32 v39, v37;
	v38 =	vmul.f32 v38, v0;
	v39 =	vld.idx.msk [tilespmem:v42+s18+$0x0], $0xffff  }
0x121: {  	v42 =	vor.u32 v36, v11  }
0x122: {  	v37 =	vadd.f32 v38, v37;
	v38 =	vmul.f32 v40, v63;
	v40 =	vld.idx.msk [tilespmem:v43+s18+$0x0], $0xffff  }
0x123: {  	v43 =	vor.u32 v36, v12  }
0x124: {  	v37 =	vadd.f32 v38, v37;
	v38 =	vmul.f32 v41, v62;
	v41 =	vld.idx.msk [tilespmem:v44+s18+$0x0], $0xffff  }
0x125: {  	v44 =	vor.u32 v36, v13  }
0x126: {  	v37 =	vadd.f32 v38, v37;
	v38 =	vmul.f32 v39, v60;
	v39 =	vld.idx.msk [tilespmem:v42+s18+$0x0], $0xffff  }
0x127: {  	v42 =	vor.u32 v36, v14  }
0x128: {  	v37 =	vadd.f32 v38, v37;
	v38 =	vmul.f32 v40, v58;
	v40 =	vld.idx.msk [tilespmem:v43+s18+$0x0], $0xffff  }
0x129: {  	v43 =	vor.u32 v36, v15  }
0x12a: {  	v37 =	vadd.f32 v38, v37;
	v38 =	vmul.f32 v41, v55;
	v41 =	vld.idx.msk [tilespmem:v44+s18+$0x0], $0xffff  }
0x12b: {  	v44 =	vor.u32 v36, v16  }
0x12c: {  	v37 =	vadd.f32 v38, v37;
	v38 =	vmul.f32 v39, v52;
	v39 =	vld.idx.msk [tilespmem:v42+s18+$0x0], $0xffff  }
0x12d: {  	v42 =	vor.u32 v36, v19  }
0x12e: {  	v37 =	vadd.f32 v38, v37;
	v38 =	vmul.f32 v40, v50;
	v40 =	vld.idx.msk [tilespmem:v43+s18+$0x0], $0xffff  }
0x12f: {  	v36 =	vor.u32 v36, v18  }
0x130: {  	v37 =	vadd.f32 v38, v37;
	v38 =	vmul.f32 v41, v51;
	v41 =	vld.idx.msk [tilespmem:v44+s18+$0x0], $0xffff;
	_ =	sdelay $0x1  }
0x131: {  	v37 =	vadd.f32 v38, v37;
	v38 =	vmul.f32 v39, v53;
	v39 =	vld.idx.msk [tilespmem:v42+s18+$0x0], $0xffff;
	_ =	sdelay $0x1  }
0x132: {  	v38 =	vadd.f32 v38, v37;
	v40 =	vmul.f32 v40, v54;
	v37 =	vld.idx.msk [tilespmem:v36+s18+$0x0], $0xffff  }
.Ltmp0:
0x133: {  	(pc) =	sbr.rel @p1 .LBB2_5-.Ltmp0, $3  }
0x134: {  	v36 =	vadd.f32 v40, v38;
	v38 =	vmul.f32 v41, v56;
	_ =	sdelay $0x1  }
0x135: {  	v40 =	vadd.s32 s1, v17;
	v38 =	vadd.f32 v38, v36;
	v39 =	vmul.f32 v39, v57  }
0x136: {  	s1 =	sadd.s32 $0x1, s1;
	v36 =	vshll.u32 v40, $0x6  }
0x137: {  	v3 =	vor.u32 v36, v3;
	v38 =	vadd.f32 v39, v38;
	v37 =	vmul.f32 v37, v61  }
0x138: {  	v4 =	vor.u32 v36, v4  }
0x139: {  	v5 =	vor.u32 v36, v5;
	v37 =	vadd.f32 v37, v38  }
0x13a: {  	s1 =	sadd.s32 $0x20, s31  }
0x13b: {  	[tilespmem:s1+$0x0] =	vst.add.f32.msk $0xffff, v37  }
0x13c: {  	v6 =	vor.u32 v36, v6;
	v3 =	vld.idx.msk [tilespmem:v3+s18+$0x0], $0xffff  }
0x13d: {  	v7 =	vor.u32 v36, v7;
	v4 =	vld.idx.msk [tilespmem:v4+s18+$0x0], $0xffff  }
0x13e: {  	v5 =	vld.idx.msk [tilespmem:v5+s18+$0x0], $0xffff  }
0x13f: {  	v8 =	vor.u32 v36, v8;
	_ =	sdelay $0x1  }
0x140: {  	v42 =	vmul.f32 v24, v2;
	v6 =	vld.idx.msk [tilespmem:v6+s18+$0x0], $0xffff  }
0x141: {  	v9 =	vor.u32 v36, v9;
	v7 =	vld.idx.msk [tilespmem:v7+s18+$0x0], $0xffff;
	v3 =	vmul.f32 v3, v2;
	v4 =	vmul.f32 v4, v1  }
0x142: {  	v10 =	vor.u32 v36, v10;
	v43 =	vmul.f32 v5, v0  }
0x143: {  	v44 =	vld.idx.msk [tilespmem:v8+s18+$0x0], $0xffff;
	v2 =	vadd.f32 v42, v59;
	v59 =	vmul.f32 v25, v1;
	v3 =	vadd.f32 v4, v3  }
0x144: {  	v24 =	vor.u32 v36, v11;
	v38 =	vmul.f32 v26, v0  }
0x145: {  	v25 =	vmul.f32 v6, v63;
	v1 =	vadd.f32 v59, v2;
	v3 =	vadd.f32 v43, v3  }
0x146: {  	v39 =	vor.u32 v36, v12;
	v37 =	vld.idx.msk [tilespmem:v9+s18+$0x0], $0xffff;
	v40 =	vmul.f32 v7, v62  }
0x147: {  	v41 =	vld.idx.msk [tilespmem:v10+s18+$0x0], $0xffff;
	v42 =	vmul.f32 v29, v63;
	v0 =	vadd.f32 v38, v1;
	v3 =	vadd.f32 v25, v3  }
0x148: {  	v44 =	vmul.f32 v44, v60;
	v62 =	vmul.f32 v31, v62  }
0x149: {  	v43 =	vor.u32 v36, v13;
	v0 =	vadd.f32 v42, v0;
	v3 =	vadd.f32 v40, v3  }
0x14a: {  	v12 =	vmul.f32 v32, v60;
	v63 =	vor.u32 v36, v14;
	v59 =	vld.idx.msk [tilespmem:v24+s18+$0x0], $0xffff  }
0x14b: {  	v11 =	vmul.f32 v37, v58;
	v0 =	vadd.f32 v62, v0;
	v3 =	vadd.f32 v44, v3  }
0x14c: {  	v14 =	vmul.f32 v41, v55;
	v2 =	vld.idx.msk [tilespmem:v39+s18+$0x0], $0xffff;
	v13 =	vor.u32 v36, v15  }
0x14d: {  	v25 =	vmul.f32 v33, v58;
	v0 =	vadd.f32 v12, v0;
	v3 =	vadd.f32 v11, v3  }
0x14e: {  	v32 =	vmul.f32 v34, v55;
	v26 =	vor.u32 v36, v16;
	v24 =	vld.idx.msk [tilespmem:v43+s18+$0x0], $0xffff  }
0x14f: {  	v31 =	vld.idx.msk [tilespmem:v63+s18+$0x0], $0xffff;
	v29 =	vmul.f32 v59, v52;
	v0 =	vadd.f32 v25, v0;
	v3 =	vadd.f32 v14, v3  }
0x150: {  	v37 =	vmul.f32 v35, v52;
	v33 =	vor.u32 v36, v19  }
0x151: {  	v2 =	vmul.f32 v2, v50;
	v34 =	vld.idx.msk [tilespmem:v13+s18+$0x0], $0xffff;
	v0 =	vadd.f32 v32, v0;
	v3 =	vadd.f32 v29, v3  }
0x152: {  	v41 =	vmul.f32 v30, v50;
	v39 =	vor.u32 v36, v18  }
0x153: {  	v38 =	vmul.f32 v24, v51;
	v0 =	vadd.f32 v37, v0;
	v2 =	vadd.f32 v2, v3  }
0x154: {  	v40 =	vld.idx.msk [tilespmem:v26+s18+$0x0], $0xffff;
	v42 =	vmul.f32 v31, v53  }
0x155: {  	v44 =	vmul.f32 v27, v51;
	v0 =	vadd.f32 v41, v0;
	v2 =	vadd.f32 v38, v2  }
0x156: {  	v43 =	vld.idx.msk [tilespmem:v33+s18+$0x0], $0xffff;
	v50 =	vmul.f32 v34, v54  }
0x157: {  	v51 =	vmul.f32 v28, v53;
	v0 =	vadd.f32 v44, v0;
	v2 =	vadd.f32 v42, v2  }
0x158: {  	v55 =	vmul.f32 v22, v54;
	v52 =	vld.idx.msk [tilespmem:v39+s18+$0x0], $0xffff  }
0x159: {  	v53 =	vmul.f32 v40, v56;
	v0 =	vadd.f32 v51, v0;
	v2 =	vadd.f32 v50, v2  }
0x15a: {  	v59 =	vmul.f32 v23, v56  }
0x15b: {  	s30 =	sadd.s32 $0x1, s30;
	v58 =	vmul.f32 v43, v57;
	v0 =	vadd.f32 v55, v0;
	v2 =	vadd.f32 v53, v2  }
0x15c: {  	p1 =	sne.s32 s30, $0x4;
	v62 =	vmul.f32 v21, v57  }
.Ltmp1:
0x15d: {  	v60 =	vmul.f32 v52, v61;
	v0 =	vadd.f32 v59, v0;
	v2 =	vadd.f32 v58, v2;
	(pc) =	sbr.rel @p1 .LBB2_4-.Ltmp1, $4  }
0x15e: {  	_ = 	snop  }
0x15f: {  	v63 =	vmul.f32 v20, v61;
	v0 =	vadd.f32 v62, v0;
	v2 =	vadd.f32 v60, v2  }
0x160: {  	s1 =	sadd.s32 $0x20, s1  }
0x161: {  	v59 =	vadd.f32 v63, v0;
	[tilespmem:s1+$0x0] =	vst.add.f32.msk $0xffff, v2  }
.Ltmp2:
0x162: {  	(pc) =	sbr.rel @p0 .LBB2_3-.Ltmp2, $3  }
0x163: {  	_ = 	snop  }
0x164: {  	v0 =	vsub.f32 $0.0e+00, v59;
	_ =	sdelay $0x1  }
0x165: {  	p1 =	por $0x0, $0x0;
	[tilespmem:s28+$0xE400] =	vst v0;
	s28 =	simm.s32 $0x10  }
0x166: {  	s1 =	smul.u32 $0x2A0, s26;
	_ =	sdelay $0x1  }
0x167: {  	s26 =	sadd.s32 $0x1, s26;
	s1 =	sadd.s32 s9, s1  }
0x168: {  	p0 =	sne.s32 s26, $0x10;
	s1 =	sshrl.u32 s1, $0x3  }
.Ltmp3:
0x169: {  	s1 =	sadd.s32 s5, s1;
	(pc) =	sbr.rel @p0 .LBB2_2-.Ltmp3, $4  }
0x16a: {  	[hbm4b:s1+s2] =	stream.linear.scatter [tilespmem:s24], [sflag:$0x2], $0x2A0, $0x38;
	[tilespmem:$0xE6A0] =	vst v63  }
0x16b: {  	_ =	swait.ge [sflag:s11], $0x2A0  }
0x16c: {  	[sflag:s11] =	ssyncset.done $0x0  }
0x16d: {  	[sflag:s11] =	ssyncadd.s32 $0xFFFFFD60  }
0x16e: {  	s25 =	sadd.s32 $0x1, s25  }
0x16f: {  	p0 =	sne.s32 s25, s10  }
.Ltmp4:
0x170: {  	_ = 	snop;
	(pc) =	sbr.rel @p0 .LBB2_1-.Ltmp4, $1  }
0x171: {  	_ =	sdelay $0x3  }
0x172: {  	_ =	sfence.sel $0x180000  }
0x173: {  	[bflag:$0x0] =	sbarrier.arrive $0xFFFF  }
0x174: {  	_ =	strace $0x9000004A  }
0x175: {  	[bflag:$0x2] =	sbarrier.arrive $0xFFFF  }
0x176: {  	p0 =	sne.s32 s0, $0x0;
	s0 =	rddreg [dreg:$0x3]  }
0x177: {  	s0 =	sadd.s32 @!p0 $0x100000, s0  }
0x178: {  	[sflag:s0] =	ssyncadd.tile.s32 @!p0 $0x1;
	_ =	shalt  }
.Lfunc_end2:
_tile_overlayer_lowered:
.L_overlay_start_2:
0x179: {  	(tag) =	ssettag $0x2  }
0x17a: {  	s0 =	rddreg [dreg:$0x0];
	s2 =	stileid.u32  }
0x17b: {  	s1 =	rddreg [dreg:$0x1];
	p0 =	sne.s32 s2, $0x0  }
0x17c: {  	s3 =	rddreg [dreg:$0x2];
	[bflag:$0x3] =	sbarrier.arrive $0xFFFF;
	s2 =	simm.s32 @!p0 $0x1C02  }
0x17d: {  	[timem:s3], [sflag:s2] =	dma.local @!p0 [hbm:s0], s1  }
0x17e: {  	s0 =	simm.s32 @!p0 $0x2  }
0x17f: {  	_ =	swait.ge @!p0 [sflag:s0], s1  }
0x180: {  	s1 =	ssub.s32 @!p0 $0x0, s1;
	[sflag:s0] =	ssyncset.done @!p0 $0x0  }
0x181: {  	[sflag:s0] =	ssyncadd.s32 @!p0 s1  }
0x182: {  	[bflag:$0x3] =	sbarrier.arrive $0xFFFF  }
0x183: {  	_ =	shalt  }

</sc_bundles>
